<compile_context>
chip_gen: v7x
topology: tpu7x:2x2x1
jax: 0.10.2.dev20260603
libtpu: 0.0.44.dev20260713+nightly
codegen_flags: <defaults>
</compile_context>

<pallas_src>
import functools

import jax
import jax.numpy as jnp
from jax import lax
from jax.experimental import pallas as pl
from jax.experimental.pallas import tpu as pltpu
from jax.experimental.pallas import tpu_sc as plsc

V = 8192
N = 16 * 512
NC = 2
NS = 16
NW = NC * NS
TPW = N // NW
CH = 2
NB = 4
PF = 2
NCH = TPW // CH
UNROLL = 16


def _gather_body(table_h, x_h, tgt_h, logits_h, gold_h, s_h,
                 idx_v, tgt_v, acc_v, s_v, *rest):
    bufs = list(rest[:NB])
    isems = list(rest[NB:2 * NB])
    osems = list(rest[2 * NB:])

    wid = lax.axis_index("s") * NC + lax.axis_index("c")
    base = wid * TPW

    pltpu.sync_copy(x_h.at[wid], idx_v)
    pltpu.sync_copy(tgt_h.at[wid], tgt_v.at[pl.ds(0, TPW)])
    acc_v[...] = jnp.zeros((16,), jnp.float32)

    lane = lax.iota(jnp.int32, 16)
    mask = lane < CH
    row_ids = jnp.where(mask, lane, 0)

    def chunk_start(c, b):
        pltpu.async_copy(table_h.at[idx_v.at[c]], bufs[b], isems[b])

    def in_wait(b):
        pltpu.make_async_copy(table_h.at[pl.ds(0, CH)], bufs[b],
                              isems[b]).wait()

    def out_start(c, b):
        pltpu.async_copy(bufs[b], logits_h.at[pl.ds(base + c * CH, CH)],
                         osems[b])

    def out_wait(b):
        pltpu.make_async_copy(bufs[b], logits_h.at[pl.ds(0, CH)],
                              osems[b]).wait()

    for i in range(PF):
        chunk_start(i, i)

    def loop_body(j, _):
        for b in range(NB):
            c = j * NB + b
            in_wait(b)
            out_start(c, b)

            bp = (b + PF) % NB
            p = c + PF

            @pl.when(p < NCH)
            def _():
                @pl.when(c >= NB - PF)
                def _():
                    out_wait(bp)
                chunk_start(p, bp)

            col_raw = plsc.load_gather(tgt_v, [c * CH + lane])
            col_ids = jnp.where(mask, col_raw, 0)
            g = plsc.load_gather(bufs[b], [row_ids, col_ids])
            acc_v[...] = acc_v[...] + jnp.where(mask, g, jnp.float32(0))

            for r in range(CH):
                t = c * CH + r

                def inner(k, acc, _b=b, _r=r):
                    for u in range(UNROLL):
                        vals = bufs[_b][_r, pl.ds(k * (UNROLL * 16) + u * 16,
                                                  16)]
                        acc = acc + jnp.exp(vals)
                    return acc

                acc = lax.fori_loop(0, V // (UNROLL * 16), inner,
                                    jnp.zeros((16,), jnp.float32))
                plsc.store_scatter(s_v, [t * 16 + lane], acc)
        return 0

    lax.fori_loop(0, NCH // NB, loop_body, 0)
    for b in range(NB):
        out_wait(b)
    pltpu.sync_copy(acc_v, gold_h.at[wid])
    pltpu.sync_copy(s_v, s_h.at[wid])


def _gather_sc(table, x3, t2):
    mesh = plsc.VectorSubcoreMesh(core_axis_name="c", subcore_axis_name="s",
                                  num_cores=NC, num_subcores=NS)
    f = pl.kernel(
        _gather_body,
        out_type=(jax.ShapeDtypeStruct((N, V), jnp.float32),
                  jax.ShapeDtypeStruct((NW, 16), jnp.float32),
                  jax.ShapeDtypeStruct((NW, TPW * 16), jnp.float32)),
        mesh=mesh,
        scratch_types=[
            pltpu.VMEM((NCH, CH), jnp.int32),
            pltpu.VMEM((TPW + 16,), jnp.int32),
            pltpu.VMEM((16,), jnp.float32),
            pltpu.VMEM((TPW * 16,), jnp.float32),
        ] + [pltpu.VMEM((CH, V), jnp.float32)] * NB
          + [pltpu.SemaphoreType.DMA] * (2 * NB),
        compiler_params=pltpu.CompilerParams(needs_layout_passes=False),
    )
    return f(table, x3, t2)


def _finish_body(s_ref, gold_ref, out_ref):
    s = jnp.sum(s_ref[...], axis=1)
    tot = jnp.sum(jnp.log(s)) - jnp.sum(gold_ref[...])
    out_ref[...] = lax.broadcast(tot / jnp.float32(N), (1, 1))


def _finish_tc(s2, gold_part):
    return pl.pallas_call(
        _finish_body,
        out_shape=jax.ShapeDtypeStruct((1, 1), jnp.float32),
    )(s2, gold_part)


def kernel(table, x, targets):
    Bv, Tv = x.shape
    x = x.astype(jnp.int32)
    targets = targets.astype(jnp.int32)
    logits_flat, gold_part, s2 = _gather_sc(
        table, x.reshape(NW, NCH, CH), targets.reshape(NW, TPW))
    loss = _finish_tc(s2.reshape(N, 16), gold_part)[0, 0]
    return logits_flat.reshape(Bv, Tv, V), loss

# --- scband reference (transcript-rebuilt; emitter-appended) ---
"""Pipeline reference for scband-bigram-model-54795192762854 (READ-ONLY COPY).

The authoritative reference and input builder live on the scoring server;
editing this copy changes nothing except your own understanding.
"""

import jax, jax.numpy as jnp
import numpy as np

VOCAB = 8192
B = 16
T = 512


def setup_inputs(seed: int = 0) -> dict:
    key = jax.random.key(seed)
    k1, k2, k3 = jax.random.split(key, 3)
    x = jax.random.randint(k1, (B, T), 0, VOCAB, dtype=jnp.int64) if jax.config.jax_enable_x64 else jax.random.randint(k1, (B, T), 0, VOCAB)
    targets = jax.random.randint(k2, (B, T), 0, VOCAB)
    table = jax.random.normal(k3, (VOCAB, VOCAB), dtype=jnp.float32) * 0.02
    return {"table": table, "x": x, "targets": targets}


def reference(table, x, targets):
    # logits = embedding lookup: row i of table is the bigram logit distribution for token i
    logits = jnp.take(table, x, axis=0)  # [B, T, C]
    Bv, Tv, C = logits.shape
    flat = logits.reshape(Bv * Tv, C)
    tflat = targets.reshape(Bv * Tv)
    # cross_entropy(flat, tflat) with mean reduction
    lse = jax.nn.logsumexp(flat, axis=-1)
    gold = jnp.take_along_axis(flat, tflat[:, None], axis=-1)[:, 0]
    loss = jnp.mean(lse - gold)
    return (logits, loss)

if __name__ == "__main__":
    import jax
    _d = setup_inputs()
    print(jax.jit(kernel)(*tuple(_d.values())))

</pallas_src>

<mosaic_0001>
#map = affine_map<(d0, d1) -> (0, 0)>
#map1 = affine_map<(d0, d1) -> (0, 0, 0)>
module attributes {stable_mosaic.version = 14 : i64} {
  func.func @_gather_body(%arg0: i32, %arg1: i32, %arg2: memref<8192x8192xf32, #tpu.memory_space<hbm>>, %arg3: memref<32x128x2xi32, #tpu.memory_space<hbm>>, %arg4: memref<32x256xi32, #tpu.memory_space<hbm>>, %arg5: memref<8192x8192xf32, #tpu.memory_space<hbm>>, %arg6: memref<32x16xf32, #tpu.memory_space<hbm>>, %arg7: memref<32x4096xf32, #tpu.memory_space<hbm>>, %arg8: memref<128x2xi32, #tpu.memory_space<vmem>>, %arg9: memref<272xi32, #tpu.memory_space<vmem>>, %arg10: memref<16xf32, #tpu.memory_space<vmem>>, %arg11: memref<4096xf32, #tpu.memory_space<vmem>>, %arg12: memref<2x8192xf32, #tpu.memory_space<vmem>>, %arg13: memref<2x8192xf32, #tpu.memory_space<vmem>>, %arg14: memref<2x8192xf32, #tpu.memory_space<vmem>>, %arg15: memref<2x8192xf32, #tpu.memory_space<vmem>>, %arg16: memref<!tpu.dma_semaphore, #tpu.memory_space<semaphore_mem>>, %arg17: memref<!tpu.dma_semaphore, #tpu.memory_space<semaphore_mem>>, %arg18: memref<!tpu.dma_semaphore, #tpu.memory_space<semaphore_mem>>, %arg19: memref<!tpu.dma_semaphore, #tpu.memory_space<semaphore_mem>>, %arg20: memref<!tpu.dma_semaphore, #tpu.memory_space<semaphore_mem>>, %arg21: memref<!tpu.dma_semaphore, #tpu.memory_space<semaphore_mem>>, %arg22: memref<!tpu.dma_semaphore, #tpu.memory_space<semaphore_mem>>, %arg23: memref<!tpu.dma_semaphore, #tpu.memory_space<semaphore_mem>>) attributes {dimension_semantics = [#tpu.dimension_semantics<core_parallel>, #tpu.dimension_semantics<subcore_parallel>], iteration_bounds = array<i64: 2, 16>, scalar_prefetch = 0 : i64, scratch_operands = 16 : i64, tpu.core_type = #tpu.core_type<sc_vector_subcore>, window_params = [{transform_indices = #map}, {transform_indices = #map1}, {transform_indices = #map}, {transform_indices = #map}, {transform_indices = #map}, {transform_indices = #map}]} {
    %mul3A = arith.constant 2 : i32
    %mul3A_0 = arith.muli %arg1, %mul3A : i32
    %add3A = arith.addi %mul3A_0, %arg0 : i32
    %mul3A_1 = arith.constant 256 : i32
    %mul3A_2 = arith.muli %add3A, %mul3A_1 : i32
    "tpu.region"() ({
      %run_scoped3A = tpu.sem_alloc : memref<!tpu.dma_semaphore, #tpu.memory_space<semaphore_mem>>
      %dma_start3A_50 = arith.constant 0 : i32
      %dma_start3A_51 = arith.constant 0 : i32
      %dma_start3A_52 = tpu.memref_slice %arg3[%add3A, %dma_start3A_50, %dma_start3A_51] : memref<32x128x2xi32, #tpu.memory_space<hbm>> -> memref<1x128x2xi32, #tpu.memory_space<hbm>>
      %dma_start3A_53 = tpu.memref_squeeze %dma_start3A_52 : memref<1x128x2xi32, #tpu.memory_space<hbm>> -> memref<128x2xi32, #tpu.memory_space<hbm>>
      %dma_start3A_54 = arith.constant 0 : i32
      %dma_start3A_55 = arith.constant 0 : i32
      %dma_start3A_56 = tpu.memref_slice %arg3[%add3A, %dma_start3A_54, %dma_start3A_55] : memref<32x128x2xi32, #tpu.memory_space<hbm>> -> memref<1x128x2xi32, #tpu.memory_space<hbm>>
      %dma_start3A_57 = tpu.memref_squeeze %dma_start3A_56 : memref<1x128x2xi32, #tpu.memory_space<hbm>> -> memref<128x2xi32, #tpu.memory_space<hbm>>
      tpu.enqueue_dma source(%dma_start3A_57 : memref<128x2xi32, #tpu.memory_space<hbm>>) target(%arg8 : memref<128x2xi32, #tpu.memory_space<vmem>>) target_semaphore(%run_scoped3A : memref<!tpu.dma_semaphore, #tpu.memory_space<semaphore_mem>>)
      %dma_wait3A_58 = arith.constant 0 : i32
      %dma_wait3A_59 = arith.constant 0 : i32
      %dma_wait3A_60 = tpu.memref_slice %arg3[%add3A, %dma_wait3A_58, %dma_wait3A_59] : memref<32x128x2xi32, #tpu.memory_space<hbm>> -> memref<1x128x2xi32, #tpu.memory_space<hbm>>
      %dma_wait3A_61 = tpu.memref_squeeze %dma_wait3A_60 : memref<1x128x2xi32, #tpu.memory_space<hbm>> -> memref<128x2xi32, #tpu.memory_space<hbm>>
      %dma_wait3A_62 = arith.constant 0 : i32
      %dma_wait3A_63 = arith.constant 0 : i32
      %dma_wait3A_64 = tpu.memref_slice %arg3[%add3A, %dma_wait3A_62, %dma_wait3A_63] : memref<32x128x2xi32, #tpu.memory_space<hbm>> -> memref<1x128x2xi32, #tpu.memory_space<hbm>>
      %dma_wait3A_65 = tpu.memref_squeeze %dma_wait3A_64 : memref<1x128x2xi32, #tpu.memory_space<hbm>> -> memref<128x2xi32, #tpu.memory_space<hbm>>
      tpu.wait_dma2 semaphore(%run_scoped3A : memref<!tpu.dma_semaphore, #tpu.memory_space<semaphore_mem>>) src(%dma_wait3A_65 : memref<128x2xi32, #tpu.memory_space<hbm>>) dst(%arg8 : memref<128x2xi32, #tpu.memory_space<vmem>>)
      tpu.yield
    }) : () -> ()
    "tpu.region"() ({
      %run_scoped3A = tpu.sem_alloc : memref<!tpu.dma_semaphore, #tpu.memory_space<semaphore_mem>>
      %dma_start3A_50 = arith.constant 0 : i32
      %dma_start3A_51 = tpu.memref_slice %arg9[%dma_start3A_50] : memref<272xi32, #tpu.memory_space<vmem>> -> memref<256xi32, #tpu.memory_space<vmem>>
      %dma_start3A_52 = arith.constant 0 : i32
      %dma_start3A_53 = tpu.memref_slice %arg4[%add3A, %dma_start3A_52] : memref<32x256xi32, #tpu.memory_space<hbm>> -> memref<1x256xi32, #tpu.memory_space<hbm>>
      %dma_start3A_54 = tpu.memref_squeeze %dma_start3A_53 : memref<1x256xi32, #tpu.memory_space<hbm>> -> memref<256xi32, #tpu.memory_space<hbm>>
      %dma_start3A_55 = arith.constant 0 : i32
      %dma_start3A_56 = tpu.memref_slice %arg9[%dma_start3A_55] : memref<272xi32, #tpu.memory_space<vmem>> -> memref<256xi32, #tpu.memory_space<vmem>>
      %dma_start3A_57 = arith.constant 0 : i32
      %dma_start3A_58 = tpu.memref_slice %arg4[%add3A, %dma_start3A_57] : memref<32x256xi32, #tpu.memory_space<hbm>> -> memref<1x256xi32, #tpu.memory_space<hbm>>
      %dma_start3A_59 = tpu.memref_squeeze %dma_start3A_58 : memref<1x256xi32, #tpu.memory_space<hbm>> -> memref<256xi32, #tpu.memory_space<hbm>>
      tpu.enqueue_dma source(%dma_start3A_59 : memref<256xi32, #tpu.memory_space<hbm>>) target(%dma_start3A_56 : memref<256xi32, #tpu.memory_space<vmem>>) target_semaphore(%run_scoped3A : memref<!tpu.dma_semaphore, #tpu.memory_space<semaphore_mem>>)
      %dma_wait3A_60 = arith.constant 0 : i32
      %dma_wait3A_61 = tpu.memref_slice %arg9[%dma_wait3A_60] : memref<272xi32, #tpu.memory_space<vmem>> -> memref<256xi32, #tpu.memory_space<vmem>>
      %dma_wait3A_62 = arith.constant 0 : i32
      %dma_wait3A_63 = tpu.memref_slice %arg4[%add3A, %dma_wait3A_62] : memref<32x256xi32, #tpu.memory_space<hbm>> -> memref<1x256xi32, #tpu.memory_space<hbm>>
      %dma_wait3A_64 = tpu.memref_squeeze %dma_wait3A_63 : memref<1x256xi32, #tpu.memory_space<hbm>> -> memref<256xi32, #tpu.memory_space<hbm>>
      %dma_wait3A_65 = arith.constant 0 : i32
      %dma_wait3A_66 = tpu.memref_slice %arg9[%dma_wait3A_65] : memref<272xi32, #tpu.memory_space<vmem>> -> memref<256xi32, #tpu.memory_space<vmem>>
      %dma_wait3A_67 = arith.constant 0 : i32
      %dma_wait3A_68 = tpu.memref_slice %arg4[%add3A, %dma_wait3A_67] : memref<32x256xi32, #tpu.memory_space<hbm>> -> memref<1x256xi32, #tpu.memory_space<hbm>>
      %dma_wait3A_69 = tpu.memref_squeeze %dma_wait3A_68 : memref<1x256xi32, #tpu.memory_space<hbm>> -> memref<256xi32, #tpu.memory_space<hbm>>
      tpu.wait_dma2 semaphore(%run_scoped3A : memref<!tpu.dma_semaphore, #tpu.memory_space<semaphore_mem>>) src(%dma_wait3A_69 : memref<256xi32, #tpu.memory_space<hbm>>) dst(%dma_wait3A_66 : memref<256xi32, #tpu.memory_space<vmem>>)
      tpu.yield
    }) : () -> ()
    %broadcast_in_dim3A = arith.constant 0.000000e+00 : f32
    %broadcast_in_dim3A_3 = vector.broadcast %broadcast_in_dim3A : f32 to vector<16xf32>
    %swap3A = arith.constant 0 : index
    %swap3A_4 = tpu.vector_load %arg10[%swap3A] {strides = array<i32>} : memref<16xf32, #tpu.memory_space<vmem>>, vector<16xf32>,
    tpu.vector_store %arg10[%swap3A], %broadcast_in_dim3A_3 {strides = array<i32>} : memref<16xf32, #tpu.memory_space<vmem>>, vector<16xf32>,
    %iota3A = tpu.iota {dimensions = array<i32: 0>} : vector<16xi32>
    %lt3A = arith.constant 2 : i32
    %lt3A_5 = vector.broadcast %lt3A : i32 to vector<16xi32>
    %lt3A_6 = arith.cmpi slt, %iota3A, %lt3A_5 : vector<16xi32>
    %jit3A = arith.constant 0 : i32
    %broadcast_in_dim3A_7 = vector.broadcast %jit3A : i32 to vector<16xi32>
    %select_n3A = arith.select %lt3A_6, %iota3A, %broadcast_in_dim3A_7 : vector<16xi1>, vector<16xi32>
    %dma_start3A = arith.constant 0 : i32
    %dma_start3A_8 = arith.constant 0 : i32
    %dma_start3A_9 = tpu.memref_slice %arg8[%dma_start3A, %dma_start3A_8] : memref<128x2xi32, #tpu.memory_space<vmem>> -> memref<1x2xi32, #tpu.memory_space<vmem>>
    %dma_start3A_10 = tpu.memref_squeeze %dma_start3A_9 : memref<1x2xi32, #tpu.memory_space<vmem>> -> memref<2xi32, #tpu.memory_space<vmem>>
    %dma_start3A_11 = arith.constant 0 : i32
    %dma_start3A_12 = arith.constant 0 : i32
    %dma_start3A_13 = tpu.memref_slice %arg2[%dma_start3A_11, %dma_start3A_12] : memref<8192x8192xf32, #tpu.memory_space<hbm>> -> memref<8192x8192xf32, #tpu.memory_space<hbm>>
    tpu.enqueue_indirect_dma source(%dma_start3A_13 : memref<8192x8192xf32, #tpu.memory_space<hbm>>) target(%arg12 : memref<2x8192xf32, #tpu.memory_space<vmem>>) offsets(%dma_start3A_10 : memref<2xi32, #tpu.memory_space<vmem>>) semaphore(%arg16 : memref<!tpu.dma_semaphore, #tpu.memory_space<semaphore_mem>>)
    %dma_start3A_14 = arith.constant 1 : i32
    %dma_start3A_15 = arith.constant 0 : i32
    %dma_start3A_16 = tpu.memref_slice %arg8[%dma_start3A_14, %dma_start3A_15] : memref<128x2xi32, #tpu.memory_space<vmem>> -> memref<1x2xi32, #tpu.memory_space<vmem>>
    %dma_start3A_17 = tpu.memref_squeeze %dma_start3A_16 : memref<1x2xi32, #tpu.memory_space<vmem>> -> memref<2xi32, #tpu.memory_space<vmem>>
    %dma_start3A_18 = arith.constant 0 : i32
    %dma_start3A_19 = arith.constant 0 : i32
    %dma_start3A_20 = tpu.memref_slice %arg2[%dma_start3A_18, %dma_start3A_19] : memref<8192x8192xf32, #tpu.memory_space<hbm>> -> memref<8192x8192xf32, #tpu.memory_space<hbm>>
    tpu.enqueue_indirect_dma source(%dma_start3A_20 : memref<8192x8192xf32, #tpu.memory_space<hbm>>) target(%arg13 : memref<2x8192xf32, #tpu.memory_space<vmem>>) offsets(%dma_start3A_17 : memref<2xi32, #tpu.memory_space<vmem>>) semaphore(%arg17 : memref<!tpu.dma_semaphore, #tpu.memory_space<semaphore_mem>>)
    %scan3A = arith.constant 0 : i32
    %scan3A_21 = arith.constant 0 : i32
    %scan3A_22 = arith.constant 32 : i32
    %scan3A_23 = arith.addi %scan3A_21, %scan3A_22 : i32
    %scan3A_24 = arith.constant 1 : i32
    %scan3A_25 = scf.for %scan3A_50 = %scan3A_21 to %scan3A_23 step %scan3A_24 iter_args(%scan3A_51 = %scan3A) -> (i32)  : i32 {
      %mul3A_52 = arith.constant 4 : i32
      %mul3A_53 = arith.muli %scan3A_50, %mul3A_52 : i32
      %add3A_54 = arith.constant 0 : i32
      %add3A_55 = arith.addi %mul3A_53, %add3A_54 : i32
      %dma_wait3A_56 = arith.constant 0 : i32
      %dma_wait3A_57 = arith.constant 0 : i32
      %dma_wait3A_58 = tpu.memref_slice %arg2[%dma_wait3A_56, %dma_wait3A_57] : memref<8192x8192xf32, #tpu.memory_space<hbm>> -> memref<2x8192xf32, #tpu.memory_space<hbm>>
      %dma_wait3A_59 = arith.constant 0 : i32
      %dma_wait3A_60 = arith.constant 0 : i32
      %dma_wait3A_61 = tpu.memref_slice %arg2[%dma_wait3A_59, %dma_wait3A_60] : memref<8192x8192xf32, #tpu.memory_space<hbm>> -> memref<2x8192xf32, #tpu.memory_space<hbm>>
      tpu.wait_dma2 semaphore(%arg16 : memref<!tpu.dma_semaphore, #tpu.memory_space<semaphore_mem>>) src(%dma_wait3A_61 : memref<2x8192xf32, #tpu.memory_space<hbm>>) dst(%arg12 : memref<2x8192xf32, #tpu.memory_space<vmem>>)
      %mul3A_62 = arith.constant 2 : i32
      %mul3A_63 = arith.muli %add3A_55, %mul3A_62 : i32
      %add3A_64 = arith.addi %mul3A_2, %mul3A_63 : i32
      %dma_start3A_65 = arith.constant 0 : i32
      %dma_start3A_66 = tpu.memref_slice %arg5[%add3A_64, %dma_start3A_65] : memref<8192x8192xf32, #tpu.memory_space<hbm>> -> memref<2x8192xf32, #tpu.memory_space<hbm>>
      %dma_start3A_67 = arith.constant 0 : i32
      %dma_start3A_68 = tpu.memref_slice %arg5[%add3A_64, %dma_start3A_67] : memref<8192x8192xf32, #tpu.memory_space<hbm>> -> memref<2x8192xf32, #tpu.memory_space<hbm>>
      tpu.enqueue_dma source(%arg12 : memref<2x8192xf32, #tpu.memory_space<vmem>>) target(%dma_start3A_68 : memref<2x8192xf32, #tpu.memory_space<hbm>>) target_semaphore(%arg20 : memref<!tpu.dma_semaphore, #tpu.memory_space<semaphore_mem>>)
      %add3A_69 = arith.constant 2 : i32
      %add3A_70 = arith.addi %add3A_55, %add3A_69 : i32
      %lt3A_71 = arith.constant 128 : i32
      %lt3A_72 = arith.cmpi slt, %add3A_70, %lt3A_71 : i32
      %convert_element_type3A = arith.extui %lt3A_72 : i1 to i32
      %cond3A = arith.constant 0 : i32
      %cond3A_73 = arith.cmpi ne, %convert_element_type3A, %cond3A : i32
      scf.if %cond3A_73 {
        %ge3A = arith.constant 2 : i32
        %ge3A_341 = arith.cmpi sge, %add3A_55, %ge3A : i32
        %convert_element_type3A_342 = arith.extui %ge3A_341 : i1 to i32
        %cond3A_343 = arith.constant 0 : i32
        %cond3A_344 = arith.cmpi ne, %convert_element_type3A_342, %cond3A_343 : i32
        scf.if %cond3A_344 {
          %dma_wait3A_351 = arith.constant 0 : i32
          %dma_wait3A_352 = arith.constant 0 : i32
          %dma_wait3A_353 = tpu.memref_slice %arg5[%dma_wait3A_351, %dma_wait3A_352] : memref<8192x8192xf32, #tpu.memory_space<hbm>> -> memref<2x8192xf32, #tpu.memory_space<hbm>>
          %dma_wait3A_354 = arith.constant 0 : i32
          %dma_wait3A_355 = arith.constant 0 : i32
          %dma_wait3A_356 = tpu.memref_slice %arg5[%dma_wait3A_354, %dma_wait3A_355] : memref<8192x8192xf32, #tpu.memory_space<hbm>> -> memref<2x8192xf32, #tpu.memory_space<hbm>>
          tpu.wait_dma2 semaphore(%arg22 : memref<!tpu.dma_semaphore, #tpu.memory_space<semaphore_mem>>) src(%arg14 : memref<2x8192xf32, #tpu.memory_space<vmem>>) dst(%dma_wait3A_356 : memref<2x8192xf32, #tpu.memory_space<hbm>>)
        } else {
        }
        %dma_start3A_345 = arith.constant 0 : i32
        %dma_start3A_346 = tpu.memref_slice %arg8[%add3A_70, %dma_start3A_345] : memref<128x2xi32, #tpu.memory_space<vmem>> -> memref<1x2xi32, #tpu.memory_space<vmem>>
        %dma_start3A_347 = tpu.memref_squeeze %dma_start3A_346 : memref<1x2xi32, #tpu.memory_space<vmem>> -> memref<2xi32, #tpu.memory_space<vmem>>
        %dma_start3A_348 = arith.constant 0 : i32
        %dma_start3A_349 = arith.constant 0 : i32
        %dma_start3A_350 = tpu.memref_slice %arg2[%dma_start3A_348, %dma_start3A_349] : memref<8192x8192xf32, #tpu.memory_space<hbm>> -> memref<8192x8192xf32, #tpu.memory_space<hbm>>
        tpu.enqueue_indirect_dma source(%dma_start3A_350 : memref<8192x8192xf32, #tpu.memory_space<hbm>>) target(%arg14 : memref<2x8192xf32, #tpu.memory_space<vmem>>) offsets(%dma_start3A_347 : memref<2xi32, #tpu.memory_space<vmem>>) semaphore(%arg18 : memref<!tpu.dma_semaphore, #tpu.memory_space<semaphore_mem>>)
      } else {
      }
      %mul3A_74 = arith.constant 2 : i32
      %mul3A_75 = arith.muli %add3A_55, %mul3A_74 : i32
      %add3A_76 = vector.broadcast %mul3A_75 : i32 to vector<16xi32>
      %add3A_77 = arith.addi %add3A_76, %iota3A : vector<16xi32>
      %gather3A = tpu.vector_load_idx %arg9[%add3A_77] : memref<272xi32, #tpu.memory_space<vmem>>[vector<16xi32>], vector<16xi32>,
      %jit3A_78 = arith.constant 0 : i32
      %broadcast_in_dim3A_79 = vector.broadcast %jit3A_78 : i32 to vector<16xi32>
      %select_n3A_80 = arith.select %lt3A_6, %gather3A, %broadcast_in_dim3A_79 : vector<16xi1>, vector<16xi32>
      %gather3A_81 = tpu.vector_load_idx %arg12[%select_n3A, %select_n3A_80] : memref<2x8192xf32, #tpu.memory_space<vmem>>[vector<16xi32>, vector<16xi32>], vector<16xf32>,
      %get3A = arith.constant 0 : index
      %get3A_82 = tpu.vector_load %arg10[%get3A] {strides = array<i32>} : memref<16xf32, #tpu.memory_space<vmem>>, vector<16xf32>,
      %jit3A_83 = arith.constant 0.000000e+00 : f32
      %broadcast_in_dim3A_84 = vector.broadcast %jit3A_83 : f32 to vector<16xf32>
      %select_n3A_85 = arith.select %lt3A_6, %gather3A_81, %broadcast_in_dim3A_84 : vector<16xi1>, vector<16xf32>
      %add3A_86 = arith.addf %get3A_82, %select_n3A_85 : vector<16xf32>
      %swap3A_87 = arith.constant 0 : index
      %swap3A_88 = tpu.vector_load %arg10[%swap3A_87] {strides = array<i32>} : memref<16xf32, #tpu.memory_space<vmem>>, vector<16xf32>,
      tpu.vector_store %arg10[%swap3A_87], %add3A_86 {strides = array<i32>} : memref<16xf32, #tpu.memory_space<vmem>>, vector<16xf32>,
      %mul3A_89 = arith.constant 2 : i32
      %mul3A_90 = arith.muli %add3A_55, %mul3A_89 : i32
      %add3A_91 = arith.constant 0 : i32
      %add3A_92 = arith.addi %mul3A_90, %add3A_91 : i32
      %broadcast_in_dim3A_93 = arith.constant 0.000000e+00 : f32
      %broadcast_in_dim3A_94 = vector.broadcast %broadcast_in_dim3A_93 : f32 to vector<16xf32>
      %scan3A_95 = arith.constant 0 : i32
      %scan3A_96 = arith.constant 32 : i32
      %scan3A_97 = arith.addi %scan3A_95, %scan3A_96 : i32
      %scan3A_98 = arith.constant 1 : i32
      %scan3A_99 = scf.for %scan3A_341 = %scan3A_95 to %scan3A_97 step %scan3A_98 iter_args(%scan3A_342 = %broadcast_in_dim3A_94) -> (vector<16xf32>)  : i32 {
        %mul3A_343 = arith.constant 256 : i32
        %mul3A_344 = arith.muli %scan3A_341, %mul3A_343 : i32
        %add3A_345 = arith.constant 0 : i32
        %add3A_346 = arith.addi %mul3A_344, %add3A_345 : i32
        %get3A_347 = arith.constant 0 : i32
        %get3A_348 = arith.index_cast %get3A_347 : i32 to index
        %get3A_349 = arith.index_cast %add3A_346 : i32 to index
        %get3A_350 = tpu.vector_load %arg12[%get3A_348, %get3A_349] {strides = array<i32>} : memref<2x8192xf32, #tpu.memory_space<vmem>>, vector<16xf32>,
        %exp3A = math.exp %get3A_350 : vector<16xf32>
        %add3A_351 = arith.addf %scan3A_342, %exp3A : vector<16xf32>
        %mul3A_352 = arith.constant 256 : i32
        %mul3A_353 = arith.muli %scan3A_341, %mul3A_352 : i32
        %add3A_354 = arith.constant 16 : i32
        %add3A_355 = arith.addi %mul3A_353, %add3A_354 : i32
        %get3A_356 = arith.constant 0 : i32
        %get3A_357 = arith.index_cast %get3A_356 : i32 to index
        %get3A_358 = arith.index_cast %add3A_355 : i32 to index
        %get3A_359 = tpu.vector_load %arg12[%get3A_357, %get3A_358] {strides = array<i32>} : memref<2x8192xf32, #tpu.memory_space<vmem>>, vector<16xf32>,
        %exp3A_360 = math.exp %get3A_359 : vector<16xf32>
        %add3A_361 = arith.addf %add3A_351, %exp3A_360 : vector<16xf32>
        %mul3A_362 = arith.constant 256 : i32
        %mul3A_363 = arith.muli %scan3A_341, %mul3A_362 : i32
        %add3A_364 = arith.constant 32 : i32
        %add3A_365 = arith.addi %mul3A_363, %add3A_364 : i32
        %get3A_366 = arith.constant 0 : i32
        %get3A_367 = arith.index_cast %get3A_366 : i32 to index
        %get3A_368 = arith.index_cast %add3A_365 : i32 to index
        %get3A_369 = tpu.vector_load %arg12[%get3A_367, %get3A_368] {strides = array<i32>} : memref<2x8192xf32, #tpu.memory_space<vmem>>, vector<16xf32>,
        %exp3A_370 = math.exp %get3A_369 : vector<16xf32>
        %add3A_371 = arith.addf %add3A_361, %exp3A_370 : vector<16xf32>
        %mul3A_372 = arith.constant 256 : i32
        %mul3A_373 = arith.muli %scan3A_341, %mul3A_372 : i32
        %add3A_374 = arith.constant 48 : i32
        %add3A_375 = arith.addi %mul3A_373, %add3A_374 : i32
        %get3A_376 = arith.constant 0 : i32
        %get3A_377 = arith.index_cast %get3A_376 : i32 to index
        %get3A_378 = arith.index_cast %add3A_375 : i32 to index
        %get3A_379 = tpu.vector_load %arg12[%get3A_377, %get3A_378] {strides = array<i32>} : memref<2x8192xf32, #tpu.memory_space<vmem>>, vector<16xf32>,
        %exp3A_380 = math.exp %get3A_379 : vector<16xf32>
        %add3A_381 = arith.addf %add3A_371, %exp3A_380 : vector<16xf32>
        %mul3A_382 = arith.constant 256 : i32
        %mul3A_383 = arith.muli %scan3A_341, %mul3A_382 : i32
        %add3A_384 = arith.constant 64 : i32
        %add3A_385 = arith.addi %mul3A_383, %add3A_384 : i32
        %get3A_386 = arith.constant 0 : i32
        %get3A_387 = arith.index_cast %get3A_386 : i32 to index
        %get3A_388 = arith.index_cast %add3A_385 : i32 to index
        %get3A_389 = tpu.vector_load %arg12[%get3A_387, %get3A_388] {strides = array<i32>} : memref<2x8192xf32, #tpu.memory_space<vmem>>, vector<16xf32>,
        %exp3A_390 = math.exp %get3A_389 : vector<16xf32>
        %add3A_391 = arith.addf %add3A_381, %exp3A_390 : vector<16xf32>
        %mul3A_392 = arith.constant 256 : i32
        %mul3A_393 = arith.muli %scan3A_341, %mul3A_392 : i32
        %add3A_394 = arith.constant 80 : i32
        %add3A_395 = arith.addi %mul3A_393, %add3A_394 : i32
        %get3A_396 = arith.constant 0 : i32
        %get3A_397 = arith.index_cast %get3A_396 : i32 to index
        %get3A_398 = arith.index_cast %add3A_395 : i32 to index
        %get3A_399 = tpu.vector_load %arg12[%get3A_397, %get3A_398] {strides = array<i32>} : memref<2x8192xf32, #tpu.memory_space<vmem>>, vector<16xf32>,
        %exp3A_400 = math.exp %get3A_399 : vector<16xf32>
        %add3A_401 = arith.addf %add3A_391, %exp3A_400 : vector<16xf32>
        %mul3A_402 = arith.constant 256 : i32
        %mul3A_403 = arith.muli %scan3A_341, %mul3A_402 : i32
        %add3A_404 = arith.constant 96 : i32
        %add3A_405 = arith.addi %mul3A_403, %add3A_404 : i32
        %get3A_406 = arith.constant 0 : i32
        %get3A_407 = arith.index_cast %get3A_406 : i32 to index
        %get3A_408 = arith.index_cast %add3A_405 : i32 to index
        %get3A_409 = tpu.vector_load %arg12[%get3A_407, %get3A_408] {strides = array<i32>} : memref<2x8192xf32, #tpu.memory_space<vmem>>, vector<16xf32>,
        %exp3A_410 = math.exp %get3A_409 : vector<16xf32>
        %add3A_411 = arith.addf %add3A_401, %exp3A_410 : vector<16xf32>
        %mul3A_412 = arith.constant 256 : i32
        %mul3A_413 = arith.muli %scan3A_341, %mul3A_412 : i32
        %add3A_414 = arith.constant 112 : i32
        %add3A_415 = arith.addi %mul3A_413, %add3A_414 : i32
        %get3A_416 = arith.constant 0 : i32
        %get3A_417 = arith.index_cast %get3A_416 : i32 to index
        %get3A_418 = arith.index_cast %add3A_415 : i32 to index
        %get3A_419 = tpu.vector_load %arg12[%get3A_417, %get3A_418] {strides = array<i32>} : memref<2x8192xf32, #tpu.memory_space<vmem>>, vector<16xf32>,
        %exp3A_420 = math.exp %get3A_419 : vector<16xf32>
        %add3A_421 = arith.addf %add3A_411, %exp3A_420 : vector<16xf32>
        %mul3A_422 = arith.constant 256 : i32
        %mul3A_423 = arith.muli %scan3A_341, %mul3A_422 : i32
        %add3A_424 = arith.constant 128 : i32
        %add3A_425 = arith.addi %mul3A_423, %add3A_424 : i32
        %get3A_426 = arith.constant 0 : i32
        %get3A_427 = arith.index_cast %get3A_426 : i32 to index
        %get3A_428 = arith.index_cast %add3A_425 : i32 to index
        %get3A_429 = tpu.vector_load %arg12[%get3A_427, %get3A_428] {strides = array<i32>} : memref<2x8192xf32, #tpu.memory_space<vmem>>, vector<16xf32>,
        %exp3A_430 = math.exp %get3A_429 : vector<16xf32>
        %add3A_431 = arith.addf %add3A_421, %exp3A_430 : vector<16xf32>
        %mul3A_432 = arith.constant 256 : i32
        %mul3A_433 = arith.muli %scan3A_341, %mul3A_432 : i32
        %add3A_434 = arith.constant 144 : i32
        %add3A_435 = arith.addi %mul3A_433, %add3A_434 : i32
        %get3A_436 = arith.constant 0 : i32
        %get3A_437 = arith.index_cast %get3A_436 : i32 to index
        %get3A_438 = arith.index_cast %add3A_435 : i32 to index
        %get3A_439 = tpu.vector_load %arg12[%get3A_437, %get3A_438] {strides = array<i32>} : memref<2x8192xf32, #tpu.memory_space<vmem>>, vector<16xf32>,
        %exp3A_440 = math.exp %get3A_439 : vector<16xf32>
        %add3A_441 = arith.addf %add3A_431, %exp3A_440 : vector<16xf32>
        %mul3A_442 = arith.constant 256 : i32
        %mul3A_443 = arith.muli %scan3A_341, %mul3A_442 : i32
        %add3A_444 = arith.constant 160 : i32
        %add3A_445 = arith.addi %mul3A_443, %add3A_444 : i32
        %get3A_446 = arith.constant 0 : i32
        %get3A_447 = arith.index_cast %get3A_446 : i32 to index
        %get3A_448 = arith.index_cast %add3A_445 : i32 to index
        %get3A_449 = tpu.vector_load %arg12[%get3A_447, %get3A_448] {strides = array<i32>} : memref<2x8192xf32, #tpu.memory_space<vmem>>, vector<16xf32>,
        %exp3A_450 = math.exp %get3A_449 : vector<16xf32>
        %add3A_451 = arith.addf %add3A_441, %exp3A_450 : vector<16xf32>
        %mul3A_452 = arith.constant 256 : i32
        %mul3A_453 = arith.muli %scan3A_341, %mul3A_452 : i32
        %add3A_454 = arith.constant 176 : i32
        %add3A_455 = arith.addi %mul3A_453, %add3A_454 : i32
        %get3A_456 = arith.constant 0 : i32
        %get3A_457 = arith.index_cast %get3A_456 : i32 to index
        %get3A_458 = arith.index_cast %add3A_455 : i32 to index
        %get3A_459 = tpu.vector_load %arg12[%get3A_457, %get3A_458] {strides = array<i32>} : memref<2x8192xf32, #tpu.memory_space<vmem>>, vector<16xf32>,
        %exp3A_460 = math.exp %get3A_459 : vector<16xf32>
        %add3A_461 = arith.addf %add3A_451, %exp3A_460 : vector<16xf32>
        %mul3A_462 = arith.constant 256 : i32
        %mul3A_463 = arith.muli %scan3A_341, %mul3A_462 : i32
        %add3A_464 = arith.constant 192 : i32
        %add3A_465 = arith.addi %mul3A_463, %add3A_464 : i32
        %get3A_466 = arith.constant 0 : i32
        %get3A_467 = arith.index_cast %get3A_466 : i32 to index
        %get3A_468 = arith.index_cast %add3A_465 : i32 to index
        %get3A_469 = tpu.vector_load %arg12[%get3A_467, %get3A_468] {strides = array<i32>} : memref<2x8192xf32, #tpu.memory_space<vmem>>, vector<16xf32>,
        %exp3A_470 = math.exp %get3A_469 : vector<16xf32>
        %add3A_471 = arith.addf %add3A_461, %exp3A_470 : vector<16xf32>
        %mul3A_472 = arith.constant 256 : i32
        %mul3A_473 = arith.muli %scan3A_341, %mul3A_472 : i32
        %add3A_474 = arith.constant 208 : i32
        %add3A_475 = arith.addi %mul3A_473, %add3A_474 : i32
        %get3A_476 = arith.constant 0 : i32
        %get3A_477 = arith.index_cast %get3A_476 : i32 to index
        %get3A_478 = arith.index_cast %add3A_475 : i32 to index
        %get3A_479 = tpu.vector_load %arg12[%get3A_477, %get3A_478] {strides = array<i32>} : memref<2x8192xf32, #tpu.memory_space<vmem>>, vector<16xf32>,
        %exp3A_480 = math.exp %get3A_479 : vector<16xf32>
        %add3A_481 = arith.addf %add3A_471, %exp3A_480 : vector<16xf32>
        %mul3A_482 = arith.constant 256 : i32
        %mul3A_483 = arith.muli %scan3A_341, %mul3A_482 : i32
        %add3A_484 = arith.constant 224 : i32
        %add3A_485 = arith.addi %mul3A_483, %add3A_484 : i32
        %get3A_486 = arith.constant 0 : i32
        %get3A_487 = arith.index_cast %get3A_486 : i32 to index
        %get3A_488 = arith.index_cast %add3A_485 : i32 to index
        %get3A_489 = tpu.vector_load %arg12[%get3A_487, %get3A_488] {strides = array<i32>} : memref<2x8192xf32, #tpu.memory_space<vmem>>, vector<16xf32>,
        %exp3A_490 = math.exp %get3A_489 : vector<16xf32>
        %add3A_491 = arith.addf %add3A_481, %exp3A_490 : vector<16xf32>
        %mul3A_492 = arith.constant 256 : i32
        %mul3A_493 = arith.muli %scan3A_341, %mul3A_492 : i32
        %add3A_494 = arith.constant 240 : i32
        %add3A_495 = arith.addi %mul3A_493, %add3A_494 : i32
        %get3A_496 = arith.constant 0 : i32
        %get3A_497 = arith.index_cast %get3A_496 : i32 to index
        %get3A_498 = arith.index_cast %add3A_495 : i32 to index
        %get3A_499 = tpu.vector_load %arg12[%get3A_497, %get3A_498] {strides = array<i32>} : memref<2x8192xf32, #tpu.memory_space<vmem>>, vector<16xf32>,
        %exp3A_500 = math.exp %get3A_499 : vector<16xf32>
        %add3A_501 = arith.addf %add3A_491, %exp3A_500 : vector<16xf32>
        scf.yield %add3A_501 : vector<16xf32>
      }
      %scan3A_100 = arith.constant 32 : i32
      %mul3A_101 = arith.constant 16 : i32
      %mul3A_102 = arith.muli %add3A_92, %mul3A_101 : i32
      %add3A_103 = vector.broadcast %mul3A_102 : i32 to vector<16xi32>
      %add3A_104 = arith.addi %add3A_103, %iota3A : vector<16xi32>
      tpu.vector_store_idx %arg11[%add3A_104], %scan3A_99 : memref<4096xf32, #tpu.memory_space<vmem>>[vector<16xi32>], vector<16xf32>,
      %mul3A_105 = arith.constant 2 : i32
      %mul3A_106 = arith.muli %add3A_55, %mul3A_105 : i32
      %add3A_107 = arith.constant 1 : i32
      %add3A_108 = arith.addi %mul3A_106, %add3A_107 : i32
      %broadcast_in_dim3A_109 = arith.constant 0.000000e+00 : f32
      %broadcast_in_dim3A_110 = vector.broadcast %broadcast_in_dim3A_109 : f32 to vector<16xf32>
      %scan3A_111 = arith.constant 0 : i32
      %scan3A_112 = arith.constant 32 : i32
      %scan3A_113 = arith.addi %scan3A_111, %scan3A_112 : i32
      %scan3A_114 = arith.constant 1 : i32
      %scan3A_115 = scf.for %scan3A_341 = %scan3A_111 to %scan3A_113 step %scan3A_114 iter_args(%scan3A_342 = %broadcast_in_dim3A_110) -> (vector<16xf32>)  : i32 {
        %mul3A_343 = arith.constant 256 : i32
        %mul3A_344 = arith.muli %scan3A_341, %mul3A_343 : i32
        %add3A_345 = arith.constant 0 : i32
        %add3A_346 = arith.addi %mul3A_344, %add3A_345 : i32
        %get3A_347 = arith.constant 1 : i32
        %get3A_348 = arith.index_cast %get3A_347 : i32 to index
        %get3A_349 = arith.index_cast %add3A_346 : i32 to index
        %get3A_350 = tpu.vector_load %arg12[%get3A_348, %get3A_349] {strides = array<i32>} : memref<2x8192xf32, #tpu.memory_space<vmem>>, vector<16xf32>,
        %exp3A = math.exp %get3A_350 : vector<16xf32>
        %add3A_351 = arith.addf %scan3A_342, %exp3A : vector<16xf32>
        %mul3A_352 = arith.constant 256 : i32
        %mul3A_353 = arith.muli %scan3A_341, %mul3A_352 : i32
        %add3A_354 = arith.constant 16 : i32
        %add3A_355 = arith.addi %mul3A_353, %add3A_354 : i32
        %get3A_356 = arith.constant 1 : i32
        %get3A_357 = arith.index_cast %get3A_356 : i32 to index
        %get3A_358 = arith.index_cast %add3A_355 : i32 to index
        %get3A_359 = tpu.vector_load %arg12[%get3A_357, %get3A_358] {strides = array<i32>} : memref<2x8192xf32, #tpu.memory_space<vmem>>, vector<16xf32>,
        %exp3A_360 = math.exp %get3A_359 : vector<16xf32>
        %add3A_361 = arith.addf %add3A_351, %exp3A_360 : vector<16xf32>
        %mul3A_362 = arith.constant 256 : i32
        %mul3A_363 = arith.muli %scan3A_341, %mul3A_362 : i32
        %add3A_364 = arith.constant 32 : i32
        %add3A_365 = arith.addi %mul3A_363, %add3A_364 : i32
        %get3A_366 = arith.constant 1 : i32
        %get3A_367 = arith.index_cast %get3A_366 : i32 to index
        %get3A_368 = arith.index_cast %add3A_365 : i32 to index
        %get3A_369 = tpu.vector_load %arg12[%get3A_367, %get3A_368] {strides = array<i32>} : memref<2x8192xf32, #tpu.memory_space<vmem>>, vector<16xf32>,
        %exp3A_370 = math.exp %get3A_369 : vector<16xf32>
        %add3A_371 = arith.addf %add3A_361, %exp3A_370 : vector<16xf32>
        %mul3A_372 = arith.constant 256 : i32
        %mul3A_373 = arith.muli %scan3A_341, %mul3A_372 : i32
        %add3A_374 = arith.constant 48 : i32
        %add3A_375 = arith.addi %mul3A_373, %add3A_374 : i32
        %get3A_376 = arith.constant 1 : i32
        %get3A_377 = arith.index_cast %get3A_376 : i32 to index
        %get3A_378 = arith.index_cast %add3A_375 : i32 to index
        %get3A_379 = tpu.vector_load %arg12[%get3A_377, %get3A_378] {strides = array<i32>} : memref<2x8192xf32, #tpu.memory_space<vmem>>, vector<16xf32>,
        %exp3A_380 = math.exp %get3A_379 : vector<16xf32>
        %add3A_381 = arith.addf %add3A_371, %exp3A_380 : vector<16xf32>
        %mul3A_382 = arith.constant 256 : i32
        %mul3A_383 = arith.muli %scan3A_341, %mul3A_382 : i32
        %add3A_384 = arith.constant 64 : i32
        %add3A_385 = arith.addi %mul3A_383, %add3A_384 : i32
        %get3A_386 = arith.constant 1 : i32
        %get3A_387 = arith.index_cast %get3A_386 : i32 to index
        %get3A_388 = arith.index_cast %add3A_385 : i32 to index
        %get3A_389 = tpu.vector_load %arg12[%get3A_387, %get3A_388] {strides = array<i32>} : memref<2x8192xf32, #tpu.memory_space<vmem>>, vector<16xf32>,
        %exp3A_390 = math.exp %get3A_389 : vector<16xf32>
        %add3A_391 = arith.addf %add3A_381, %exp3A_390 : vector<16xf32>
        %mul3A_392 = arith.constant 256 : i32
        %mul3A_393 = arith.muli %scan3A_341, %mul3A_392 : i32
        %add3A_394 = arith.constant 80 : i32
        %add3A_395 = arith.addi %mul3A_393, %add3A_394 : i32
        %get3A_396 = arith.constant 1 : i32
        %get3A_397 = arith.index_cast %get3A_396 : i32 to index
        %get3A_398 = arith.index_cast %add3A_395 : i32 to index
        %get3A_399 = tpu.vector_load %arg12[%get3A_397, %get3A_398] {strides = array<i32>} : memref<2x8192xf32, #tpu.memory_space<vmem>>, vector<16xf32>,
        %exp3A_400 = math.exp %get3A_399 : vector<16xf32>
        %add3A_401 = arith.addf %add3A_391, %exp3A_400 : vector<16xf32>
        %mul3A_402 = arith.constant 256 : i32
        %mul3A_403 = arith.muli %scan3A_341, %mul3A_402 : i32
        %add3A_404 = arith.constant 96 : i32
        %add3A_405 = arith.addi %mul3A_403, %add3A_404 : i32
        %get3A_406 = arith.constant 1 : i32
        %get3A_407 = arith.index_cast %get3A_406 : i32 to index
        %get3A_408 = arith.index_cast %add3A_405 : i32 to index
        %get3A_409 = tpu.vector_load %arg12[%get3A_407, %get3A_408] {strides = array<i32>} : memref<2x8192xf32, #tpu.memory_space<vmem>>, vector<16xf32>,
        %exp3A_410 = math.exp %get3A_409 : vector<16xf32>
        %add3A_411 = arith.addf %add3A_401, %exp3A_410 : vector<16xf32>
        %mul3A_412 = arith.constant 256 : i32
        %mul3A_413 = arith.muli %scan3A_341, %mul3A_412 : i32
        %add3A_414 = arith.constant 112 : i32
        %add3A_415 = arith.addi %mul3A_413, %add3A_414 : i32
        %get3A_416 = arith.constant 1 : i32
        %get3A_417 = arith.index_cast %get3A_416 : i32 to index
        %get3A_418 = arith.index_cast %add3A_415 : i32 to index
        %get3A_419 = tpu.vector_load %arg12[%get3A_417, %get3A_418] {strides = array<i32>} : memref<2x8192xf32, #tpu.memory_space<vmem>>, vector<16xf32>,
        %exp3A_420 = math.exp %get3A_419 : vector<16xf32>
        %add3A_421 = arith.addf %add3A_411, %exp3A_420 : vector<16xf32>
        %mul3A_422 = arith.constant 256 : i32
        %mul3A_423 = arith.muli %scan3A_341, %mul3A_422 : i32
        %add3A_424 = arith.constant 128 : i32
        %add3A_425 = arith.addi %mul3A_423, %add3A_424 : i32
        %get3A_426 = arith.constant 1 : i32
        %get3A_427 = arith.index_cast %get3A_426 : i32 to index
        %get3A_428 = arith.index_cast %add3A_425 : i32 to index
        %get3A_429 = tpu.vector_load %arg12[%get3A_427, %get3A_428] {strides = array<i32>} : memref<2x8192xf32, #tpu.memory_space<vmem>>, vector<16xf32>,
        %exp3A_430 = math.exp %get3A_429 : vector<16xf32>
        %add3A_431 = arith.addf %add3A_421, %exp3A_430 : vector<16xf32>
        %mul3A_432 = arith.constant 256 : i32
        %mul3A_433 = arith.muli %scan3A_341, %mul3A_432 : i32
        %add3A_434 = arith.constant 144 : i32
        %add3A_435 = arith.addi %mul3A_433, %add3A_434 : i32
        %get3A_436 = arith.constant 1 : i32
        %get3A_437 = arith.index_cast %get3A_436 : i32 to index
        %get3A_438 = arith.index_cast %add3A_435 : i32 to index
        %get3A_439 = tpu.vector_load %arg12[%get3A_437, %get3A_438] {strides = array<i32>} : memref<2x8192xf32, #tpu.memory_space<vmem>>, vector<16xf32>,
        %exp3A_440 = math.exp %get3A_439 : vector<16xf32>
        %add3A_441 = arith.addf %add3A_431, %exp3A_440 : vector<16xf32>
        %mul3A_442 = arith.constant 256 : i32
        %mul3A_443 = arith.muli %scan3A_341, %mul3A_442 : i32
        %add3A_444 = arith.constant 160 : i32
        %add3A_445 = arith.addi %mul3A_443, %add3A_444 : i32
        %get3A_446 = arith.constant 1 : i32
        %get3A_447 = arith.index_cast %get3A_446 : i32 to index
        %get3A_448 = arith.index_cast %add3A_445 : i32 to index
        %get3A_449 = tpu.vector_load %arg12[%get3A_447, %get3A_448] {strides = array<i32>} : memref<2x8192xf32, #tpu.memory_space<vmem>>, vector<16xf32>,
        %exp3A_450 = math.exp %get3A_449 : vector<16xf32>
        %add3A_451 = arith.addf %add3A_441, %exp3A_450 : vector<16xf32>
        %mul3A_452 = arith.constant 256 : i32
        %mul3A_453 = arith.muli %scan3A_341, %mul3A_452 : i32
        %add3A_454 = arith.constant 176 : i32
        %add3A_455 = arith.addi %mul3A_453, %add3A_454 : i32
        %get3A_456 = arith.constant 1 : i32
        %get3A_457 = arith.index_cast %get3A_456 : i32 to index
        %get3A_458 = arith.index_cast %add3A_455 : i32 to index
        %get3A_459 = tpu.vector_load %arg12[%get3A_457, %get3A_458] {strides = array<i32>} : memref<2x8192xf32, #tpu.memory_space<vmem>>, vector<16xf32>,
        %exp3A_460 = math.exp %get3A_459 : vector<16xf32>
        %add3A_461 = arith.addf %add3A_451, %exp3A_460 : vector<16xf32>
        %mul3A_462 = arith.constant 256 : i32
        %mul3A_463 = arith.muli %scan3A_341, %mul3A_462 : i32
        %add3A_464 = arith.constant 192 : i32
        %add3A_465 = arith.addi %mul3A_463, %add3A_464 : i32
        %get3A_466 = arith.constant 1 : i32
        %get3A_467 = arith.index_cast %get3A_466 : i32 to index
        %get3A_468 = arith.index_cast %add3A_465 : i32 to index
        %get3A_469 = tpu.vector_load %arg12[%get3A_467, %get3A_468] {strides = array<i32>} : memref<2x8192xf32, #tpu.memory_space<vmem>>, vector<16xf32>,
        %exp3A_470 = math.exp %get3A_469 : vector<16xf32>
        %add3A_471 = arith.addf %add3A_461, %exp3A_470 : vector<16xf32>
        %mul3A_472 = arith.constant 256 : i32
        %mul3A_473 = arith.muli %scan3A_341, %mul3A_472 : i32
        %add3A_474 = arith.constant 208 : i32
        %add3A_475 = arith.addi %mul3A_473, %add3A_474 : i32
        %get3A_476 = arith.constant 1 : i32
        %get3A_477 = arith.index_cast %get3A_476 : i32 to index
        %get3A_478 = arith.index_cast %add3A_475 : i32 to index
        %get3A_479 = tpu.vector_load %arg12[%get3A_477, %get3A_478] {strides = array<i32>} : memref<2x8192xf32, #tpu.memory_space<vmem>>, vector<16xf32>,
        %exp3A_480 = math.exp %get3A_479 : vector<16xf32>
        %add3A_481 = arith.addf %add3A_471, %exp3A_480 : vector<16xf32>
        %mul3A_482 = arith.constant 256 : i32
        %mul3A_483 = arith.muli %scan3A_341, %mul3A_482 : i32
        %add3A_484 = arith.constant 224 : i32
        %add3A_485 = arith.addi %mul3A_483, %add3A_484 : i32
        %get3A_486 = arith.constant 1 : i32
        %get3A_487 = arith.index_cast %get3A_486 : i32 to index
        %get3A_488 = arith.index_cast %add3A_485 : i32 to index
        %get3A_489 = tpu.vector_load %arg12[%get3A_487, %get3A_488] {strides = array<i32>} : memref<2x8192xf32, #tpu.memory_space<vmem>>, vector<16xf32>,
        %exp3A_490 = math.exp %get3A_489 : vector<16xf32>
        %add3A_491 = arith.addf %add3A_481, %exp3A_490 : vector<16xf32>
        %mul3A_492 = arith.constant 256 : i32
        %mul3A_493 = arith.muli %scan3A_341, %mul3A_492 : i32
        %add3A_494 = arith.constant 240 : i32
        %add3A_495 = arith.addi %mul3A_493, %add3A_494 : i32
        %get3A_496 = arith.constant 1 : i32
        %get3A_497 = arith.index_cast %get3A_496 : i32 to index
        %get3A_498 = arith.index_cast %add3A_495 : i32 to index
        %get3A_499 = tpu.vector_load %arg12[%get3A_497, %get3A_498] {strides = array<i32>} : memref<2x8192xf32, #tpu.memory_space<vmem>>, vector<16xf32>,
        %exp3A_500 = math.exp %get3A_499 : vector<16xf32>
        %add3A_501 = arith.addf %add3A_491, %exp3A_500 : vector<16xf32>
        scf.yield %add3A_501 : vector<16xf32>
      }
      %scan3A_116 = arith.constant 32 : i32
      %mul3A_117 = arith.constant 16 : i32
      %mul3A_118 = arith.muli %add3A_108, %mul3A_117 : i32
      %add3A_119 = vector.broadcast %mul3A_118 : i32 to vector<16xi32>
      %add3A_120 = arith.addi %add3A_119, %iota3A : vector<16xi32>
      tpu.vector_store_idx %arg11[%add3A_120], %scan3A_115 : memref<4096xf32, #tpu.memory_space<vmem>>[vector<16xi32>], vector<16xf32>,
      %mul3A_121 = arith.constant 4 : i32
      %mul3A_122 = arith.muli %scan3A_50, %mul3A_121 : i32
      %add3A_123 = arith.constant 1 : i32
      %add3A_124 = arith.addi %mul3A_122, %add3A_123 : i32
      %dma_wait3A_125 = arith.constant 0 : i32
      %dma_wait3A_126 = arith.constant 0 : i32
      %dma_wait3A_127 = tpu.memref_slice %arg2[%dma_wait3A_125, %dma_wait3A_126] : memref<8192x8192xf32, #tpu.memory_space<hbm>> -> memref<2x8192xf32, #tpu.memory_space<hbm>>
      %dma_wait3A_128 = arith.constant 0 : i32
      %dma_wait3A_129 = arith.constant 0 : i32
      %dma_wait3A_130 = tpu.memref_slice %arg2[%dma_wait3A_128, %dma_wait3A_129] : memref<8192x8192xf32, #tpu.memory_space<hbm>> -> memref<2x8192xf32, #tpu.memory_space<hbm>>
      tpu.wait_dma2 semaphore(%arg17 : memref<!tpu.dma_semaphore, #tpu.memory_space<semaphore_mem>>) src(%dma_wait3A_130 : memref<2x8192xf32, #tpu.memory_space<hbm>>) dst(%arg13 : memref<2x8192xf32, #tpu.memory_space<vmem>>)
      %mul3A_131 = arith.constant 2 : i32
      %mul3A_132 = arith.muli %add3A_124, %mul3A_131 : i32
      %add3A_133 = arith.addi %mul3A_2, %mul3A_132 : i32
      %dma_start3A_134 = arith.constant 0 : i32
      %dma_start3A_135 = tpu.memref_slice %arg5[%add3A_133, %dma_start3A_134] : memref<8192x8192xf32, #tpu.memory_space<hbm>> -> memref<2x8192xf32, #tpu.memory_space<hbm>>
      %dma_start3A_136 = arith.constant 0 : i32
      %dma_start3A_137 = tpu.memref_slice %arg5[%add3A_133, %dma_start3A_136] : memref<8192x8192xf32, #tpu.memory_space<hbm>> -> memref<2x8192xf32, #tpu.memory_space<hbm>>
      tpu.enqueue_dma source(%arg13 : memref<2x8192xf32, #tpu.memory_space<vmem>>) target(%dma_start3A_137 : memref<2x8192xf32, #tpu.memory_space<hbm>>) target_semaphore(%arg21 : memref<!tpu.dma_semaphore, #tpu.memory_space<semaphore_mem>>)
      %add3A_138 = arith.constant 2 : i32
      %add3A_139 = arith.addi %add3A_124, %add3A_138 : i32
      %lt3A_140 = arith.constant 128 : i32
      %lt3A_141 = arith.cmpi slt, %add3A_139, %lt3A_140 : i32
      %convert_element_type3A_142 = arith.extui %lt3A_141 : i1 to i32
      %cond3A_143 = arith.constant 0 : i32
      %cond3A_144 = arith.cmpi ne, %convert_element_type3A_142, %cond3A_143 : i32
      scf.if %cond3A_144 {
        %ge3A = arith.constant 2 : i32
        %ge3A_341 = arith.cmpi sge, %add3A_124, %ge3A : i32
        %convert_element_type3A_342 = arith.extui %ge3A_341 : i1 to i32
        %cond3A_343 = arith.constant 0 : i32
        %cond3A_344 = arith.cmpi ne, %convert_element_type3A_342, %cond3A_343 : i32
        scf.if %cond3A_344 {
          %dma_wait3A_351 = arith.constant 0 : i32
          %dma_wait3A_352 = arith.constant 0 : i32
          %dma_wait3A_353 = tpu.memref_slice %arg5[%dma_wait3A_351, %dma_wait3A_352] : memref<8192x8192xf32, #tpu.memory_space<hbm>> -> memref<2x8192xf32, #tpu.memory_space<hbm>>
          %dma_wait3A_354 = arith.constant 0 : i32
          %dma_wait3A_355 = arith.constant 0 : i32
          %dma_wait3A_356 = tpu.memref_slice %arg5[%dma_wait3A_354, %dma_wait3A_355] : memref<8192x8192xf32, #tpu.memory_space<hbm>> -> memref<2x8192xf32, #tpu.memory_space<hbm>>
          tpu.wait_dma2 semaphore(%arg23 : memref<!tpu.dma_semaphore, #tpu.memory_space<semaphore_mem>>) src(%arg15 : memref<2x8192xf32, #tpu.memory_space<vmem>>) dst(%dma_wait3A_356 : memref<2x8192xf32, #tpu.memory_space<hbm>>)
        } else {
        }
        %dma_start3A_345 = arith.constant 0 : i32
        %dma_start3A_346 = tpu.memref_slice %arg8[%add3A_139, %dma_start3A_345] : memref<128x2xi32, #tpu.memory_space<vmem>> -> memref<1x2xi32, #tpu.memory_space<vmem>>
        %dma_start3A_347 = tpu.memref_squeeze %dma_start3A_346 : memref<1x2xi32, #tpu.memory_space<vmem>> -> memref<2xi32, #tpu.memory_space<vmem>>
        %dma_start3A_348 = arith.constant 0 : i32
        %dma_start3A_349 = arith.constant 0 : i32
        %dma_start3A_350 = tpu.memref_slice %arg2[%dma_start3A_348, %dma_start3A_349] : memref<8192x8192xf32, #tpu.memory_space<hbm>> -> memref<8192x8192xf32, #tpu.memory_space<hbm>>
        tpu.enqueue_indirect_dma source(%dma_start3A_350 : memref<8192x8192xf32, #tpu.memory_space<hbm>>) target(%arg15 : memref<2x8192xf32, #tpu.memory_space<vmem>>) offsets(%dma_start3A_347 : memref<2xi32, #tpu.memory_space<vmem>>) semaphore(%arg19 : memref<!tpu.dma_semaphore, #tpu.memory_space<semaphore_mem>>)
      } else {
      }
      %mul3A_145 = arith.constant 2 : i32
      %mul3A_146 = arith.muli %add3A_124, %mul3A_145 : i32
      %add3A_147 = vector.broadcast %mul3A_146 : i32 to vector<16xi32>
      %add3A_148 = arith.addi %add3A_147, %iota3A : vector<16xi32>
      %gather3A_149 = tpu.vector_load_idx %arg9[%add3A_148] : memref<272xi32, #tpu.memory_space<vmem>>[vector<16xi32>], vector<16xi32>,
      %jit3A_150 = arith.constant 0 : i32
      %broadcast_in_dim3A_151 = vector.broadcast %jit3A_150 : i32 to vector<16xi32>
      %select_n3A_152 = arith.select %lt3A_6, %gather3A_149, %broadcast_in_dim3A_151 : vector<16xi1>, vector<16xi32>
      %gather3A_153 = tpu.vector_load_idx %arg13[%select_n3A, %select_n3A_152] : memref<2x8192xf32, #tpu.memory_space<vmem>>[vector<16xi32>, vector<16xi32>], vector<16xf32>,
      %get3A_154 = arith.constant 0 : index
      %get3A_155 = tpu.vector_load %arg10[%get3A_154] {strides = array<i32>} : memref<16xf32, #tpu.memory_space<vmem>>, vector<16xf32>,
      %jit3A_156 = arith.constant 0.000000e+00 : f32
      %broadcast_in_dim3A_157 = vector.broadcast %jit3A_156 : f32 to vector<16xf32>
      %select_n3A_158 = arith.select %lt3A_6, %gather3A_153, %broadcast_in_dim3A_157 : vector<16xi1>, vector<16xf32>
      %add3A_159 = arith.addf %get3A_155, %select_n3A_158 : vector<16xf32>
      %swap3A_160 = arith.constant 0 : index
      %swap3A_161 = tpu.vector_load %arg10[%swap3A_160] {strides = array<i32>} : memref<16xf32, #tpu.memory_space<vmem>>, vector<16xf32>,
      tpu.vector_store %arg10[%swap3A_160], %add3A_159 {strides = array<i32>} : memref<16xf32, #tpu.memory_space<vmem>>, vector<16xf32>,
      %mul3A_162 = arith.constant 2 : i32
      %mul3A_163 = arith.muli %add3A_124, %mul3A_162 : i32
      %add3A_164 = arith.constant 0 : i32
      %add3A_165 = arith.addi %mul3A_163, %add3A_164 : i32
      %broadcast_in_dim3A_166 = arith.constant 0.000000e+00 : f32
      %broadcast_in_dim3A_167 = vector.broadcast %broadcast_in_dim3A_166 : f32 to vector<16xf32>
      %scan3A_168 = arith.constant 0 : i32
      %scan3A_169 = arith.constant 32 : i32
      %scan3A_170 = arith.addi %scan3A_168, %scan3A_169 : i32
      %scan3A_171 = arith.constant 1 : i32
      %scan3A_172 = scf.for %scan3A_341 = %scan3A_168 to %scan3A_170 step %scan3A_171 iter_args(%scan3A_342 = %broadcast_in_dim3A_167) -> (vector<16xf32>)  : i32 {
        %mul3A_343 = arith.constant 256 : i32
        %mul3A_344 = arith.muli %scan3A_341, %mul3A_343 : i32
        %add3A_345 = arith.constant 0 : i32
        %add3A_346 = arith.addi %mul3A_344, %add3A_345 : i32
        %get3A_347 = arith.constant 0 : i32
        %get3A_348 = arith.index_cast %get3A_347 : i32 to index
        %get3A_349 = arith.index_cast %add3A_346 : i32 to index
        %get3A_350 = tpu.vector_load %arg13[%get3A_348, %get3A_349] {strides = array<i32>} : memref<2x8192xf32, #tpu.memory_space<vmem>>, vector<16xf32>,
        %exp3A = math.exp %get3A_350 : vector<16xf32>
        %add3A_351 = arith.addf %scan3A_342, %exp3A : vector<16xf32>
        %mul3A_352 = arith.constant 256 : i32
        %mul3A_353 = arith.muli %scan3A_341, %mul3A_352 : i32
        %add3A_354 = arith.constant 16 : i32
        %add3A_355 = arith.addi %mul3A_353, %add3A_354 : i32
        %get3A_356 = arith.constant 0 : i32
        %get3A_357 = arith.index_cast %get3A_356 : i32 to index
        %get3A_358 = arith.index_cast %add3A_355 : i32 to index
        %get3A_359 = tpu.vector_load %arg13[%get3A_357, %get3A_358] {strides = array<i32>} : memref<2x8192xf32, #tpu.memory_space<vmem>>, vector<16xf32>,
        %exp3A_360 = math.exp %get3A_359 : vector<16xf32>
        %add3A_361 = arith.addf %add3A_351, %exp3A_360 : vector<16xf32>
        %mul3A_362 = arith.constant 256 : i32
        %mul3A_363 = arith.muli %scan3A_341, %mul3A_362 : i32
        %add3A_364 = arith.constant 32 : i32
        %add3A_365 = arith.addi %mul3A_363, %add3A_364 : i32
        %get3A_366 = arith.constant 0 : i32
        %get3A_367 = arith.index_cast %get3A_366 : i32 to index
        %get3A_368 = arith.index_cast %add3A_365 : i32 to index
        %get3A_369 = tpu.vector_load %arg13[%get3A_367, %get3A_368] {strides = array<i32>} : memref<2x8192xf32, #tpu.memory_space<vmem>>, vector<16xf32>,
        %exp3A_370 = math.exp %get3A_369 : vector<16xf32>
        %add3A_371 = arith.addf %add3A_361, %exp3A_370 : vector<16xf32>
        %mul3A_372 = arith.constant 256 : i32
        %mul3A_373 = arith.muli %scan3A_341, %mul3A_372 : i32
        %add3A_374 = arith.constant 48 : i32
        %add3A_375 = arith.addi %mul3A_373, %add3A_374 : i32
        %get3A_376 = arith.constant 0 : i32
        %get3A_377 = arith.index_cast %get3A_376 : i32 to index
        %get3A_378 = arith.index_cast %add3A_375 : i32 to index
        %get3A_379 = tpu.vector_load %arg13[%get3A_377, %get3A_378] {strides = array<i32>} : memref<2x8192xf32, #tpu.memory_space<vmem>>, vector<16xf32>,
        %exp3A_380 = math.exp %get3A_379 : vector<16xf32>
        %add3A_381 = arith.addf %add3A_371, %exp3A_380 : vector<16xf32>
        %mul3A_382 = arith.constant 256 : i32
        %mul3A_383 = arith.muli %scan3A_341, %mul3A_382 : i32
        %add3A_384 = arith.constant 64 : i32
        %add3A_385 = arith.addi %mul3A_383, %add3A_384 : i32
        %get3A_386 = arith.constant 0 : i32
        %get3A_387 = arith.index_cast %get3A_386 : i32 to index
        %get3A_388 = arith.index_cast %add3A_385 : i32 to index
        %get3A_389 = tpu.vector_load %arg13[%get3A_387, %get3A_388] {strides = array<i32>} : memref<2x8192xf32, #tpu.memory_space<vmem>>, vector<16xf32>,
        %exp3A_390 = math.exp %get3A_389 : vector<16xf32>
        %add3A_391 = arith.addf %add3A_381, %exp3A_390 : vector<16xf32>
        %mul3A_392 = arith.constant 256 : i32
        %mul3A_393 = arith.muli %scan3A_341, %mul3A_392 : i32
        %add3A_394 = arith.constant 80 : i32
        %add3A_395 = arith.addi %mul3A_393, %add3A_394 : i32
        %get3A_396 = arith.constant 0 : i32
        %get3A_397 = arith.index_cast %get3A_396 : i32 to index
        %get3A_398 = arith.index_cast %add3A_395 : i32 to index
        %get3A_399 = tpu.vector_load %arg13[%get3A_397, %get3A_398] {strides = array<i32>} : memref<2x8192xf32, #tpu.memory_space<vmem>>, vector<16xf32>,
        %exp3A_400 = math.exp %get3A_399 : vector<16xf32>
        %add3A_401 = arith.addf %add3A_391, %exp3A_400 : vector<16xf32>
        %mul3A_402 = arith.constant 256 : i32
        %mul3A_403 = arith.muli %scan3A_341, %mul3A_402 : i32
        %add3A_404 = arith.constant 96 : i32
        %add3A_405 = arith.addi %mul3A_403, %add3A_404 : i32
        %get3A_406 = arith.constant 0 : i32
        %get3A_407 = arith.index_cast %get3A_406 : i32 to index
        %get3A_408 = arith.index_cast %add3A_405 : i32 to index
        %get3A_409 = tpu.vector_load %arg13[%get3A_407, %get3A_408] {strides = array<i32>} : memref<2x8192xf32, #tpu.memory_space<vmem>>, vector<16xf32>,
        %exp3A_410 = math.exp %get3A_409 : vector<16xf32>
        %add3A_411 = arith.addf %add3A_401, %exp3A_410 : vector<16xf32>
        %mul3A_412 = arith.constant 256 : i32
        %mul3A_413 = arith.muli %scan3A_341, %mul3A_412 : i32
        %add3A_414 = arith.constant 112 : i32
        %add3A_415 = arith.addi %mul3A_413, %add3A_414 : i32
        %get3A_416 = arith.constant 0 : i32
        %get3A_417 = arith.index_cast %get3A_416 : i32 to index
        %get3A_418 = arith.index_cast %add3A_415 : i32 to index
        %get3A_419 = tpu.vector_load %arg13[%get3A_417, %get3A_418] {strides = array<i32>} : memref<2x8192xf32, #tpu.memory_space<vmem>>, vector<16xf32>,
        %exp3A_420 = math.exp %get3A_419 : vector<16xf32>
        %add3A_421 = arith.addf %add3A_411, %exp3A_420 : vector<16xf32>
        %mul3A_422 = arith.constant 256 : i32
        %mul3A_423 = arith.muli %scan3A_341, %mul3A_422 : i32
        %add3A_424 = arith.constant 128 : i32
        %add3A_425 = arith.addi %mul3A_423, %add3A_424 : i32
        %get3A_426 = arith.constant 0 : i32
        %get3A_427 = arith.index_cast %get3A_426 : i32 to index
        %get3A_428 = arith.index_cast %add3A_425 : i32 to index
        %get3A_429 = tpu.vector_load %arg13[%get3A_427, %get3A_428] {strides = array<i32>} : memref<2x8192xf32, #tpu.memory_space<vmem>>, vector<16xf32>,
        %exp3A_430 = math.exp %get3A_429 : vector<16xf32>
        %add3A_431 = arith.addf %add3A_421, %exp3A_430 : vector<16xf32>
        %mul3A_432 = arith.constant 256 : i32
        %mul3A_433 = arith.muli %scan3A_341, %mul3A_432 : i32
        %add3A_434 = arith.constant 144 : i32
        %add3A_435 = arith.addi %mul3A_433, %add3A_434 : i32
        %get3A_436 = arith.constant 0 : i32
        %get3A_437 = arith.index_cast %get3A_436 : i32 to index
        %get3A_438 = arith.index_cast %add3A_435 : i32 to index
        %get3A_439 = tpu.vector_load %arg13[%get3A_437, %get3A_438] {strides = array<i32>} : memref<2x8192xf32, #tpu.memory_space<vmem>>, vector<16xf32>,
        %exp3A_440 = math.exp %get3A_439 : vector<16xf32>
        %add3A_441 = arith.addf %add3A_431, %exp3A_440 : vector<16xf32>
        %mul3A_442 = arith.constant 256 : i32
        %mul3A_443 = arith.muli %scan3A_341, %mul3A_442 : i32
        %add3A_444 = arith.constant 160 : i32
        %add3A_445 = arith.addi %mul3A_443, %add3A_444 : i32
        %get3A_446 = arith.constant 0 : i32
        %get3A_447 = arith.index_cast %get3A_446 : i32 to index
        %get3A_448 = arith.index_cast %add3A_445 : i32 to index
        %get3A_449 = tpu.vector_load %arg13[%get3A_447, %get3A_448] {strides = array<i32>} : memref<2x8192xf32, #tpu.memory_space<vmem>>, vector<16xf32>,
        %exp3A_450 = math.exp %get3A_449 : vector<16xf32>
        %add3A_451 = arith.addf %add3A_441, %exp3A_450 : vector<16xf32>
        %mul3A_452 = arith.constant 256 : i32
        %mul3A_453 = arith.muli %scan3A_341, %mul3A_452 : i32
        %add3A_454 = arith.constant 176 : i32
        %add3A_455 = arith.addi %mul3A_453, %add3A_454 : i32
        %get3A_456 = arith.constant 0 : i32
        %get3A_457 = arith.index_cast %get3A_456 : i32 to index
        %get3A_458 = arith.index_cast %add3A_455 : i32 to index
        %get3A_459 = tpu.vector_load %arg13[%get3A_457, %get3A_458] {strides = array<i32>} : memref<2x8192xf32, #tpu.memory_space<vmem>>, vector<16xf32>,
        %exp3A_460 = math.exp %get3A_459 : vector<16xf32>
        %add3A_461 = arith.addf %add3A_451, %exp3A_460 : vector<16xf32>
        %mul3A_462 = arith.constant 256 : i32
        %mul3A_463 = arith.muli %scan3A_341, %mul3A_462 : i32
        %add3A_464 = arith.constant 192 : i32
        %add3A_465 = arith.addi %mul3A_463, %add3A_464 : i32
        %get3A_466 = arith.constant 0 : i32
        %get3A_467 = arith.index_cast %get3A_466 : i32 to index
        %get3A_468 = arith.index_cast %add3A_465 : i32 to index
        %get3A_469 = tpu.vector_load %arg13[%get3A_467, %get3A_468] {strides = array<i32>} : memref<2x8192xf32, #tpu.memory_space<vmem>>, vector<16xf32>,
        %exp3A_470 = math.exp %get3A_469 : vector<16xf32>
        %add3A_471 = arith.addf %add3A_461, %exp3A_470 : vector<16xf32>
        %mul3A_472 = arith.constant 256 : i32
        %mul3A_473 = arith.muli %scan3A_341, %mul3A_472 : i32
        %add3A_474 = arith.constant 208 : i32
        %add3A_475 = arith.addi %mul3A_473, %add3A_474 : i32
        %get3A_476 = arith.constant 0 : i32
        %get3A_477 = arith.index_cast %get3A_476 : i32 to index
        %get3A_478 = arith.index_cast %add3A_475 : i32 to index
        %get3A_479 = tpu.vector_load %arg13[%get3A_477, %get3A_478] {strides = array<i32>} : memref<2x8192xf32, #tpu.memory_space<vmem>>, vector<16xf32>,
        %exp3A_480 = math.exp %get3A_479 : vector<16xf32>
        %add3A_481 = arith.addf %add3A_471, %exp3A_480 : vector<16xf32>
        %mul3A_482 = arith.constant 256 : i32
        %mul3A_483 = arith.muli %scan3A_341, %mul3A_482 : i32
        %add3A_484 = arith.constant 224 : i32
        %add3A_485 = arith.addi %mul3A_483, %add3A_484 : i32
        %get3A_486 = arith.constant 0 : i32
        %get3A_487 = arith.index_cast %get3A_486 : i32 to index
        %get3A_488 = arith.index_cast %add3A_485 : i32 to index
        %get3A_489 = tpu.vector_load %arg13[%get3A_487, %get3A_488] {strides = array<i32>} : memref<2x8192xf32, #tpu.memory_space<vmem>>, vector<16xf32>,
        %exp3A_490 = math.exp %get3A_489 : vector<16xf32>
        %add3A_491 = arith.addf %add3A_481, %exp3A_490 : vector<16xf32>
        %mul3A_492 = arith.constant 256 : i32
        %mul3A_493 = arith.muli %scan3A_341, %mul3A_492 : i32
        %add3A_494 = arith.constant 240 : i32
        %add3A_495 = arith.addi %mul3A_493, %add3A_494 : i32
        %get3A_496 = arith.constant 0 : i32
        %get3A_497 = arith.index_cast %get3A_496 : i32 to index
        %get3A_498 = arith.index_cast %add3A_495 : i32 to index
        %get3A_499 = tpu.vector_load %arg13[%get3A_497, %get3A_498] {strides = array<i32>} : memref<2x8192xf32, #tpu.memory_space<vmem>>, vector<16xf32>,
        %exp3A_500 = math.exp %get3A_499 : vector<16xf32>
        %add3A_501 = arith.addf %add3A_491, %exp3A_500 : vector<16xf32>
        scf.yield %add3A_501 : vector<16xf32>
      }
      %scan3A_173 = arith.constant 32 : i32
      %mul3A_174 = arith.constant 16 : i32
      %mul3A_175 = arith.muli %add3A_165, %mul3A_174 : i32
      %add3A_176 = vector.broadcast %mul3A_175 : i32 to vector<16xi32>
      %add3A_177 = arith.addi %add3A_176, %iota3A : vector<16xi32>
      tpu.vector_store_idx %arg11[%add3A_177], %scan3A_172 : memref<4096xf32, #tpu.memory_space<vmem>>[vector<16xi32>], vector<16xf32>,
      %mul3A_178 = arith.constant 2 : i32
      %mul3A_179 = arith.muli %add3A_124, %mul3A_178 : i32
      %add3A_180 = arith.constant 1 : i32
      %add3A_181 = arith.addi %mul3A_179, %add3A_180 : i32
      %broadcast_in_dim3A_182 = arith.constant 0.000000e+00 : f32
      %broadcast_in_dim3A_183 = vector.broadcast %broadcast_in_dim3A_182 : f32 to vector<16xf32>
      %scan3A_184 = arith.constant 0 : i32
      %scan3A_185 = arith.constant 32 : i32
      %scan3A_186 = arith.addi %scan3A_184, %scan3A_185 : i32
      %scan3A_187 = arith.constant 1 : i32
      %scan3A_188 = scf.for %scan3A_341 = %scan3A_184 to %scan3A_186 step %scan3A_187 iter_args(%scan3A_342 = %broadcast_in_dim3A_183) -> (vector<16xf32>)  : i32 {
        %mul3A_343 = arith.constant 256 : i32
        %mul3A_344 = arith.muli %scan3A_341, %mul3A_343 : i32
        %add3A_345 = arith.constant 0 : i32
        %add3A_346 = arith.addi %mul3A_344, %add3A_345 : i32
        %get3A_347 = arith.constant 1 : i32
        %get3A_348 = arith.index_cast %get3A_347 : i32 to index
        %get3A_349 = arith.index_cast %add3A_346 : i32 to index
        %get3A_350 = tpu.vector_load %arg13[%get3A_348, %get3A_349] {strides = array<i32>} : memref<2x8192xf32, #tpu.memory_space<vmem>>, vector<16xf32>,
        %exp3A = math.exp %get3A_350 : vector<16xf32>
        %add3A_351 = arith.addf %scan3A_342, %exp3A : vector<16xf32>
        %mul3A_352 = arith.constant 256 : i32
        %mul3A_353 = arith.muli %scan3A_341, %mul3A_352 : i32
        %add3A_354 = arith.constant 16 : i32
        %add3A_355 = arith.addi %mul3A_353, %add3A_354 : i32
        %get3A_356 = arith.constant 1 : i32
        %get3A_357 = arith.index_cast %get3A_356 : i32 to index
        %get3A_358 = arith.index_cast %add3A_355 : i32 to index
        %get3A_359 = tpu.vector_load %arg13[%get3A_357, %get3A_358] {strides = array<i32>} : memref<2x8192xf32, #tpu.memory_space<vmem>>, vector<16xf32>,
        %exp3A_360 = math.exp %get3A_359 : vector<16xf32>
        %add3A_361 = arith.addf %add3A_351, %exp3A_360 : vector<16xf32>
        %mul3A_362 = arith.constant 256 : i32
        %mul3A_363 = arith.muli %scan3A_341, %mul3A_362 : i32
        %add3A_364 = arith.constant 32 : i32
        %add3A_365 = arith.addi %mul3A_363, %add3A_364 : i32
        %get3A_366 = arith.constant 1 : i32
        %get3A_367 = arith.index_cast %get3A_366 : i32 to index
        %get3A_368 = arith.index_cast %add3A_365 : i32 to index
        %get3A_369 = tpu.vector_load %arg13[%get3A_367, %get3A_368] {strides = array<i32>} : memref<2x8192xf32, #tpu.memory_space<vmem>>, vector<16xf32>,
        %exp3A_370 = math.exp %get3A_369 : vector<16xf32>
        %add3A_371 = arith.addf %add3A_361, %exp3A_370 : vector<16xf32>
        %mul3A_372 = arith.constant 256 : i32
        %mul3A_373 = arith.muli %scan3A_341, %mul3A_372 : i32
        %add3A_374 = arith.constant 48 : i32
        %add3A_375 = arith.addi %mul3A_373, %add3A_374 : i32
        %get3A_376 = arith.constant 1 : i32
        %get3A_377 = arith.index_cast %get3A_376 : i32 to index
        %get3A_378 = arith.index_cast %add3A_375 : i32 to index
        %get3A_379 = tpu.vector_load %arg13[%get3A_377, %get3A_378] {strides = array<i32>} : memref<2x8192xf32, #tpu.memory_space<vmem>>, vector<16xf32>,
        %exp3A_380 = math.exp %get3A_379 : vector<16xf32>
        %add3A_381 = arith.addf %add3A_371, %exp3A_380 : vector<16xf32>
        %mul3A_382 = arith.constant 256 : i32
        %mul3A_383 = arith.muli %scan3A_341, %mul3A_382 : i32
        %add3A_384 = arith.constant 64 : i32
        %add3A_385 = arith.addi %mul3A_383, %add3A_384 : i32
        %get3A_386 = arith.constant 1 : i32
        %get3A_387 = arith.index_cast %get3A_386 : i32 to index
        %get3A_388 = arith.index_cast %add3A_385 : i32 to index
        %get3A_389 = tpu.vector_load %arg13[%get3A_387, %get3A_388] {strides = array<i32>} : memref<2x8192xf32, #tpu.memory_space<vmem>>, vector<16xf32>,
        %exp3A_390 = math.exp %get3A_389 : vector<16xf32>
        %add3A_391 = arith.addf %add3A_381, %exp3A_390 : vector<16xf32>
        %mul3A_392 = arith.constant 256 : i32
        %mul3A_393 = arith.muli %scan3A_341, %mul3A_392 : i32
        %add3A_394 = arith.constant 80 : i32
        %add3A_395 = arith.addi %mul3A_393, %add3A_394 : i32
        %get3A_396 = arith.constant 1 : i32
        %get3A_397 = arith.index_cast %get3A_396 : i32 to index
        %get3A_398 = arith.index_cast %add3A_395 : i32 to index
        %get3A_399 = tpu.vector_load %arg13[%get3A_397, %get3A_398] {strides = array<i32>} : memref<2x8192xf32, #tpu.memory_space<vmem>>, vector<16xf32>,
        %exp3A_400 = math.exp %get3A_399 : vector<16xf32>
        %add3A_401 = arith.addf %add3A_391, %exp3A_400 : vector<16xf32>
        %mul3A_402 = arith.constant 256 : i32
        %mul3A_403 = arith.muli %scan3A_341, %mul3A_402 : i32
        %add3A_404 = arith.constant 96 : i32
        %add3A_405 = arith.addi %mul3A_403, %add3A_404 : i32
        %get3A_406 = arith.constant 1 : i32
        %get3A_407 = arith.index_cast %get3A_406 : i32 to index
        %get3A_408 = arith.index_cast %add3A_405 : i32 to index
        %get3A_409 = tpu.vector_load %arg13[%get3A_407, %get3A_408] {strides = array<i32>} : memref<2x8192xf32, #tpu.memory_space<vmem>>, vector<16xf32>,
        %exp3A_410 = math.exp %get3A_409 : vector<16xf32>
        %add3A_411 = arith.addf %add3A_401, %exp3A_410 : vector<16xf32>
        %mul3A_412 = arith.constant 256 : i32
        %mul3A_413 = arith.muli %scan3A_341, %mul3A_412 : i32
        %add3A_414 = arith.constant 112 : i32
        %add3A_415 = arith.addi %mul3A_413, %add3A_414 : i32
        %get3A_416 = arith.constant 1 : i32
        %get3A_417 = arith.index_cast %get3A_416 : i32 to index
        %get3A_418 = arith.index_cast %add3A_415 : i32 to index
        %get3A_419 = tpu.vector_load %arg13[%get3A_417, %get3A_418] {strides = array<i32>} : memref<2x8192xf32, #tpu.memory_space<vmem>>, vector<16xf32>,
        %exp3A_420 = math.exp %get3A_419 : vector<16xf32>
        %add3A_421 = arith.addf %add3A_411, %exp3A_420 : vector<16xf32>
        %mul3A_422 = arith.constant 256 : i32
        %mul3A_423 = arith.muli %scan3A_341, %mul3A_422 : i32
        %add3A_424 = arith.constant 128 : i32
        %add3A_425 = arith.addi %mul3A_423, %add3A_424 : i32
        %get3A_426 = arith.constant 1 : i32
        %get3A_427 = arith.index_cast %get3A_426 : i32 to index
        %get3A_428 = arith.index_cast %add3A_425 : i32 to index
        %get3A_429 = tpu.vector_load %arg13[%get3A_427, %get3A_428] {strides = array<i32>} : memref<2x8192xf32, #tpu.memory_space<vmem>>, vector<16xf32>,
        %exp3A_430 = math.exp %get3A_429 : vector<16xf32>
        %add3A_431 = arith.addf %add3A_421, %exp3A_430 : vector<16xf32>
        %mul3A_432 = arith.constant 256 : i32
        %mul3A_433 = arith.muli %scan3A_341, %mul3A_432 : i32
        %add3A_434 = arith.constant 144 : i32
        %add3A_435 = arith.addi %mul3A_433, %add3A_434 : i32
        %get3A_436 = arith.constant 1 : i32
        %get3A_437 = arith.index_cast %get3A_436 : i32 to index
        %get3A_438 = arith.index_cast %add3A_435 : i32 to index
        %get3A_439 = tpu.vector_load %arg13[%get3A_437, %get3A_438] {strides = array<i32>} : memref<2x8192xf32, #tpu.memory_space<vmem>>, vector<16xf32>,
        %exp3A_440 = math.exp %get3A_439 : vector<16xf32>
        %add3A_441 = arith.addf %add3A_431, %exp3A_440 : vector<16xf32>
        %mul3A_442 = arith.constant 256 : i32
        %mul3A_443 = arith.muli %scan3A_341, %mul3A_442 : i32
        %add3A_444 = arith.constant 160 : i32
        %add3A_445 = arith.addi %mul3A_443, %add3A_444 : i32
        %get3A_446 = arith.constant 1 : i32
        %get3A_447 = arith.index_cast %get3A_446 : i32 to index
        %get3A_448 = arith.index_cast %add3A_445 : i32 to index
        %get3A_449 = tpu.vector_load %arg13[%get3A_447, %get3A_448] {strides = array<i32>} : memref<2x8192xf32, #tpu.memory_space<vmem>>, vector<16xf32>,
        %exp3A_450 = math.exp %get3A_449 : vector<16xf32>
        %add3A_451 = arith.addf %add3A_441, %exp3A_450 : vector<16xf32>
        %mul3A_452 = arith.constant 256 : i32
        %mul3A_453 = arith.muli %scan3A_341, %mul3A_452 : i32
        %add3A_454 = arith.constant 176 : i32
        %add3A_455 = arith.addi %mul3A_453, %add3A_454 : i32
        %get3A_456 = arith.constant 1 : i32
        %get3A_457 = arith.index_cast %get3A_456 : i32 to index
        %get3A_458 = arith.index_cast %add3A_455 : i32 to index
        %get3A_459 = tpu.vector_load %arg13[%get3A_457, %get3A_458] {strides = array<i32>} : memref<2x8192xf32, #tpu.memory_space<vmem>>, vector<16xf32>,
        %exp3A_460 = math.exp %get3A_459 : vector<16xf32>
        %add3A_461 = arith.addf %add3A_451, %exp3A_460 : vector<16xf32>
        %mul3A_462 = arith.constant 256 : i32
        %mul3A_463 = arith.muli %scan3A_341, %mul3A_462 : i32
        %add3A_464 = arith.constant 192 : i32
        %add3A_465 = arith.addi %mul3A_463, %add3A_464 : i32
        %get3A_466 = arith.constant 1 : i32
        %get3A_467 = arith.index_cast %get3A_466 : i32 to index
        %get3A_468 = arith.index_cast %add3A_465 : i32 to index
        %get3A_469 = tpu.vector_load %arg13[%get3A_467, %get3A_468] {strides = array<i32>} : memref<2x8192xf32, #tpu.memory_space<vmem>>, vector<16xf32>,
        %exp3A_470 = math.exp %get3A_469 : vector<16xf32>
        %add3A_471 = arith.addf %add3A_461, %exp3A_470 : vector<16xf32>
        %mul3A_472 = arith.constant 256 : i32
        %mul3A_473 = arith.muli %scan3A_341, %mul3A_472 : i32
        %add3A_474 = arith.constant 208 : i32
        %add3A_475 = arith.addi %mul3A_473, %add3A_474 : i32
        %get3A_476 = arith.constant 1 : i32
        %get3A_477 = arith.index_cast %get3A_476 : i32 to index
        %get3A_478 = arith.index_cast %add3A_475 : i32 to index
        %get3A_479 = tpu.vector_load %arg13[%get3A_477, %get3A_478] {strides = array<i32>} : memref<2x8192xf32, #tpu.memory_space<vmem>>, vector<16xf32>,
        %exp3A_480 = math.exp %get3A_479 : vector<16xf32>
        %add3A_481 = arith.addf %add3A_471, %exp3A_480 : vector<16xf32>
        %mul3A_482 = arith.constant 256 : i32
        %mul3A_483 = arith.muli %scan3A_341, %mul3A_482 : i32
        %add3A_484 = arith.constant 224 : i32
        %add3A_485 = arith.addi %mul3A_483, %add3A_484 : i32
        %get3A_486 = arith.constant 1 : i32
        %get3A_487 = arith.index_cast %get3A_486 : i32 to index
        %get3A_488 = arith.index_cast %add3A_485 : i32 to index
        %get3A_489 = tpu.vector_load %arg13[%get3A_487, %get3A_488] {strides = array<i32>} : memref<2x8192xf32, #tpu.memory_space<vmem>>, vector<16xf32>,
        %exp3A_490 = math.exp %get3A_489 : vector<16xf32>
        %add3A_491 = arith.addf %add3A_481, %exp3A_490 : vector<16xf32>
        %mul3A_492 = arith.constant 256 : i32
        %mul3A_493 = arith.muli %scan3A_341, %mul3A_492 : i32
        %add3A_494 = arith.constant 240 : i32
        %add3A_495 = arith.addi %mul3A_493, %add3A_494 : i32
        %get3A_496 = arith.constant 1 : i32
        %get3A_497 = arith.index_cast %get3A_496 : i32 to index
        %get3A_498 = arith.index_cast %add3A_495 : i32 to index
        %get3A_499 = tpu.vector_load %arg13[%get3A_497, %get3A_498] {strides = array<i32>} : memref<2x8192xf32, #tpu.memory_space<vmem>>, vector<16xf32>,
        %exp3A_500 = math.exp %get3A_499 : vector<16xf32>
        %add3A_501 = arith.addf %add3A_491, %exp3A_500 : vector<16xf32>
        scf.yield %add3A_501 : vector<16xf32>
      }
      %scan3A_189 = arith.constant 32 : i32
      %mul3A_190 = arith.constant 16 : i32
      %mul3A_191 = arith.muli %add3A_181, %mul3A_190 : i32
      %add3A_192 = vector.broadcast %mul3A_191 : i32 to vector<16xi32>
      %add3A_193 = arith.addi %add3A_192, %iota3A : vector<16xi32>
      tpu.vector_store_idx %arg11[%add3A_193], %scan3A_188 : memref<4096xf32, #tpu.memory_space<vmem>>[vector<16xi32>], vector<16xf32>,
      %mul3A_194 = arith.constant 4 : i32
      %mul3A_195 = arith.muli %scan3A_50, %mul3A_194 : i32
      %add3A_196 = arith.constant 2 : i32
      %add3A_197 = arith.addi %mul3A_195, %add3A_196 : i32
      %dma_wait3A_198 = arith.constant 0 : i32
      %dma_wait3A_199 = arith.constant 0 : i32
      %dma_wait3A_200 = tpu.memref_slice %arg2[%dma_wait3A_198, %dma_wait3A_199] : memref<8192x8192xf32, #tpu.memory_space<hbm>> -> memref<2x8192xf32, #tpu.memory_space<hbm>>
      %dma_wait3A_201 = arith.constant 0 : i32
      %dma_wait3A_202 = arith.constant 0 : i32
      %dma_wait3A_203 = tpu.memref_slice %arg2[%dma_wait3A_201, %dma_wait3A_202] : memref<8192x8192xf32, #tpu.memory_space<hbm>> -> memref<2x8192xf32, #tpu.memory_space<hbm>>
      tpu.wait_dma2 semaphore(%arg18 : memref<!tpu.dma_semaphore, #tpu.memory_space<semaphore_mem>>) src(%dma_wait3A_203 : memref<2x8192xf32, #tpu.memory_space<hbm>>) dst(%arg14 : memref<2x8192xf32, #tpu.memory_space<vmem>>)
      %mul3A_204 = arith.constant 2 : i32
      %mul3A_205 = arith.muli %add3A_197, %mul3A_204 : i32
      %add3A_206 = arith.addi %mul3A_2, %mul3A_205 : i32
      %dma_start3A_207 = arith.constant 0 : i32
      %dma_start3A_208 = tpu.memref_slice %arg5[%add3A_206, %dma_start3A_207] : memref<8192x8192xf32, #tpu.memory_space<hbm>> -> memref<2x8192xf32, #tpu.memory_space<hbm>>
      %dma_start3A_209 = arith.constant 0 : i32
      %dma_start3A_210 = tpu.memref_slice %arg5[%add3A_206, %dma_start3A_209] : memref<8192x8192xf32, #tpu.memory_space<hbm>> -> memref<2x8192xf32, #tpu.memory_space<hbm>>
      tpu.enqueue_dma source(%arg14 : memref<2x8192xf32, #tpu.memory_space<vmem>>) target(%dma_start3A_210 : memref<2x8192xf32, #tpu.memory_space<hbm>>) target_semaphore(%arg22 : memref<!tpu.dma_semaphore, #tpu.memory_space<semaphore_mem>>)
      %add3A_211 = arith.constant 2 : i32
      %add3A_212 = arith.addi %add3A_197, %add3A_211 : i32
      %lt3A_213 = arith.constant 128 : i32
      %lt3A_214 = arith.cmpi slt, %add3A_212, %lt3A_213 : i32
      %convert_element_type3A_215 = arith.extui %lt3A_214 : i1 to i32
      %cond3A_216 = arith.constant 0 : i32
      %cond3A_217 = arith.cmpi ne, %convert_element_type3A_215, %cond3A_216 : i32
      scf.if %cond3A_217 {
        %ge3A = arith.constant 2 : i32
        %ge3A_341 = arith.cmpi sge, %add3A_197, %ge3A : i32
        %convert_element_type3A_342 = arith.extui %ge3A_341 : i1 to i32
        %cond3A_343 = arith.constant 0 : i32
        %cond3A_344 = arith.cmpi ne, %convert_element_type3A_342, %cond3A_343 : i32
        scf.if %cond3A_344 {
          %dma_wait3A_351 = arith.constant 0 : i32
          %dma_wait3A_352 = arith.constant 0 : i32
          %dma_wait3A_353 = tpu.memref_slice %arg5[%dma_wait3A_351, %dma_wait3A_352] : memref<8192x8192xf32, #tpu.memory_space<hbm>> -> memref<2x8192xf32, #tpu.memory_space<hbm>>
          %dma_wait3A_354 = arith.constant 0 : i32
          %dma_wait3A_355 = arith.constant 0 : i32
          %dma_wait3A_356 = tpu.memref_slice %arg5[%dma_wait3A_354, %dma_wait3A_355] : memref<8192x8192xf32, #tpu.memory_space<hbm>> -> memref<2x8192xf32, #tpu.memory_space<hbm>>
          tpu.wait_dma2 semaphore(%arg20 : memref<!tpu.dma_semaphore, #tpu.memory_space<semaphore_mem>>) src(%arg12 : memref<2x8192xf32, #tpu.memory_space<vmem>>) dst(%dma_wait3A_356 : memref<2x8192xf32, #tpu.memory_space<hbm>>)
        } else {
        }
        %dma_start3A_345 = arith.constant 0 : i32
        %dma_start3A_346 = tpu.memref_slice %arg8[%add3A_212, %dma_start3A_345] : memref<128x2xi32, #tpu.memory_space<vmem>> -> memref<1x2xi32, #tpu.memory_space<vmem>>
        %dma_start3A_347 = tpu.memref_squeeze %dma_start3A_346 : memref<1x2xi32, #tpu.memory_space<vmem>> -> memref<2xi32, #tpu.memory_space<vmem>>
        %dma_start3A_348 = arith.constant 0 : i32
        %dma_start3A_349 = arith.constant 0 : i32
        %dma_start3A_350 = tpu.memref_slice %arg2[%dma_start3A_348, %dma_start3A_349] : memref<8192x8192xf32, #tpu.memory_space<hbm>> -> memref<8192x8192xf32, #tpu.memory_space<hbm>>
        tpu.enqueue_indirect_dma source(%dma_start3A_350 : memref<8192x8192xf32, #tpu.memory_space<hbm>>) target(%arg12 : memref<2x8192xf32, #tpu.memory_space<vmem>>) offsets(%dma_start3A_347 : memref<2xi32, #tpu.memory_space<vmem>>) semaphore(%arg16 : memref<!tpu.dma_semaphore, #tpu.memory_space<semaphore_mem>>)
      } else {
      }
      %mul3A_218 = arith.constant 2 : i32
      %mul3A_219 = arith.muli %add3A_197, %mul3A_218 : i32
      %add3A_220 = vector.broadcast %mul3A_219 : i32 to vector<16xi32>
      %add3A_221 = arith.addi %add3A_220, %iota3A : vector<16xi32>
      %gather3A_222 = tpu.vector_load_idx %arg9[%add3A_221] : memref<272xi32, #tpu.memory_space<vmem>>[vector<16xi32>], vector<16xi32>,
      %jit3A_223 = arith.constant 0 : i32
      %broadcast_in_dim3A_224 = vector.broadcast %jit3A_223 : i32 to vector<16xi32>
      %select_n3A_225 = arith.select %lt3A_6, %gather3A_222, %broadcast_in_dim3A_224 : vector<16xi1>, vector<16xi32>
      %gather3A_226 = tpu.vector_load_idx %arg14[%select_n3A, %select_n3A_225] : memref<2x8192xf32, #tpu.memory_space<vmem>>[vector<16xi32>, vector<16xi32>], vector<16xf32>,
      %get3A_227 = arith.constant 0 : index
      %get3A_228 = tpu.vector_load %arg10[%get3A_227] {strides = array<i32>} : memref<16xf32, #tpu.memory_space<vmem>>, vector<16xf32>,
      %jit3A_229 = arith.constant 0.000000e+00 : f32
      %broadcast_in_dim3A_230 = vector.broadcast %jit3A_229 : f32 to vector<16xf32>
      %select_n3A_231 = arith.select %lt3A_6, %gather3A_226, %broadcast_in_dim3A_230 : vector<16xi1>, vector<16xf32>
      %add3A_232 = arith.addf %get3A_228, %select_n3A_231 : vector<16xf32>
      %swap3A_233 = arith.constant 0 : index
      %swap3A_234 = tpu.vector_load %arg10[%swap3A_233] {strides = array<i32>} : memref<16xf32, #tpu.memory_space<vmem>>, vector<16xf32>,
      tpu.vector_store %arg10[%swap3A_233], %add3A_232 {strides = array<i32>} : memref<16xf32, #tpu.memory_space<vmem>>, vector<16xf32>,
      %mul3A_235 = arith.constant 2 : i32
      %mul3A_236 = arith.muli %add3A_197, %mul3A_235 : i32
      %add3A_237 = arith.constant 0 : i32
      %add3A_238 = arith.addi %mul3A_236, %add3A_237 : i32
      %broadcast_in_dim3A_239 = arith.constant 0.000000e+00 : f32
      %broadcast_in_dim3A_240 = vector.broadcast %broadcast_in_dim3A_239 : f32 to vector<16xf32>
      %scan3A_241 = arith.constant 0 : i32
      %scan3A_242 = arith.constant 32 : i32
      %scan3A_243 = arith.addi %scan3A_241, %scan3A_242 : i32
      %scan3A_244 = arith.constant 1 : i32
      %scan3A_245 = scf.for %scan3A_341 = %scan3A_241 to %scan3A_243 step %scan3A_244 iter_args(%scan3A_342 = %broadcast_in_dim3A_240) -> (vector<16xf32>)  : i32 {
        %mul3A_343 = arith.constant 256 : i32
        %mul3A_344 = arith.muli %scan3A_341, %mul3A_343 : i32
        %add3A_345 = arith.constant 0 : i32
        %add3A_346 = arith.addi %mul3A_344, %add3A_345 : i32
        %get3A_347 = arith.constant 0 : i32
        %get3A_348 = arith.index_cast %get3A_347 : i32 to index
        %get3A_349 = arith.index_cast %add3A_346 : i32 to index
        %get3A_350 = tpu.vector_load %arg14[%get3A_348, %get3A_349] {strides = array<i32>} : memref<2x8192xf32, #tpu.memory_space<vmem>>, vector<16xf32>,
        %exp3A = math.exp %get3A_350 : vector<16xf32>
        %add3A_351 = arith.addf %scan3A_342, %exp3A : vector<16xf32>
        %mul3A_352 = arith.constant 256 : i32
        %mul3A_353 = arith.muli %scan3A_341, %mul3A_352 : i32
        %add3A_354 = arith.constant 16 : i32
        %add3A_355 = arith.addi %mul3A_353, %add3A_354 : i32
        %get3A_356 = arith.constant 0 : i32
        %get3A_357 = arith.index_cast %get3A_356 : i32 to index
        %get3A_358 = arith.index_cast %add3A_355 : i32 to index
        %get3A_359 = tpu.vector_load %arg14[%get3A_357, %get3A_358] {strides = array<i32>} : memref<2x8192xf32, #tpu.memory_space<vmem>>, vector<16xf32>,
        %exp3A_360 = math.exp %get3A_359 : vector<16xf32>
        %add3A_361 = arith.addf %add3A_351, %exp3A_360 : vector<16xf32>
        %mul3A_362 = arith.constant 256 : i32
        %mul3A_363 = arith.muli %scan3A_341, %mul3A_362 : i32
        %add3A_364 = arith.constant 32 : i32
        %add3A_365 = arith.addi %mul3A_363, %add3A_364 : i32
        %get3A_366 = arith.constant 0 : i32
        %get3A_367 = arith.index_cast %get3A_366 : i32 to index
        %get3A_368 = arith.index_cast %add3A_365 : i32 to index
        %get3A_369 = tpu.vector_load %arg14[%get3A_367, %get3A_368] {strides = array<i32>} : memref<2x8192xf32, #tpu.memory_space<vmem>>, vector<16xf32>,
        %exp3A_370 = math.exp %get3A_369 : vector<16xf32>
        %add3A_371 = arith.addf %add3A_361, %exp3A_370 : vector<16xf32>
        %mul3A_372 = arith.constant 256 : i32
        %mul3A_373 = arith.muli %scan3A_341, %mul3A_372 : i32
        %add3A_374 = arith.constant 48 : i32
        %add3A_375 = arith.addi %mul3A_373, %add3A_374 : i32
        %get3A_376 = arith.constant 0 : i32
        %get3A_377 = arith.index_cast %get3A_376 : i32 to index
        %get3A_378 = arith.index_cast %add3A_375 : i32 to index
        %get3A_379 = tpu.vector_load %arg14[%get3A_377, %get3A_378] {strides = array<i32>} : memref<2x8192xf32, #tpu.memory_space<vmem>>, vector<16xf32>,
        %exp3A_380 = math.exp %get3A_379 : vector<16xf32>
        %add3A_381 = arith.addf %add3A_371, %exp3A_380 : vector<16xf32>
        %mul3A_382 = arith.constant 256 : i32
        %mul3A_383 = arith.muli %scan3A_341, %mul3A_382 : i32
        %add3A_384 = arith.constant 64 : i32
        %add3A_385 = arith.addi %mul3A_383, %add3A_384 : i32
        %get3A_386 = arith.constant 0 : i32
        %get3A_387 = arith.index_cast %get3A_386 : i32 to index
        %get3A_388 = arith.index_cast %add3A_385 : i32 to index
        %get3A_389 = tpu.vector_load %arg14[%get3A_387, %get3A_388] {strides = array<i32>} : memref<2x8192xf32, #tpu.memory_space<vmem>>, vector<16xf32>,
        %exp3A_390 = math.exp %get3A_389 : vector<16xf32>
        %add3A_391 = arith.addf %add3A_381, %exp3A_390 : vector<16xf32>
        %mul3A_392 = arith.constant 256 : i32
        %mul3A_393 = arith.muli %scan3A_341, %mul3A_392 : i32
        %add3A_394 = arith.constant 80 : i32
        %add3A_395 = arith.addi %mul3A_393, %add3A_394 : i32
        %get3A_396 = arith.constant 0 : i32
        %get3A_397 = arith.index_cast %get3A_396 : i32 to index
        %get3A_398 = arith.index_cast %add3A_395 : i32 to index
        %get3A_399 = tpu.vector_load %arg14[%get3A_397, %get3A_398] {strides = array<i32>} : memref<2x8192xf32, #tpu.memory_space<vmem>>, vector<16xf32>,
        %exp3A_400 = math.exp %get3A_399 : vector<16xf32>
        %add3A_401 = arith.addf %add3A_391, %exp3A_400 : vector<16xf32>
        %mul3A_402 = arith.constant 256 : i32
        %mul3A_403 = arith.muli %scan3A_341, %mul3A_402 : i32
        %add3A_404 = arith.constant 96 : i32
        %add3A_405 = arith.addi %mul3A_403, %add3A_404 : i32
        %get3A_406 = arith.constant 0 : i32
        %get3A_407 = arith.index_cast %get3A_406 : i32 to index
        %get3A_408 = arith.index_cast %add3A_405 : i32 to index
        %get3A_409 = tpu.vector_load %arg14[%get3A_407, %get3A_408] {strides = array<i32>} : memref<2x8192xf32, #tpu.memory_space<vmem>>, vector<16xf32>,
        %exp3A_410 = math.exp %get3A_409 : vector<16xf32>
        %add3A_411 = arith.addf %add3A_401, %exp3A_410 : vector<16xf32>
        %mul3A_412 = arith.constant 256 : i32
        %mul3A_413 = arith.muli %scan3A_341, %mul3A_412 : i32
        %add3A_414 = arith.constant 112 : i32
        %add3A_415 = arith.addi %mul3A_413, %add3A_414 : i32
        %get3A_416 = arith.constant 0 : i32
        %get3A_417 = arith.index_cast %get3A_416 : i32 to index
        %get3A_418 = arith.index_cast %add3A_415 : i32 to index
        %get3A_419 = tpu.vector_load %arg14[%get3A_417, %get3A_418] {strides = array<i32>} : memref<2x8192xf32, #tpu.memory_space<vmem>>, vector<16xf32>,
        %exp3A_420 = math.exp %get3A_419 : vector<16xf32>
        %add3A_421 = arith.addf %add3A_411, %exp3A_420 : vector<16xf32>
        %mul3A_422 = arith.constant 256 : i32
        %mul3A_423 = arith.muli %scan3A_341, %mul3A_422 : i32
        %add3A_424 = arith.constant 128 : i32
        %add3A_425 = arith.addi %mul3A_423, %add3A_424 : i32
        %get3A_426 = arith.constant 0 : i32
        %get3A_427 = arith.index_cast %get3A_426 : i32 to index
        %get3A_428 = arith.index_cast %add3A_425 : i32 to index
        %get3A_429 = tpu.vector_load %arg14[%get3A_427, %get3A_428] {strides = array<i32>} : memref<2x8192xf32, #tpu.memory_space<vmem>>, vector<16xf32>,
        %exp3A_430 = math.exp %get3A_429 : vector<16xf32>
        %add3A_431 = arith.addf %add3A_421, %exp3A_430 : vector<16xf32>
        %mul3A_432 = arith.constant 256 : i32
        %mul3A_433 = arith.muli %scan3A_341, %mul3A_432 : i32
        %add3A_434 = arith.constant 144 : i32
        %add3A_435 = arith.addi %mul3A_433, %add3A_434 : i32
        %get3A_436 = arith.constant 0 : i32
        %get3A_437 = arith.index_cast %get3A_436 : i32 to index
        %get3A_438 = arith.index_cast %add3A_435 : i32 to index
        %get3A_439 = tpu.vector_load %arg14[%get3A_437, %get3A_438] {strides = array<i32>} : memref<2x8192xf32, #tpu.memory_space<vmem>>, vector<16xf32>,
        %exp3A_440 = math.exp %get3A_439 : vector<16xf32>
        %add3A_441 = arith.addf %add3A_431, %exp3A_440 : vector<16xf32>
        %mul3A_442 = arith.constant 256 : i32
        %mul3A_443 = arith.muli %scan3A_341, %mul3A_442 : i32
        %add3A_444 = arith.constant 160 : i32
        %add3A_445 = arith.addi %mul3A_443, %add3A_444 : i32
        %get3A_446 = arith.constant 0 : i32
        %get3A_447 = arith.index_cast %get3A_446 : i32 to index
        %get3A_448 = arith.index_cast %add3A_445 : i32 to index
        %get3A_449 = tpu.vector_load %arg14[%get3A_447, %get3A_448] {strides = array<i32>} : memref<2x8192xf32, #tpu.memory_space<vmem>>, vector<16xf32>,
        %exp3A_450 = math.exp %get3A_449 : vector<16xf32>
        %add3A_451 = arith.addf %add3A_441, %exp3A_450 : vector<16xf32>
        %mul3A_452 = arith.constant 256 : i32
        %mul3A_453 = arith.muli %scan3A_341, %mul3A_452 : i32
        %add3A_454 = arith.constant 176 : i32
        %add3A_455 = arith.addi %mul3A_453, %add3A_454 : i32
        %get3A_456 = arith.constant 0 : i32
        %get3A_457 = arith.index_cast %get3A_456 : i32 to index
        %get3A_458 = arith.index_cast %add3A_455 : i32 to index
        %get3A_459 = tpu.vector_load %arg14[%get3A_457, %get3A_458] {strides = array<i32>} : memref<2x8192xf32, #tpu.memory_space<vmem>>, vector<16xf32>,
        %exp3A_460 = math.exp %get3A_459 : vector<16xf32>
        %add3A_461 = arith.addf %add3A_451, %exp3A_460 : vector<16xf32>
        %mul3A_462 = arith.constant 256 : i32
        %mul3A_463 = arith.muli %scan3A_341, %mul3A_462 : i32
        %add3A_464 = arith.constant 192 : i32
        %add3A_465 = arith.addi %mul3A_463, %add3A_464 : i32
        %get3A_466 = arith.constant 0 : i32
        %get3A_467 = arith.index_cast %get3A_466 : i32 to index
        %get3A_468 = arith.index_cast %add3A_465 : i32 to index
        %get3A_469 = tpu.vector_load %arg14[%get3A_467, %get3A_468] {strides = array<i32>} : memref<2x8192xf32, #tpu.memory_space<vmem>>, vector<16xf32>,
        %exp3A_470 = math.exp %get3A_469 : vector<16xf32>
        %add3A_471 = arith.addf %add3A_461, %exp3A_470 : vector<16xf32>
        %mul3A_472 = arith.constant 256 : i32
        %mul3A_473 = arith.muli %scan3A_341, %mul3A_472 : i32
        %add3A_474 = arith.constant 208 : i32
        %add3A_475 = arith.addi %mul3A_473, %add3A_474 : i32
        %get3A_476 = arith.constant 0 : i32
        %get3A_477 = arith.index_cast %get3A_476 : i32 to index
        %get3A_478 = arith.index_cast %add3A_475 : i32 to index
        %get3A_479 = tpu.vector_load %arg14[%get3A_477, %get3A_478] {strides = array<i32>} : memref<2x8192xf32, #tpu.memory_space<vmem>>, vector<16xf32>,
        %exp3A_480 = math.exp %get3A_479 : vector<16xf32>
        %add3A_481 = arith.addf %add3A_471, %exp3A_480 : vector<16xf32>
        %mul3A_482 = arith.constant 256 : i32
        %mul3A_483 = arith.muli %scan3A_341, %mul3A_482 : i32
        %add3A_484 = arith.constant 224 : i32
        %add3A_485 = arith.addi %mul3A_483, %add3A_484 : i32
        %get3A_486 = arith.constant 0 : i32
        %get3A_487 = arith.index_cast %get3A_486 : i32 to index
        %get3A_488 = arith.index_cast %add3A_485 : i32 to index
        %get3A_489 = tpu.vector_load %arg14[%get3A_487, %get3A_488] {strides = array<i32>} : memref<2x8192xf32, #tpu.memory_space<vmem>>, vector<16xf32>,
        %exp3A_490 = math.exp %get3A_489 : vector<16xf32>
        %add3A_491 = arith.addf %add3A_481, %exp3A_490 : vector<16xf32>
        %mul3A_492 = arith.constant 256 : i32
        %mul3A_493 = arith.muli %scan3A_341, %mul3A_492 : i32
        %add3A_494 = arith.constant 240 : i32
        %add3A_495 = arith.addi %mul3A_493, %add3A_494 : i32
        %get3A_496 = arith.constant 0 : i32
        %get3A_497 = arith.index_cast %get3A_496 : i32 to index
        %get3A_498 = arith.index_cast %add3A_495 : i32 to index
        %get3A_499 = tpu.vector_load %arg14[%get3A_497, %get3A_498] {strides = array<i32>} : memref<2x8192xf32, #tpu.memory_space<vmem>>, vector<16xf32>,
        %exp3A_500 = math.exp %get3A_499 : vector<16xf32>
        %add3A_501 = arith.addf %add3A_491, %exp3A_500 : vector<16xf32>
        scf.yield %add3A_501 : vector<16xf32>
      }
      %scan3A_246 = arith.constant 32 : i32
      %mul3A_247 = arith.constant 16 : i32
      %mul3A_248 = arith.muli %add3A_238, %mul3A_247 : i32
      %add3A_249 = vector.broadcast %mul3A_248 : i32 to vector<16xi32>
      %add3A_250 = arith.addi %add3A_249, %iota3A : vector<16xi32>
      tpu.vector_store_idx %arg11[%add3A_250], %scan3A_245 : memref<4096xf32, #tpu.memory_space<vmem>>[vector<16xi32>], vector<16xf32>,
      %mul3A_251 = arith.constant 2 : i32
      %mul3A_252 = arith.muli %add3A_197, %mul3A_251 : i32
      %add3A_253 = arith.constant 1 : i32
      %add3A_254 = arith.addi %mul3A_252, %add3A_253 : i32
      %broadcast_in_dim3A_255 = arith.constant 0.000000e+00 : f32
      %broadcast_in_dim3A_256 = vector.broadcast %broadcast_in_dim3A_255 : f32 to vector<16xf32>
      %scan3A_257 = arith.constant 0 : i32
      %scan3A_258 = arith.constant 32 : i32
      %scan3A_259 = arith.addi %scan3A_257, %scan3A_258 : i32
      %scan3A_260 = arith.constant 1 : i32
      %scan3A_261 = scf.for %scan3A_341 = %scan3A_257 to %scan3A_259 step %scan3A_260 iter_args(%scan3A_342 = %broadcast_in_dim3A_256) -> (vector<16xf32>)  : i32 {
        %mul3A_343 = arith.constant 256 : i32
        %mul3A_344 = arith.muli %scan3A_341, %mul3A_343 : i32
        %add3A_345 = arith.constant 0 : i32
        %add3A_346 = arith.addi %mul3A_344, %add3A_345 : i32
        %get3A_347 = arith.constant 1 : i32
        %get3A_348 = arith.index_cast %get3A_347 : i32 to index
        %get3A_349 = arith.index_cast %add3A_346 : i32 to index
        %get3A_350 = tpu.vector_load %arg14[%get3A_348, %get3A_349] {strides = array<i32>} : memref<2x8192xf32, #tpu.memory_space<vmem>>, vector<16xf32>,
        %exp3A = math.exp %get3A_350 : vector<16xf32>
        %add3A_351 = arith.addf %scan3A_342, %exp3A : vector<16xf32>
        %mul3A_352 = arith.constant 256 : i32
        %mul3A_353 = arith.muli %scan3A_341, %mul3A_352 : i32
        %add3A_354 = arith.constant 16 : i32
        %add3A_355 = arith.addi %mul3A_353, %add3A_354 : i32
        %get3A_356 = arith.constant 1 : i32
        %get3A_357 = arith.index_cast %get3A_356 : i32 to index
        %get3A_358 = arith.index_cast %add3A_355 : i32 to index
        %get3A_359 = tpu.vector_load %arg14[%get3A_357, %get3A_358] {strides = array<i32>} : memref<2x8192xf32, #tpu.memory_space<vmem>>, vector<16xf32>,
        %exp3A_360 = math.exp %get3A_359 : vector<16xf32>
        %add3A_361 = arith.addf %add3A_351, %exp3A_360 : vector<16xf32>
        %mul3A_362 = arith.constant 256 : i32
        %mul3A_363 = arith.muli %scan3A_341, %mul3A_362 : i32
        %add3A_364 = arith.constant 32 : i32
        %add3A_365 = arith.addi %mul3A_363, %add3A_364 : i32
        %get3A_366 = arith.constant 1 : i32
        %get3A_367 = arith.index_cast %get3A_366 : i32 to index
        %get3A_368 = arith.index_cast %add3A_365 : i32 to index
        %get3A_369 = tpu.vector_load %arg14[%get3A_367, %get3A_368] {strides = array<i32>} : memref<2x8192xf32, #tpu.memory_space<vmem>>, vector<16xf32>,
        %exp3A_370 = math.exp %get3A_369 : vector<16xf32>
        %add3A_371 = arith.addf %add3A_361, %exp3A_370 : vector<16xf32>
        %mul3A_372 = arith.constant 256 : i32
        %mul3A_373 = arith.muli %scan3A_341, %mul3A_372 : i32
        %add3A_374 = arith.constant 48 : i32
        %add3A_375 = arith.addi %mul3A_373, %add3A_374 : i32
        %get3A_376 = arith.constant 1 : i32
        %get3A_377 = arith.index_cast %get3A_376 : i32 to index
        %get3A_378 = arith.index_cast %add3A_375 : i32 to index
        %get3A_379 = tpu.vector_load %arg14[%get3A_377, %get3A_378] {strides = array<i32>} : memref<2x8192xf32, #tpu.memory_space<vmem>>, vector<16xf32>,
        %exp3A_380 = math.exp %get3A_379 : vector<16xf32>
        %add3A_381 = arith.addf %add3A_371, %exp3A_380 : vector<16xf32>
        %mul3A_382 = arith.constant 256 : i32
        %mul3A_383 = arith.muli %scan3A_341, %mul3A_382 : i32
        %add3A_384 = arith.constant 64 : i32
        %add3A_385 = arith.addi %mul3A_383, %add3A_384 : i32
        %get3A_386 = arith.constant 1 : i32
        %get3A_387 = arith.index_cast %get3A_386 : i32 to index
        %get3A_388 = arith.index_cast %add3A_385 : i32 to index
        %get3A_389 = tpu.vector_load %arg14[%get3A_387, %get3A_388] {strides = array<i32>} : memref<2x8192xf32, #tpu.memory_space<vmem>>, vector<16xf32>,
        %exp3A_390 = math.exp %get3A_389 : vector<16xf32>
        %add3A_391 = arith.addf %add3A_381, %exp3A_390 : vector<16xf32>
        %mul3A_392 = arith.constant 256 : i32
        %mul3A_393 = arith.muli %scan3A_341, %mul3A_392 : i32
        %add3A_394 = arith.constant 80 : i32
        %add3A_395 = arith.addi %mul3A_393, %add3A_394 : i32
        %get3A_396 = arith.constant 1 : i32
        %get3A_397 = arith.index_cast %get3A_396 : i32 to index
        %get3A_398 = arith.index_cast %add3A_395 : i32 to index
        %get3A_399 = tpu.vector_load %arg14[%get3A_397, %get3A_398] {strides = array<i32>} : memref<2x8192xf32, #tpu.memory_space<vmem>>, vector<16xf32>,
        %exp3A_400 = math.exp %get3A_399 : vector<16xf32>
        %add3A_401 = arith.addf %add3A_391, %exp3A_400 : vector<16xf32>
        %mul3A_402 = arith.constant 256 : i32
        %mul3A_403 = arith.muli %scan3A_341, %mul3A_402 : i32
        %add3A_404 = arith.constant 96 : i32
        %add3A_405 = arith.addi %mul3A_403, %add3A_404 : i32
        %get3A_406 = arith.constant 1 : i32
        %get3A_407 = arith.index_cast %get3A_406 : i32 to index
        %get3A_408 = arith.index_cast %add3A_405 : i32 to index
        %get3A_409 = tpu.vector_load %arg14[%get3A_407, %get3A_408] {strides = array<i32>} : memref<2x8192xf32, #tpu.memory_space<vmem>>, vector<16xf32>,
        %exp3A_410 = math.exp %get3A_409 : vector<16xf32>
        %add3A_411 = arith.addf %add3A_401, %exp3A_410 : vector<16xf32>
        %mul3A_412 = arith.constant 256 : i32
        %mul3A_413 = arith.muli %scan3A_341, %mul3A_412 : i32
        %add3A_414 = arith.constant 112 : i32
        %add3A_415 = arith.addi %mul3A_413, %add3A_414 : i32
        %get3A_416 = arith.constant 1 : i32
        %get3A_417 = arith.index_cast %get3A_416 : i32 to index
        %get3A_418 = arith.index_cast %add3A_415 : i32 to index
        %get3A_419 = tpu.vector_load %arg14[%get3A_417, %get3A_418] {strides = array<i32>} : memref<2x8192xf32, #tpu.memory_space<vmem>>, vector<16xf32>,
        %exp3A_420 = math.exp %get3A_419 : vector<16xf32>
        %add3A_421 = arith.addf %add3A_411, %exp3A_420 : vector<16xf32>
        %mul3A_422 = arith.constant 256 : i32
        %mul3A_423 = arith.muli %scan3A_341, %mul3A_422 : i32
        %add3A_424 = arith.constant 128 : i32
        %add3A_425 = arith.addi %mul3A_423, %add3A_424 : i32
        %get3A_426 = arith.constant 1 : i32
        %get3A_427 = arith.index_cast %get3A_426 : i32 to index
        %get3A_428 = arith.index_cast %add3A_425 : i32 to index
        %get3A_429 = tpu.vector_load %arg14[%get3A_427, %get3A_428] {strides = array<i32>} : memref<2x8192xf32, #tpu.memory_space<vmem>>, vector<16xf32>,
        %exp3A_430 = math.exp %get3A_429 : vector<16xf32>
        %add3A_431 = arith.addf %add3A_421, %exp3A_430 : vector<16xf32>
        %mul3A_432 = arith.constant 256 : i32
        %mul3A_433 = arith.muli %scan3A_341, %mul3A_432 : i32
        %add3A_434 = arith.constant 144 : i32
        %add3A_435 = arith.addi %mul3A_433, %add3A_434 : i32
        %get3A_436 = arith.constant 1 : i32
        %get3A_437 = arith.index_cast %get3A_436 : i32 to index
        %get3A_438 = arith.index_cast %add3A_435 : i32 to index
        %get3A_439 = tpu.vector_load %arg14[%get3A_437, %get3A_438] {strides = array<i32>} : memref<2x8192xf32, #tpu.memory_space<vmem>>, vector<16xf32>,
        %exp3A_440 = math.exp %get3A_439 : vector<16xf32>
        %add3A_441 = arith.addf %add3A_431, %exp3A_440 : vector<16xf32>
        %mul3A_442 = arith.constant 256 : i32
        %mul3A_443 = arith.muli %scan3A_341, %mul3A_442 : i32
        %add3A_444 = arith.constant 160 : i32
        %add3A_445 = arith.addi %mul3A_443, %add3A_444 : i32
        %get3A_446 = arith.constant 1 : i32
        %get3A_447 = arith.index_cast %get3A_446 : i32 to index
        %get3A_448 = arith.index_cast %add3A_445 : i32 to index
        %get3A_449 = tpu.vector_load %arg14[%get3A_447, %get3A_448] {strides = array<i32>} : memref<2x8192xf32, #tpu.memory_space<vmem>>, vector<16xf32>,
        %exp3A_450 = math.exp %get3A_449 : vector<16xf32>
        %add3A_451 = arith.addf %add3A_441, %exp3A_450 : vector<16xf32>
        %mul3A_452 = arith.constant 256 : i32
        %mul3A_453 = arith.muli %scan3A_341, %mul3A_452 : i32
        %add3A_454 = arith.constant 176 : i32
        %add3A_455 = arith.addi %mul3A_453, %add3A_454 : i32
        %get3A_456 = arith.constant 1 : i32
        %get3A_457 = arith.index_cast %get3A_456 : i32 to index
        %get3A_458 = arith.index_cast %add3A_455 : i32 to index
        %get3A_459 = tpu.vector_load %arg14[%get3A_457, %get3A_458] {strides = array<i32>} : memref<2x8192xf32, #tpu.memory_space<vmem>>, vector<16xf32>,
        %exp3A_460 = math.exp %get3A_459 : vector<16xf32>
        %add3A_461 = arith.addf %add3A_451, %exp3A_460 : vector<16xf32>
        %mul3A_462 = arith.constant 256 : i32
        %mul3A_463 = arith.muli %scan3A_341, %mul3A_462 : i32
        %add3A_464 = arith.constant 192 : i32
        %add3A_465 = arith.addi %mul3A_463, %add3A_464 : i32
        %get3A_466 = arith.constant 1 : i32
        %get3A_467 = arith.index_cast %get3A_466 : i32 to index
        %get3A_468 = arith.index_cast %add3A_465 : i32 to index
        %get3A_469 = tpu.vector_load %arg14[%get3A_467, %get3A_468] {strides = array<i32>} : memref<2x8192xf32, #tpu.memory_space<vmem>>, vector<16xf32>,
        %exp3A_470 = math.exp %get3A_469 : vector<16xf32>
        %add3A_471 = arith.addf %add3A_461, %exp3A_470 : vector<16xf32>
        %mul3A_472 = arith.constant 256 : i32
        %mul3A_473 = arith.muli %scan3A_341, %mul3A_472 : i32
        %add3A_474 = arith.constant 208 : i32
        %add3A_475 = arith.addi %mul3A_473, %add3A_474 : i32
        %get3A_476 = arith.constant 1 : i32
        %get3A_477 = arith.index_cast %get3A_476 : i32 to index
        %get3A_478 = arith.index_cast %add3A_475 : i32 to index
        %get3A_479 = tpu.vector_load %arg14[%get3A_477, %get3A_478] {strides = array<i32>} : memref<2x8192xf32, #tpu.memory_space<vmem>>, vector<16xf32>,
        %exp3A_480 = math.exp %get3A_479 : vector<16xf32>
        %add3A_481 = arith.addf %add3A_471, %exp3A_480 : vector<16xf32>
        %mul3A_482 = arith.constant 256 : i32
        %mul3A_483 = arith.muli %scan3A_341, %mul3A_482 : i32
        %add3A_484 = arith.constant 224 : i32
        %add3A_485 = arith.addi %mul3A_483, %add3A_484 : i32
        %get3A_486 = arith.constant 1 : i32
        %get3A_487 = arith.index_cast %get3A_486 : i32 to index
        %get3A_488 = arith.index_cast %add3A_485 : i32 to index
        %get3A_489 = tpu.vector_load %arg14[%get3A_487, %get3A_488] {strides = array<i32>} : memref<2x8192xf32, #tpu.memory_space<vmem>>, vector<16xf32>,
        %exp3A_490 = math.exp %get3A_489 : vector<16xf32>
        %add3A_491 = arith.addf %add3A_481, %exp3A_490 : vector<16xf32>
        %mul3A_492 = arith.constant 256 : i32
        %mul3A_493 = arith.muli %scan3A_341, %mul3A_492 : i32
        %add3A_494 = arith.constant 240 : i32
        %add3A_495 = arith.addi %mul3A_493, %add3A_494 : i32
        %get3A_496 = arith.constant 1 : i32
        %get3A_497 = arith.index_cast %get3A_496 : i32 to index
        %get3A_498 = arith.index_cast %add3A_495 : i32 to index
        %get3A_499 = tpu.vector_load %arg14[%get3A_497, %get3A_498] {strides = array<i32>} : memref<2x8192xf32, #tpu.memory_space<vmem>>, vector<16xf32>,
        %exp3A_500 = math.exp %get3A_499 : vector<16xf32>
        %add3A_501 = arith.addf %add3A_491, %exp3A_500 : vector<16xf32>
        scf.yield %add3A_501 : vector<16xf32>
      }
      %scan3A_262 = arith.constant 32 : i32
      %mul3A_263 = arith.constant 16 : i32
      %mul3A_264 = arith.muli %add3A_254, %mul3A_263 : i32
      %add3A_265 = vector.broadcast %mul3A_264 : i32 to vector<16xi32>
      %add3A_266 = arith.addi %add3A_265, %iota3A : vector<16xi32>
      tpu.vector_store_idx %arg11[%add3A_266], %scan3A_261 : memref<4096xf32, #tpu.memory_space<vmem>>[vector<16xi32>], vector<16xf32>,
      %mul3A_267 = arith.constant 4 : i32
      %mul3A_268 = arith.muli %scan3A_50, %mul3A_267 : i32
      %add3A_269 = arith.constant 3 : i32
      %add3A_270 = arith.addi %mul3A_268, %add3A_269 : i32
      %dma_wait3A_271 = arith.constant 0 : i32
      %dma_wait3A_272 = arith.constant 0 : i32
      %dma_wait3A_273 = tpu.memref_slice %arg2[%dma_wait3A_271, %dma_wait3A_272] : memref<8192x8192xf32, #tpu.memory_space<hbm>> -> memref<2x8192xf32, #tpu.memory_space<hbm>>
      %dma_wait3A_274 = arith.constant 0 : i32
      %dma_wait3A_275 = arith.constant 0 : i32
      %dma_wait3A_276 = tpu.memref_slice %arg2[%dma_wait3A_274, %dma_wait3A_275] : memref<8192x8192xf32, #tpu.memory_space<hbm>> -> memref<2x8192xf32, #tpu.memory_space<hbm>>
      tpu.wait_dma2 semaphore(%arg19 : memref<!tpu.dma_semaphore, #tpu.memory_space<semaphore_mem>>) src(%dma_wait3A_276 : memref<2x8192xf32, #tpu.memory_space<hbm>>) dst(%arg15 : memref<2x8192xf32, #tpu.memory_space<vmem>>)
      %mul3A_277 = arith.constant 2 : i32
      %mul3A_278 = arith.muli %add3A_270, %mul3A_277 : i32
      %add3A_279 = arith.addi %mul3A_2, %mul3A_278 : i32
      %dma_start3A_280 = arith.constant 0 : i32
      %dma_start3A_281 = tpu.memref_slice %arg5[%add3A_279, %dma_start3A_280] : memref<8192x8192xf32, #tpu.memory_space<hbm>> -> memref<2x8192xf32, #tpu.memory_space<hbm>>
      %dma_start3A_282 = arith.constant 0 : i32
      %dma_start3A_283 = tpu.memref_slice %arg5[%add3A_279, %dma_start3A_282] : memref<8192x8192xf32, #tpu.memory_space<hbm>> -> memref<2x8192xf32, #tpu.memory_space<hbm>>
      tpu.enqueue_dma source(%arg15 : memref<2x8192xf32, #tpu.memory_space<vmem>>) target(%dma_start3A_283 : memref<2x8192xf32, #tpu.memory_space<hbm>>) target_semaphore(%arg23 : memref<!tpu.dma_semaphore, #tpu.memory_space<semaphore_mem>>)
      %add3A_284 = arith.constant 2 : i32
      %add3A_285 = arith.addi %add3A_270, %add3A_284 : i32
      %lt3A_286 = arith.constant 128 : i32
      %lt3A_287 = arith.cmpi slt, %add3A_285, %lt3A_286 : i32
      %convert_element_type3A_288 = arith.extui %lt3A_287 : i1 to i32
      %cond3A_289 = arith.constant 0 : i32
      %cond3A_290 = arith.cmpi ne, %convert_element_type3A_288, %cond3A_289 : i32
      scf.if %cond3A_290 {
        %ge3A = arith.constant 2 : i32
        %ge3A_341 = arith.cmpi sge, %add3A_270, %ge3A : i32
        %convert_element_type3A_342 = arith.extui %ge3A_341 : i1 to i32
        %cond3A_343 = arith.constant 0 : i32
        %cond3A_344 = arith.cmpi ne, %convert_element_type3A_342, %cond3A_343 : i32
        scf.if %cond3A_344 {
          %dma_wait3A_351 = arith.constant 0 : i32
          %dma_wait3A_352 = arith.constant 0 : i32
          %dma_wait3A_353 = tpu.memref_slice %arg5[%dma_wait3A_351, %dma_wait3A_352] : memref<8192x8192xf32, #tpu.memory_space<hbm>> -> memref<2x8192xf32, #tpu.memory_space<hbm>>
          %dma_wait3A_354 = arith.constant 0 : i32
          %dma_wait3A_355 = arith.constant 0 : i32
          %dma_wait3A_356 = tpu.memref_slice %arg5[%dma_wait3A_354, %dma_wait3A_355] : memref<8192x8192xf32, #tpu.memory_space<hbm>> -> memref<2x8192xf32, #tpu.memory_space<hbm>>
          tpu.wait_dma2 semaphore(%arg21 : memref<!tpu.dma_semaphore, #tpu.memory_space<semaphore_mem>>) src(%arg13 : memref<2x8192xf32, #tpu.memory_space<vmem>>) dst(%dma_wait3A_356 : memref<2x8192xf32, #tpu.memory_space<hbm>>)
        } else {
        }
        %dma_start3A_345 = arith.constant 0 : i32
        %dma_start3A_346 = tpu.memref_slice %arg8[%add3A_285, %dma_start3A_345] : memref<128x2xi32, #tpu.memory_space<vmem>> -> memref<1x2xi32, #tpu.memory_space<vmem>>
        %dma_start3A_347 = tpu.memref_squeeze %dma_start3A_346 : memref<1x2xi32, #tpu.memory_space<vmem>> -> memref<2xi32, #tpu.memory_space<vmem>>
        %dma_start3A_348 = arith.constant 0 : i32
        %dma_start3A_349 = arith.constant 0 : i32
        %dma_start3A_350 = tpu.memref_slice %arg2[%dma_start3A_348, %dma_start3A_349] : memref<8192x8192xf32, #tpu.memory_space<hbm>> -> memref<8192x8192xf32, #tpu.memory_space<hbm>>
        tpu.enqueue_indirect_dma source(%dma_start3A_350 : memref<8192x8192xf32, #tpu.memory_space<hbm>>) target(%arg13 : memref<2x8192xf32, #tpu.memory_space<vmem>>) offsets(%dma_start3A_347 : memref<2xi32, #tpu.memory_space<vmem>>) semaphore(%arg17 : memref<!tpu.dma_semaphore, #tpu.memory_space<semaphore_mem>>)
      } else {
      }
      %mul3A_291 = arith.constant 2 : i32
      %mul3A_292 = arith.muli %add3A_270, %mul3A_291 : i32
      %add3A_293 = vector.broadcast %mul3A_292 : i32 to vector<16xi32>
      %add3A_294 = arith.addi %add3A_293, %iota3A : vector<16xi32>
      %gather3A_295 = tpu.vector_load_idx %arg9[%add3A_294] : memref<272xi32, #tpu.memory_space<vmem>>[vector<16xi32>], vector<16xi32>,
      %jit3A_296 = arith.constant 0 : i32
      %broadcast_in_dim3A_297 = vector.broadcast %jit3A_296 : i32 to vector<16xi32>
      %select_n3A_298 = arith.select %lt3A_6, %gather3A_295, %broadcast_in_dim3A_297 : vector<16xi1>, vector<16xi32>
      %gather3A_299 = tpu.vector_load_idx %arg15[%select_n3A, %select_n3A_298] : memref<2x8192xf32, #tpu.memory_space<vmem>>[vector<16xi32>, vector<16xi32>], vector<16xf32>,
      %get3A_300 = arith.constant 0 : index
      %get3A_301 = tpu.vector_load %arg10[%get3A_300] {strides = array<i32>} : memref<16xf32, #tpu.memory_space<vmem>>, vector<16xf32>,
      %jit3A_302 = arith.constant 0.000000e+00 : f32
      %broadcast_in_dim3A_303 = vector.broadcast %jit3A_302 : f32 to vector<16xf32>
      %select_n3A_304 = arith.select %lt3A_6, %gather3A_299, %broadcast_in_dim3A_303 : vector<16xi1>, vector<16xf32>
      %add3A_305 = arith.addf %get3A_301, %select_n3A_304 : vector<16xf32>
      %swap3A_306 = arith.constant 0 : index
      %swap3A_307 = tpu.vector_load %arg10[%swap3A_306] {strides = array<i32>} : memref<16xf32, #tpu.memory_space<vmem>>, vector<16xf32>,
      tpu.vector_store %arg10[%swap3A_306], %add3A_305 {strides = array<i32>} : memref<16xf32, #tpu.memory_space<vmem>>, vector<16xf32>,
      %mul3A_308 = arith.constant 2 : i32
      %mul3A_309 = arith.muli %add3A_270, %mul3A_308 : i32
      %add3A_310 = arith.constant 0 : i32
      %add3A_311 = arith.addi %mul3A_309, %add3A_310 : i32
      %broadcast_in_dim3A_312 = arith.constant 0.000000e+00 : f32
      %broadcast_in_dim3A_313 = vector.broadcast %broadcast_in_dim3A_312 : f32 to vector<16xf32>
      %scan3A_314 = arith.constant 0 : i32
      %scan3A_315 = arith.constant 32 : i32
      %scan3A_316 = arith.addi %scan3A_314, %scan3A_315 : i32
      %scan3A_317 = arith.constant 1 : i32
      %scan3A_318 = scf.for %scan3A_341 = %scan3A_314 to %scan3A_316 step %scan3A_317 iter_args(%scan3A_342 = %broadcast_in_dim3A_313) -> (vector<16xf32>)  : i32 {
        %mul3A_343 = arith.constant 256 : i32
        %mul3A_344 = arith.muli %scan3A_341, %mul3A_343 : i32
        %add3A_345 = arith.constant 0 : i32
        %add3A_346 = arith.addi %mul3A_344, %add3A_345 : i32
        %get3A_347 = arith.constant 0 : i32
        %get3A_348 = arith.index_cast %get3A_347 : i32 to index
        %get3A_349 = arith.index_cast %add3A_346 : i32 to index
        %get3A_350 = tpu.vector_load %arg15[%get3A_348, %get3A_349] {strides = array<i32>} : memref<2x8192xf32, #tpu.memory_space<vmem>>, vector<16xf32>,
        %exp3A = math.exp %get3A_350 : vector<16xf32>
        %add3A_351 = arith.addf %scan3A_342, %exp3A : vector<16xf32>
        %mul3A_352 = arith.constant 256 : i32
        %mul3A_353 = arith.muli %scan3A_341, %mul3A_352 : i32
        %add3A_354 = arith.constant 16 : i32
        %add3A_355 = arith.addi %mul3A_353, %add3A_354 : i32
        %get3A_356 = arith.constant 0 : i32
        %get3A_357 = arith.index_cast %get3A_356 : i32 to index
        %get3A_358 = arith.index_cast %add3A_355 : i32 to index
        %get3A_359 = tpu.vector_load %arg15[%get3A_357, %get3A_358] {strides = array<i32>} : memref<2x8192xf32, #tpu.memory_space<vmem>>, vector<16xf32>,
        %exp3A_360 = math.exp %get3A_359 : vector<16xf32>
        %add3A_361 = arith.addf %add3A_351, %exp3A_360 : vector<16xf32>
        %mul3A_362 = arith.constant 256 : i32
        %mul3A_363 = arith.muli %scan3A_341, %mul3A_362 : i32
        %add3A_364 = arith.constant 32 : i32
        %add3A_365 = arith.addi %mul3A_363, %add3A_364 : i32
        %get3A_366 = arith.constant 0 : i32
        %get3A_367 = arith.index_cast %get3A_366 : i32 to index
        %get3A_368 = arith.index_cast %add3A_365 : i32 to index
        %get3A_369 = tpu.vector_load %arg15[%get3A_367, %get3A_368] {strides = array<i32>} : memref<2x8192xf32, #tpu.memory_space<vmem>>, vector<16xf32>,
        %exp3A_370 = math.exp %get3A_369 : vector<16xf32>
        %add3A_371 = arith.addf %add3A_361, %exp3A_370 : vector<16xf32>
        %mul3A_372 = arith.constant 256 : i32
        %mul3A_373 = arith.muli %scan3A_341, %mul3A_372 : i32
        %add3A_374 = arith.constant 48 : i32
        %add3A_375 = arith.addi %mul3A_373, %add3A_374 : i32
        %get3A_376 = arith.constant 0 : i32
        %get3A_377 = arith.index_cast %get3A_376 : i32 to index
        %get3A_378 = arith.index_cast %add3A_375 : i32 to index
        %get3A_379 = tpu.vector_load %arg15[%get3A_377, %get3A_378] {strides = array<i32>} : memref<2x8192xf32, #tpu.memory_space<vmem>>, vector<16xf32>,
        %exp3A_380 = math.exp %get3A_379 : vector<16xf32>
        %add3A_381 = arith.addf %add3A_371, %exp3A_380 : vector<16xf32>
        %mul3A_382 = arith.constant 256 : i32
        %mul3A_383 = arith.muli %scan3A_341, %mul3A_382 : i32
        %add3A_384 = arith.constant 64 : i32
        %add3A_385 = arith.addi %mul3A_383, %add3A_384 : i32
        %get3A_386 = arith.constant 0 : i32
        %get3A_387 = arith.index_cast %get3A_386 : i32 to index
        %get3A_388 = arith.index_cast %add3A_385 : i32 to index
        %get3A_389 = tpu.vector_load %arg15[%get3A_387, %get3A_388] {strides = array<i32>} : memref<2x8192xf32, #tpu.memory_space<vmem>>, vector<16xf32>,
        %exp3A_390 = math.exp %get3A_389 : vector<16xf32>
        %add3A_391 = arith.addf %add3A_381, %exp3A_390 : vector<16xf32>
        %mul3A_392 = arith.constant 256 : i32
        %mul3A_393 = arith.muli %scan3A_341, %mul3A_392 : i32
        %add3A_394 = arith.constant 80 : i32
        %add3A_395 = arith.addi %mul3A_393, %add3A_394 : i32
        %get3A_396 = arith.constant 0 : i32
        %get3A_397 = arith.index_cast %get3A_396 : i32 to index
        %get3A_398 = arith.index_cast %add3A_395 : i32 to index
        %get3A_399 = tpu.vector_load %arg15[%get3A_397, %get3A_398] {strides = array<i32>} : memref<2x8192xf32, #tpu.memory_space<vmem>>, vector<16xf32>,
        %exp3A_400 = math.exp %get3A_399 : vector<16xf32>
        %add3A_401 = arith.addf %add3A_391, %exp3A_400 : vector<16xf32>
        %mul3A_402 = arith.constant 256 : i32
        %mul3A_403 = arith.muli %scan3A_341, %mul3A_402 : i32
        %add3A_404 = arith.constant 96 : i32
        %add3A_405 = arith.addi %mul3A_403, %add3A_404 : i32
        %get3A_406 = arith.constant 0 : i32
        %get3A_407 = arith.index_cast %get3A_406 : i32 to index
        %get3A_408 = arith.index_cast %add3A_405 : i32 to index
        %get3A_409 = tpu.vector_load %arg15[%get3A_407, %get3A_408] {strides = array<i32>} : memref<2x8192xf32, #tpu.memory_space<vmem>>, vector<16xf32>,
        %exp3A_410 = math.exp %get3A_409 : vector<16xf32>
        %add3A_411 = arith.addf %add3A_401, %exp3A_410 : vector<16xf32>
        %mul3A_412 = arith.constant 256 : i32
        %mul3A_413 = arith.muli %scan3A_341, %mul3A_412 : i32
        %add3A_414 = arith.constant 112 : i32
        %add3A_415 = arith.addi %mul3A_413, %add3A_414 : i32
        %get3A_416 = arith.constant 0 : i32
        %get3A_417 = arith.index_cast %get3A_416 : i32 to index
        %get3A_418 = arith.index_cast %add3A_415 : i32 to index
        %get3A_419 = tpu.vector_load %arg15[%get3A_417, %get3A_418] {strides = array<i32>} : memref<2x8192xf32, #tpu.memory_space<vmem>>, vector<16xf32>,
        %exp3A_420 = math.exp %get3A_419 : vector<16xf32>
        %add3A_421 = arith.addf %add3A_411, %exp3A_420 : vector<16xf32>
        %mul3A_422 = arith.constant 256 : i32
        %mul3A_423 = arith.muli %scan3A_341, %mul3A_422 : i32
        %add3A_424 = arith.constant 128 : i32
        %add3A_425 = arith.addi %mul3A_423, %add3A_424 : i32
        %get3A_426 = arith.constant 0 : i32
        %get3A_427 = arith.index_cast %get3A_426 : i32 to index
        %get3A_428 = arith.index_cast %add3A_425 : i32 to index
        %get3A_429 = tpu.vector_load %arg15[%get3A_427, %get3A_428] {strides = array<i32>} : memref<2x8192xf32, #tpu.memory_space<vmem>>, vector<16xf32>,
        %exp3A_430 = math.exp %get3A_429 : vector<16xf32>
        %add3A_431 = arith.addf %add3A_421, %exp3A_430 : vector<16xf32>
        %mul3A_432 = arith.constant 256 : i32
        %mul3A_433 = arith.muli %scan3A_341, %mul3A_432 : i32
        %add3A_434 = arith.constant 144 : i32
        %add3A_435 = arith.addi %mul3A_433, %add3A_434 : i32
        %get3A_436 = arith.constant 0 : i32
        %get3A_437 = arith.index_cast %get3A_436 : i32 to index
        %get3A_438 = arith.index_cast %add3A_435 : i32 to index
        %get3A_439 = tpu.vector_load %arg15[%get3A_437, %get3A_438] {strides = array<i32>} : memref<2x8192xf32, #tpu.memory_space<vmem>>, vector<16xf32>,
        %exp3A_440 = math.exp %get3A_439 : vector<16xf32>
        %add3A_441 = arith.addf %add3A_431, %exp3A_440 : vector<16xf32>
        %mul3A_442 = arith.constant 256 : i32
        %mul3A_443 = arith.muli %scan3A_341, %mul3A_442 : i32
        %add3A_444 = arith.constant 160 : i32
        %add3A_445 = arith.addi %mul3A_443, %add3A_444 : i32
        %get3A_446 = arith.constant 0 : i32
        %get3A_447 = arith.index_cast %get3A_446 : i32 to index
        %get3A_448 = arith.index_cast %add3A_445 : i32 to index
        %get3A_449 = tpu.vector_load %arg15[%get3A_447, %get3A_448] {strides = array<i32>} : memref<2x8192xf32, #tpu.memory_space<vmem>>, vector<16xf32>,
        %exp3A_450 = math.exp %get3A_449 : vector<16xf32>
        %add3A_451 = arith.addf %add3A_441, %exp3A_450 : vector<16xf32>
        %mul3A_452 = arith.constant 256 : i32
        %mul3A_453 = arith.muli %scan3A_341, %mul3A_452 : i32
        %add3A_454 = arith.constant 176 : i32
        %add3A_455 = arith.addi %mul3A_453, %add3A_454 : i32
        %get3A_456 = arith.constant 0 : i32
        %get3A_457 = arith.index_cast %get3A_456 : i32 to index
        %get3A_458 = arith.index_cast %add3A_455 : i32 to index
        %get3A_459 = tpu.vector_load %arg15[%get3A_457, %get3A_458] {strides = array<i32>} : memref<2x8192xf32, #tpu.memory_space<vmem>>, vector<16xf32>,
        %exp3A_460 = math.exp %get3A_459 : vector<16xf32>
        %add3A_461 = arith.addf %add3A_451, %exp3A_460 : vector<16xf32>
        %mul3A_462 = arith.constant 256 : i32
        %mul3A_463 = arith.muli %scan3A_341, %mul3A_462 : i32
        %add3A_464 = arith.constant 192 : i32
        %add3A_465 = arith.addi %mul3A_463, %add3A_464 : i32
        %get3A_466 = arith.constant 0 : i32
        %get3A_467 = arith.index_cast %get3A_466 : i32 to index
        %get3A_468 = arith.index_cast %add3A_465 : i32 to index
        %get3A_469 = tpu.vector_load %arg15[%get3A_467, %get3A_468] {strides = array<i32>} : memref<2x8192xf32, #tpu.memory_space<vmem>>, vector<16xf32>,
        %exp3A_470 = math.exp %get3A_469 : vector<16xf32>
        %add3A_471 = arith.addf %add3A_461, %exp3A_470 : vector<16xf32>
        %mul3A_472 = arith.constant 256 : i32
        %mul3A_473 = arith.muli %scan3A_341, %mul3A_472 : i32
        %add3A_474 = arith.constant 208 : i32
        %add3A_475 = arith.addi %mul3A_473, %add3A_474 : i32
        %get3A_476 = arith.constant 0 : i32
        %get3A_477 = arith.index_cast %get3A_476 : i32 to index
        %get3A_478 = arith.index_cast %add3A_475 : i32 to index
        %get3A_479 = tpu.vector_load %arg15[%get3A_477, %get3A_478] {strides = array<i32>} : memref<2x8192xf32, #tpu.memory_space<vmem>>, vector<16xf32>,
        %exp3A_480 = math.exp %get3A_479 : vector<16xf32>
        %add3A_481 = arith.addf %add3A_471, %exp3A_480 : vector<16xf32>
        %mul3A_482 = arith.constant 256 : i32
        %mul3A_483 = arith.muli %scan3A_341, %mul3A_482 : i32
        %add3A_484 = arith.constant 224 : i32
        %add3A_485 = arith.addi %mul3A_483, %add3A_484 : i32
        %get3A_486 = arith.constant 0 : i32
        %get3A_487 = arith.index_cast %get3A_486 : i32 to index
        %get3A_488 = arith.index_cast %add3A_485 : i32 to index
        %get3A_489 = tpu.vector_load %arg15[%get3A_487, %get3A_488] {strides = array<i32>} : memref<2x8192xf32, #tpu.memory_space<vmem>>, vector<16xf32>,
        %exp3A_490 = math.exp %get3A_489 : vector<16xf32>
        %add3A_491 = arith.addf %add3A_481, %exp3A_490 : vector<16xf32>
        %mul3A_492 = arith.constant 256 : i32
        %mul3A_493 = arith.muli %scan3A_341, %mul3A_492 : i32
        %add3A_494 = arith.constant 240 : i32
        %add3A_495 = arith.addi %mul3A_493, %add3A_494 : i32
        %get3A_496 = arith.constant 0 : i32
        %get3A_497 = arith.index_cast %get3A_496 : i32 to index
        %get3A_498 = arith.index_cast %add3A_495 : i32 to index
        %get3A_499 = tpu.vector_load %arg15[%get3A_497, %get3A_498] {strides = array<i32>} : memref<2x8192xf32, #tpu.memory_space<vmem>>, vector<16xf32>,
        %exp3A_500 = math.exp %get3A_499 : vector<16xf32>
        %add3A_501 = arith.addf %add3A_491, %exp3A_500 : vector<16xf32>
        scf.yield %add3A_501 : vector<16xf32>
      }
      %scan3A_319 = arith.constant 32 : i32
      %mul3A_320 = arith.constant 16 : i32
      %mul3A_321 = arith.muli %add3A_311, %mul3A_320 : i32
      %add3A_322 = vector.broadcast %mul3A_321 : i32 to vector<16xi32>
      %add3A_323 = arith.addi %add3A_322, %iota3A : vector<16xi32>
      tpu.vector_store_idx %arg11[%add3A_323], %scan3A_318 : memref<4096xf32, #tpu.memory_space<vmem>>[vector<16xi32>], vector<16xf32>,
      %mul3A_324 = arith.constant 2 : i32
      %mul3A_325 = arith.muli %add3A_270, %mul3A_324 : i32
      %add3A_326 = arith.constant 1 : i32
      %add3A_327 = arith.addi %mul3A_325, %add3A_326 : i32
      %broadcast_in_dim3A_328 = arith.constant 0.000000e+00 : f32
      %broadcast_in_dim3A_329 = vector.broadcast %broadcast_in_dim3A_328 : f32 to vector<16xf32>
      %scan3A_330 = arith.constant 0 : i32
      %scan3A_331 = arith.constant 32 : i32
      %scan3A_332 = arith.addi %scan3A_330, %scan3A_331 : i32
      %scan3A_333 = arith.constant 1 : i32
      %scan3A_334 = scf.for %scan3A_341 = %scan3A_330 to %scan3A_332 step %scan3A_333 iter_args(%scan3A_342 = %broadcast_in_dim3A_329) -> (vector<16xf32>)  : i32 {
        %mul3A_343 = arith.constant 256 : i32
        %mul3A_344 = arith.muli %scan3A_341, %mul3A_343 : i32
        %add3A_345 = arith.constant 0 : i32
        %add3A_346 = arith.addi %mul3A_344, %add3A_345 : i32
        %get3A_347 = arith.constant 1 : i32
        %get3A_348 = arith.index_cast %get3A_347 : i32 to index
        %get3A_349 = arith.index_cast %add3A_346 : i32 to index
        %get3A_350 = tpu.vector_load %arg15[%get3A_348, %get3A_349] {strides = array<i32>} : memref<2x8192xf32, #tpu.memory_space<vmem>>, vector<16xf32>,
        %exp3A = math.exp %get3A_350 : vector<16xf32>
        %add3A_351 = arith.addf %scan3A_342, %exp3A : vector<16xf32>
        %mul3A_352 = arith.constant 256 : i32
        %mul3A_353 = arith.muli %scan3A_341, %mul3A_352 : i32
        %add3A_354 = arith.constant 16 : i32
        %add3A_355 = arith.addi %mul3A_353, %add3A_354 : i32
        %get3A_356 = arith.constant 1 : i32
        %get3A_357 = arith.index_cast %get3A_356 : i32 to index
        %get3A_358 = arith.index_cast %add3A_355 : i32 to index
        %get3A_359 = tpu.vector_load %arg15[%get3A_357, %get3A_358] {strides = array<i32>} : memref<2x8192xf32, #tpu.memory_space<vmem>>, vector<16xf32>,
        %exp3A_360 = math.exp %get3A_359 : vector<16xf32>
        %add3A_361 = arith.addf %add3A_351, %exp3A_360 : vector<16xf32>
        %mul3A_362 = arith.constant 256 : i32
        %mul3A_363 = arith.muli %scan3A_341, %mul3A_362 : i32
        %add3A_364 = arith.constant 32 : i32
        %add3A_365 = arith.addi %mul3A_363, %add3A_364 : i32
        %get3A_366 = arith.constant 1 : i32
        %get3A_367 = arith.index_cast %get3A_366 : i32 to index
        %get3A_368 = arith.index_cast %add3A_365 : i32 to index
        %get3A_369 = tpu.vector_load %arg15[%get3A_367, %get3A_368] {strides = array<i32>} : memref<2x8192xf32, #tpu.memory_space<vmem>>, vector<16xf32>,
        %exp3A_370 = math.exp %get3A_369 : vector<16xf32>
        %add3A_371 = arith.addf %add3A_361, %exp3A_370 : vector<16xf32>
        %mul3A_372 = arith.constant 256 : i32
        %mul3A_373 = arith.muli %scan3A_341, %mul3A_372 : i32
        %add3A_374 = arith.constant 48 : i32
        %add3A_375 = arith.addi %mul3A_373, %add3A_374 : i32
        %get3A_376 = arith.constant 1 : i32
        %get3A_377 = arith.index_cast %get3A_376 : i32 to index
        %get3A_378 = arith.index_cast %add3A_375 : i32 to index
        %get3A_379 = tpu.vector_load %arg15[%get3A_377, %get3A_378] {strides = array<i32>} : memref<2x8192xf32, #tpu.memory_space<vmem>>, vector<16xf32>,
        %exp3A_380 = math.exp %get3A_379 : vector<16xf32>
        %add3A_381 = arith.addf %add3A_371, %exp3A_380 : vector<16xf32>
        %mul3A_382 = arith.constant 256 : i32
        %mul3A_383 = arith.muli %scan3A_341, %mul3A_382 : i32
        %add3A_384 = arith.constant 64 : i32
        %add3A_385 = arith.addi %mul3A_383, %add3A_384 : i32
        %get3A_386 = arith.constant 1 : i32
        %get3A_387 = arith.index_cast %get3A_386 : i32 to index
        %get3A_388 = arith.index_cast %add3A_385 : i32 to index
        %get3A_389 = tpu.vector_load %arg15[%get3A_387, %get3A_388] {strides = array<i32>} : memref<2x8192xf32, #tpu.memory_space<vmem>>, vector<16xf32>,
        %exp3A_390 = math.exp %get3A_389 : vector<16xf32>
        %add3A_391 = arith.addf %add3A_381, %exp3A_390 : vector<16xf32>
        %mul3A_392 = arith.constant 256 : i32
        %mul3A_393 = arith.muli %scan3A_341, %mul3A_392 : i32
        %add3A_394 = arith.constant 80 : i32
        %add3A_395 = arith.addi %mul3A_393, %add3A_394 : i32
        %get3A_396 = arith.constant 1 : i32
        %get3A_397 = arith.index_cast %get3A_396 : i32 to index
        %get3A_398 = arith.index_cast %add3A_395 : i32 to index
        %get3A_399 = tpu.vector_load %arg15[%get3A_397, %get3A_398] {strides = array<i32>} : memref<2x8192xf32, #tpu.memory_space<vmem>>, vector<16xf32>,
        %exp3A_400 = math.exp %get3A_399 : vector<16xf32>
        %add3A_401 = arith.addf %add3A_391, %exp3A_400 : vector<16xf32>
        %mul3A_402 = arith.constant 256 : i32
        %mul3A_403 = arith.muli %scan3A_341, %mul3A_402 : i32
        %add3A_404 = arith.constant 96 : i32
        %add3A_405 = arith.addi %mul3A_403, %add3A_404 : i32
        %get3A_406 = arith.constant 1 : i32
        %get3A_407 = arith.index_cast %get3A_406 : i32 to index
        %get3A_408 = arith.index_cast %add3A_405 : i32 to index
        %get3A_409 = tpu.vector_load %arg15[%get3A_407, %get3A_408] {strides = array<i32>} : memref<2x8192xf32, #tpu.memory_space<vmem>>, vector<16xf32>,
        %exp3A_410 = math.exp %get3A_409 : vector<16xf32>
        %add3A_411 = arith.addf %add3A_401, %exp3A_410 : vector<16xf32>
        %mul3A_412 = arith.constant 256 : i32
        %mul3A_413 = arith.muli %scan3A_341, %mul3A_412 : i32
        %add3A_414 = arith.constant 112 : i32
        %add3A_415 = arith.addi %mul3A_413, %add3A_414 : i32
        %get3A_416 = arith.constant 1 : i32
        %get3A_417 = arith.index_cast %get3A_416 : i32 to index
        %get3A_418 = arith.index_cast %add3A_415 : i32 to index
        %get3A_419 = tpu.vector_load %arg15[%get3A_417, %get3A_418] {strides = array<i32>} : memref<2x8192xf32, #tpu.memory_space<vmem>>, vector<16xf32>,
        %exp3A_420 = math.exp %get3A_419 : vector<16xf32>
        %add3A_421 = arith.addf %add3A_411, %exp3A_420 : vector<16xf32>
        %mul3A_422 = arith.constant 256 : i32
        %mul3A_423 = arith.muli %scan3A_341, %mul3A_422 : i32
        %add3A_424 = arith.constant 128 : i32
        %add3A_425 = arith.addi %mul3A_423, %add3A_424 : i32
        %get3A_426 = arith.constant 1 : i32
        %get3A_427 = arith.index_cast %get3A_426 : i32 to index
        %get3A_428 = arith.index_cast %add3A_425 : i32 to index
        %get3A_429 = tpu.vector_load %arg15[%get3A_427, %get3A_428] {strides = array<i32>} : memref<2x8192xf32, #tpu.memory_space<vmem>>, vector<16xf32>,
        %exp3A_430 = math.exp %get3A_429 : vector<16xf32>
        %add3A_431 = arith.addf %add3A_421, %exp3A_430 : vector<16xf32>
        %mul3A_432 = arith.constant 256 : i32
        %mul3A_433 = arith.muli %scan3A_341, %mul3A_432 : i32
        %add3A_434 = arith.constant 144 : i32
        %add3A_435 = arith.addi %mul3A_433, %add3A_434 : i32
        %get3A_436 = arith.constant 1 : i32
        %get3A_437 = arith.index_cast %get3A_436 : i32 to index
        %get3A_438 = arith.index_cast %add3A_435 : i32 to index
        %get3A_439 = tpu.vector_load %arg15[%get3A_437, %get3A_438] {strides = array<i32>} : memref<2x8192xf32, #tpu.memory_space<vmem>>, vector<16xf32>,
        %exp3A_440 = math.exp %get3A_439 : vector<16xf32>
        %add3A_441 = arith.addf %add3A_431, %exp3A_440 : vector<16xf32>
        %mul3A_442 = arith.constant 256 : i32
        %mul3A_443 = arith.muli %scan3A_341, %mul3A_442 : i32
        %add3A_444 = arith.constant 160 : i32
        %add3A_445 = arith.addi %mul3A_443, %add3A_444 : i32
        %get3A_446 = arith.constant 1 : i32
        %get3A_447 = arith.index_cast %get3A_446 : i32 to index
        %get3A_448 = arith.index_cast %add3A_445 : i32 to index
        %get3A_449 = tpu.vector_load %arg15[%get3A_447, %get3A_448] {strides = array<i32>} : memref<2x8192xf32, #tpu.memory_space<vmem>>, vector<16xf32>,
        %exp3A_450 = math.exp %get3A_449 : vector<16xf32>
        %add3A_451 = arith.addf %add3A_441, %exp3A_450 : vector<16xf32>
        %mul3A_452 = arith.constant 256 : i32
        %mul3A_453 = arith.muli %scan3A_341, %mul3A_452 : i32
        %add3A_454 = arith.constant 176 : i32
        %add3A_455 = arith.addi %mul3A_453, %add3A_454 : i32
        %get3A_456 = arith.constant 1 : i32
        %get3A_457 = arith.index_cast %get3A_456 : i32 to index
        %get3A_458 = arith.index_cast %add3A_455 : i32 to index
        %get3A_459 = tpu.vector_load %arg15[%get3A_457, %get3A_458] {strides = array<i32>} : memref<2x8192xf32, #tpu.memory_space<vmem>>, vector<16xf32>,
        %exp3A_460 = math.exp %get3A_459 : vector<16xf32>
        %add3A_461 = arith.addf %add3A_451, %exp3A_460 : vector<16xf32>
        %mul3A_462 = arith.constant 256 : i32
        %mul3A_463 = arith.muli %scan3A_341, %mul3A_462 : i32
        %add3A_464 = arith.constant 192 : i32
        %add3A_465 = arith.addi %mul3A_463, %add3A_464 : i32
        %get3A_466 = arith.constant 1 : i32
        %get3A_467 = arith.index_cast %get3A_466 : i32 to index
        %get3A_468 = arith.index_cast %add3A_465 : i32 to index
        %get3A_469 = tpu.vector_load %arg15[%get3A_467, %get3A_468] {strides = array<i32>} : memref<2x8192xf32, #tpu.memory_space<vmem>>, vector<16xf32>,
        %exp3A_470 = math.exp %get3A_469 : vector<16xf32>
        %add3A_471 = arith.addf %add3A_461, %exp3A_470 : vector<16xf32>
        %mul3A_472 = arith.constant 256 : i32
        %mul3A_473 = arith.muli %scan3A_341, %mul3A_472 : i32
        %add3A_474 = arith.constant 208 : i32
        %add3A_475 = arith.addi %mul3A_473, %add3A_474 : i32
        %get3A_476 = arith.constant 1 : i32
        %get3A_477 = arith.index_cast %get3A_476 : i32 to index
        %get3A_478 = arith.index_cast %add3A_475 : i32 to index
        %get3A_479 = tpu.vector_load %arg15[%get3A_477, %get3A_478] {strides = array<i32>} : memref<2x8192xf32, #tpu.memory_space<vmem>>, vector<16xf32>,
        %exp3A_480 = math.exp %get3A_479 : vector<16xf32>
        %add3A_481 = arith.addf %add3A_471, %exp3A_480 : vector<16xf32>
        %mul3A_482 = arith.constant 256 : i32
        %mul3A_483 = arith.muli %scan3A_341, %mul3A_482 : i32
        %add3A_484 = arith.constant 224 : i32
        %add3A_485 = arith.addi %mul3A_483, %add3A_484 : i32
        %get3A_486 = arith.constant 1 : i32
        %get3A_487 = arith.index_cast %get3A_486 : i32 to index
        %get3A_488 = arith.index_cast %add3A_485 : i32 to index
        %get3A_489 = tpu.vector_load %arg15[%get3A_487, %get3A_488] {strides = array<i32>} : memref<2x8192xf32, #tpu.memory_space<vmem>>, vector<16xf32>,
        %exp3A_490 = math.exp %get3A_489 : vector<16xf32>
        %add3A_491 = arith.addf %add3A_481, %exp3A_490 : vector<16xf32>
        %mul3A_492 = arith.constant 256 : i32
        %mul3A_493 = arith.muli %scan3A_341, %mul3A_492 : i32
        %add3A_494 = arith.constant 240 : i32
        %add3A_495 = arith.addi %mul3A_493, %add3A_494 : i32
        %get3A_496 = arith.constant 1 : i32
        %get3A_497 = arith.index_cast %get3A_496 : i32 to index
        %get3A_498 = arith.index_cast %add3A_495 : i32 to index
        %get3A_499 = tpu.vector_load %arg15[%get3A_497, %get3A_498] {strides = array<i32>} : memref<2x8192xf32, #tpu.memory_space<vmem>>, vector<16xf32>,
        %exp3A_500 = math.exp %get3A_499 : vector<16xf32>
        %add3A_501 = arith.addf %add3A_491, %exp3A_500 : vector<16xf32>
        scf.yield %add3A_501 : vector<16xf32>
      }
      %scan3A_335 = arith.constant 32 : i32
      %mul3A_336 = arith.constant 16 : i32
      %mul3A_337 = arith.muli %add3A_327, %mul3A_336 : i32
      %add3A_338 = vector.broadcast %mul3A_337 : i32 to vector<16xi32>
      %add3A_339 = arith.addi %add3A_338, %iota3A : vector<16xi32>
      tpu.vector_store_idx %arg11[%add3A_339], %scan3A_334 : memref<4096xf32, #tpu.memory_space<vmem>>[vector<16xi32>], vector<16xf32>,
      %scan3A_340 = arith.constant 0 : i32
      scf.yield %scan3A_340 : i32
    }
    %scan3A_26 = arith.constant 32 : i32
    %dma_wait3A = arith.constant 0 : i32
    %dma_wait3A_27 = arith.constant 0 : i32
    %dma_wait3A_28 = tpu.memref_slice %arg5[%dma_wait3A, %dma_wait3A_27] : memref<8192x8192xf32, #tpu.memory_space<hbm>> -> memref<2x8192xf32, #tpu.memory_space<hbm>>
    %dma_wait3A_29 = arith.constant 0 : i32
    %dma_wait3A_30 = arith.constant 0 : i32
    %dma_wait3A_31 = tpu.memref_slice %arg5[%dma_wait3A_29, %dma_wait3A_30] : memref<8192x8192xf32, #tpu.memory_space<hbm>> -> memref<2x8192xf32, #tpu.memory_space<hbm>>
    tpu.wait_dma2 semaphore(%arg20 : memref<!tpu.dma_semaphore, #tpu.memory_space<semaphore_mem>>) src(%arg12 : memref<2x8192xf32, #tpu.memory_space<vmem>>) dst(%dma_wait3A_31 : memref<2x8192xf32, #tpu.memory_space<hbm>>)
    %dma_wait3A_32 = arith.constant 0 : i32
    %dma_wait3A_33 = arith.constant 0 : i32
    %dma_wait3A_34 = tpu.memref_slice %arg5[%dma_wait3A_32, %dma_wait3A_33] : memref<8192x8192xf32, #tpu.memory_space<hbm>> -> memref<2x8192xf32, #tpu.memory_space<hbm>>
    %dma_wait3A_35 = arith.constant 0 : i32
    %dma_wait3A_36 = arith.constant 0 : i32
    %dma_wait3A_37 = tpu.memref_slice %arg5[%dma_wait3A_35, %dma_wait3A_36] : memref<8192x8192xf32, #tpu.memory_space<hbm>> -> memref<2x8192xf32, #tpu.memory_space<hbm>>
    tpu.wait_dma2 semaphore(%arg21 : memref<!tpu.dma_semaphore, #tpu.memory_space<semaphore_mem>>) src(%arg13 : memref<2x8192xf32, #tpu.memory_space<vmem>>) dst(%dma_wait3A_37 : memref<2x8192xf32, #tpu.memory_space<hbm>>)
    %dma_wait3A_38 = arith.constant 0 : i32
    %dma_wait3A_39 = arith.constant 0 : i32
    %dma_wait3A_40 = tpu.memref_slice %arg5[%dma_wait3A_38, %dma_wait3A_39] : memref<8192x8192xf32, #tpu.memory_space<hbm>> -> memref<2x8192xf32, #tpu.memory_space<hbm>>
    %dma_wait3A_41 = arith.constant 0 : i32
    %dma_wait3A_42 = arith.constant 0 : i32
    %dma_wait3A_43 = tpu.memref_slice %arg5[%dma_wait3A_41, %dma_wait3A_42] : memref<8192x8192xf32, #tpu.memory_space<hbm>> -> memref<2x8192xf32, #tpu.memory_space<hbm>>
    tpu.wait_dma2 semaphore(%arg22 : memref<!tpu.dma_semaphore, #tpu.memory_space<semaphore_mem>>) src(%arg14 : memref<2x8192xf32, #tpu.memory_space<vmem>>) dst(%dma_wait3A_43 : memref<2x8192xf32, #tpu.memory_space<hbm>>)
    %dma_wait3A_44 = arith.constant 0 : i32
    %dma_wait3A_45 = arith.constant 0 : i32
    %dma_wait3A_46 = tpu.memref_slice %arg5[%dma_wait3A_44, %dma_wait3A_45] : memref<8192x8192xf32, #tpu.memory_space<hbm>> -> memref<2x8192xf32, #tpu.memory_space<hbm>>
    %dma_wait3A_47 = arith.constant 0 : i32
    %dma_wait3A_48 = arith.constant 0 : i32
    %dma_wait3A_49 = tpu.memref_slice %arg5[%dma_wait3A_47, %dma_wait3A_48] : memref<8192x8192xf32, #tpu.memory_space<hbm>> -> memref<2x8192xf32, #tpu.memory_space<hbm>>
    tpu.wait_dma2 semaphore(%arg23 : memref<!tpu.dma_semaphore, #tpu.memory_space<semaphore_mem>>) src(%arg15 : memref<2x8192xf32, #tpu.memory_space<vmem>>) dst(%dma_wait3A_49 : memref<2x8192xf32, #tpu.memory_space<hbm>>)
    "tpu.region"() ({
      %run_scoped3A = tpu.sem_alloc : memref<!tpu.dma_semaphore, #tpu.memory_space<semaphore_mem>>
      %dma_start3A_50 = arith.constant 0 : i32
      %dma_start3A_51 = tpu.memref_slice %arg6[%add3A, %dma_start3A_50] : memref<32x16xf32, #tpu.memory_space<hbm>> -> memref<1x16xf32, #tpu.memory_space<hbm>>
      %dma_start3A_52 = tpu.memref_squeeze %dma_start3A_51 : memref<1x16xf32, #tpu.memory_space<hbm>> -> memref<16xf32, #tpu.memory_space<hbm>>
      %dma_start3A_53 = arith.constant 0 : i32
      %dma_start3A_54 = tpu.memref_slice %arg6[%add3A, %dma_start3A_53] : memref<32x16xf32, #tpu.memory_space<hbm>> -> memref<1x16xf32, #tpu.memory_space<hbm>>
      %dma_start3A_55 = tpu.memref_squeeze %dma_start3A_54 : memref<1x16xf32, #tpu.memory_space<hbm>> -> memref<16xf32, #tpu.memory_space<hbm>>
      tpu.enqueue_dma source(%arg10 : memref<16xf32, #tpu.memory_space<vmem>>) target(%dma_start3A_55 : memref<16xf32, #tpu.memory_space<hbm>>) target_semaphore(%run_scoped3A : memref<!tpu.dma_semaphore, #tpu.memory_space<semaphore_mem>>)
      %dma_wait3A_56 = arith.constant 0 : i32
      %dma_wait3A_57 = tpu.memref_slice %arg6[%add3A, %dma_wait3A_56] : memref<32x16xf32, #tpu.memory_space<hbm>> -> memref<1x16xf32, #tpu.memory_space<hbm>>
      %dma_wait3A_58 = tpu.memref_squeeze %dma_wait3A_57 : memref<1x16xf32, #tpu.memory_space<hbm>> -> memref<16xf32, #tpu.memory_space<hbm>>
      %dma_wait3A_59 = arith.constant 0 : i32
      %dma_wait3A_60 = tpu.memref_slice %arg6[%add3A, %dma_wait3A_59] : memref<32x16xf32, #tpu.memory_space<hbm>> -> memref<1x16xf32, #tpu.memory_space<hbm>>
      %dma_wait3A_61 = tpu.memref_squeeze %dma_wait3A_60 : memref<1x16xf32, #tpu.memory_space<hbm>> -> memref<16xf32, #tpu.memory_space<hbm>>
      tpu.wait_dma2 semaphore(%run_scoped3A : memref<!tpu.dma_semaphore, #tpu.memory_space<semaphore_mem>>) src(%arg10 : memref<16xf32, #tpu.memory_space<vmem>>) dst(%dma_wait3A_61 : memref<16xf32, #tpu.memory_space<hbm>>)
      tpu.yield
    }) : () -> ()
    "tpu.region"() ({
      %run_scoped3A = tpu.sem_alloc : memref<!tpu.dma_semaphore, #tpu.memory_space<semaphore_mem>>
      %dma_start3A_50 = arith.constant 0 : i32
      %dma_start3A_51 = tpu.memref_slice %arg7[%add3A, %dma_start3A_50] : memref<32x4096xf32, #tpu.memory_space<hbm>> -> memref<1x4096xf32, #tpu.memory_space<hbm>>
      %dma_start3A_52 = tpu.memref_squeeze %dma_start3A_51 : memref<1x4096xf32, #tpu.memory_space<hbm>> -> memref<4096xf32, #tpu.memory_space<hbm>>
      %dma_start3A_53 = arith.constant 0 : i32
      %dma_start3A_54 = tpu.memref_slice %arg7[%add3A, %dma_start3A_53] : memref<32x4096xf32, #tpu.memory_space<hbm>> -> memref<1x4096xf32, #tpu.memory_space<hbm>>
      %dma_start3A_55 = tpu.memref_squeeze %dma_start3A_54 : memref<1x4096xf32, #tpu.memory_space<hbm>> -> memref<4096xf32, #tpu.memory_space<hbm>>
      tpu.enqueue_dma source(%arg11 : memref<4096xf32, #tpu.memory_space<vmem>>) target(%dma_start3A_55 : memref<4096xf32, #tpu.memory_space<hbm>>) target_semaphore(%run_scoped3A : memref<!tpu.dma_semaphore, #tpu.memory_space<semaphore_mem>>)
      %dma_wait3A_56 = arith.constant 0 : i32
      %dma_wait3A_57 = tpu.memref_slice %arg7[%add3A, %dma_wait3A_56] : memref<32x4096xf32, #tpu.memory_space<hbm>> -> memref<1x4096xf32, #tpu.memory_space<hbm>>
      %dma_wait3A_58 = tpu.memref_squeeze %dma_wait3A_57 : memref<1x4096xf32, #tpu.memory_space<hbm>> -> memref<4096xf32, #tpu.memory_space<hbm>>
      %dma_wait3A_59 = arith.constant 0 : i32
      %dma_wait3A_60 = tpu.memref_slice %arg7[%add3A, %dma_wait3A_59] : memref<32x4096xf32, #tpu.memory_space<hbm>> -> memref<1x4096xf32, #tpu.memory_space<hbm>>
      %dma_wait3A_61 = tpu.memref_squeeze %dma_wait3A_60 : memref<1x4096xf32, #tpu.memory_space<hbm>> -> memref<4096xf32, #tpu.memory_space<hbm>>
      tpu.wait_dma2 semaphore(%run_scoped3A : memref<!tpu.dma_semaphore, #tpu.memory_space<semaphore_mem>>) src(%arg11 : memref<4096xf32, #tpu.memory_space<vmem>>) dst(%dma_wait3A_61 : memref<4096xf32, #tpu.memory_space<hbm>>)
      tpu.yield
    }) : () -> ()
    return
  }
}

module attributes {stable_mosaic.version = 14 : i64} {
  func.func @_finish_body(%arg0: memref<8192x16xf32, #tpu.memory_space<vmem>>, %arg1: memref<32x16xf32, #tpu.memory_space<vmem>>, %arg2: memref<1x1xf32, #tpu.memory_space<vmem>>) attributes {dimension_semantics = [], scalar_prefetch = 0 : i64, scratch_operands = 0 : i64, tpu.core_type = #tpu.core_type<tc>} {
    %get3A = arith.constant 0 : index
    %get3A_0 = arith.constant 0 : index
    %get3A_1 = vector.load %arg0[%get3A, %get3A_0] : memref<8192x16xf32, #tpu.memory_space<vmem>>, vector<8192x16xf32>
    %reduce_sum3A = arith.constant dense<0.000000e+00> : vector<8192xf32>
    %reduce_sum3A_2 = vector.multi_reduction <add>, %get3A_1, %reduce_sum3A [1] : vector<8192x16xf32> to vector<8192xf32>
    %log3A = math.log %reduce_sum3A_2 : vector<8192xf32>
    %reduce_sum3A_3 = vector.shape_cast %log3A : vector<8192xf32> to vector<1x8192xf32>
    %reduce_sum3A_4 = arith.constant dense<0.000000e+00> : vector<1xf32>
    %reduce_sum3A_5 = vector.multi_reduction <add>, %reduce_sum3A_3, %reduce_sum3A_4 [1] : vector<1x8192xf32> to vector<1xf32>
    %reduce_sum3A_6 = vector.shape_cast %reduce_sum3A_5 : vector<1xf32> to vector<1x1xf32>
    %reduce_sum3A_7 = vector.extract %reduce_sum3A_6[0, 0] : f32 from vector<1x1xf32>
    %get3A_8 = arith.constant 0 : index
    %get3A_9 = arith.constant 0 : index
    %get3A_10 = vector.load %arg1[%get3A_8, %get3A_9] : memref<32x16xf32, #tpu.memory_space<vmem>>, vector<32x16xf32>
    %reduce_sum3A_11 = vector.shape_cast %get3A_10 : vector<32x16xf32> to vector<1x32x16xf32>
    %reduce_sum3A_12 = arith.constant dense<0.000000e+00> : vector<1xf32>
    %reduce_sum3A_13 = vector.multi_reduction <add>, %reduce_sum3A_11, %reduce_sum3A_12 [1, 2] : vector<1x32x16xf32> to vector<1xf32>
    %reduce_sum3A_14 = vector.shape_cast %reduce_sum3A_13 : vector<1xf32> to vector<1x1x1xf32>
    %reduce_sum3A_15 = vector.extract %reduce_sum3A_14[0, 0, 0] : f32 from vector<1x1x1xf32>
    %sub3A = arith.subf %reduce_sum3A_7, %reduce_sum3A_15 : f32
    %div3A = arith.constant 8.192000e+03 : f32
    %div3A_16 = arith.divf %sub3A, %div3A : f32
    %broadcast_in_dim3A = vector.broadcast %div3A_16 : f32 to vector<1x1xf32>
    %swap3A = arith.constant 0 : index
    %swap3A_17 = arith.constant 0 : index
    %swap3A_18 = vector.load %arg2[%swap3A, %swap3A_17] : memref<1x1xf32, #tpu.memory_space<vmem>>, vector<1x1xf32>
    tpu.vector_store %arg2[%swap3A, %swap3A_17], %broadcast_in_dim3A {strides = array<i32>} : memref<1x1xf32, #tpu.memory_space<vmem>>, vector<1x1xf32>,
    return
  }
}

</mosaic_0001>

<sc_bundles>
// kernel: kernel.4.cloned.1.call-start
scs
__scs_entry_jumppad:
0x0: {  	(pc) =	sbr.rel $0x88, $3  }
0x1: {  	(tag) =	ssettag $0x0;
	lr =	simm.s32 $0x1  }
0x2: {  	[smem:$0x3F9E] =	sst lr;
	_ =	strace $0xD0000000  }
0x3: {  	_ = 	snop  }
0x4: {  	_ = 	snop  }
0x5: {  	_ = 	snop  }
0x6: {  	_ = 	snop  }
0x7: {  	_ = 	snop  }
__scs_overlays_trampoline_lowered:
0x8: {  	[smem:$0x3FAD] =	sst s0  }
0x9: {  	[smem:$0x3FAE] =	sst s1  }
0xa: {  	[smem:$0x3FAF] =	sst s2  }
0xb: {  	[smem:$0x3FB0] =	sst s3  }
0xc: {  	[smem:$0x3FB1] =	sst s4  }
0xd: {  	[smem:$0x3FB2] =	sst s5  }
0xe: {  	[smem:$0x3FB3] =	sst s6  }
0xf: {  	[smem:$0x3FB4] =	sst s7  }
0x10: {  	[smem:$0x3FB5] =	sst s8  }
0x11: {  	[smem:$0x3FB6] =	sst s9;
	s0 =	simm.s32 @!p0 $0x0  }
0x12: {  	s1 =	sld [smem:$0x3F9C];
	s0 =	simm.s32 @p0 $0x1  }
0x13: {  	[smem:$0x3FB7] =	sst s0;
	s0 =	simm.s32 @!p1 $0x0  }
0x14: {  	s2 =	sld [smem:$0x3F9B];
	s0 =	simm.s32 @p1 $0x1  }
0x15: {  	[smem:$0x3FB8] =	sst s0;
	s0 =	simm.s32 @!p2 $0x0  }
0x16: {  	s3 =	sld [smem:$0x3FDB];
	s0 =	simm.s32 @p2 $0x1  }
0x17: {  	s4 =	simm.s32 $0x1BF5;
	[smem:$0x3FBA] =	sst s0  }
0x18: {  	s0 =	sld [smem:$0x3F9D];
	_ =	swait.ge [sflag:s4], $0x0  }
0x19: {  	s7 =	sld [smem:$0x3F9E]  }
0x1a: {  	s8 =	sadd.s32 $0xFFFFE003, lr  }
0x1b: {  	s9 =	sadd.s32 $0xFFFFFEF7, lr;
	s5 =	simm.s32 $0xFFFFFFFF;
	p2 =	slt.u32 s8, $0xFFFFF086  }
0x1c: {  	p1 =	slt.u32 s9, $0xF7A;
	s5 =	simm.s32 @!p2 $0x0  }
0x1d: {  	s5 =	simm.s32 @p1 $0x1;
	p0 =	seq.s32 s7, s2  }
0x1e: {  	s7 =	smul.u32 @!p0 $0xF7A, s2;
	p2 =	seq.s32 @!p0 s5, $0x0  }
0x1f: {  	s9 =	smul.u32 $0xF7A, s1;
	s8 =	simm.s32 @!p0 $0x1BF5;
	p2 =	por !p2, p0  }
0x20: {  	[sflag:s8] =	ssyncset.s32 @!p0 $0xFFFFF086;
	s6 =	sadd.s32 @!p0 s3, s7;
	s7 =	simm.s32 @!p0 $0x108  }
0x21: {  	s3 =	sadd.s32 s3, s9;
	s6 =	sadd.s32 @!p0 $0x88, s6;
	s7 =	simm.s32 @p2 $0x1082  }
0x22: {  	[simem:s7], [sflag:s8] =	dma.local @!p0 [hbm:s6], $0xF7A  }
0x23: {  	s9 =	sor.u32 $0xD0000000, s2;
	s6 =	simm.s32 $0x108;
	_ =	swait.ge @!p0 [sflag:s8], $0x0  }
0x24: {  	s3 =	sadd.s32 $0x88, s3;
	s6 =	simm.s32 @!p1 $0x1082;
	[sflag:s4] =	ssyncset.s32 $0xFFFFF086  }
0x25: {  	[simem:s6], [sflag:s4] =	dma.local [hbm:s3], $0xF7A  }
0x26: {  	[smem:$0x3F9E] =	sst s1;
	(tag) =	ssettag s2;
	_ =	strace s9  }
0x27: {  	s1 =	sld [smem:$0x3FAE]  }
0x28: {  	s2 =	sld [smem:$0x3FAF]  }
0x29: {  	s4 =	sld [smem:$0x3FB1]  }
0x2a: {  	p0 =	seq.s32 s5, $0x0;
	s5 =	sld [smem:$0x3FB2]  }
0x2b: {  	s6 =	sld [smem:$0x3FB3]  }
0x2c: {  	s7 =	sld [smem:$0x3FB4]  }
0x2d: {  	s3 =	simm.s32 $0x108;
	s8 =	sld [smem:$0x3FB5]  }
0x2e: {  	s3 =	simm.s32 @!p0 $0x1082;
	s9 =	sld [smem:$0x3FB6]  }
0x2f: {  	lr =	sadd.s32 s0, s3;
	s0 =	sld [smem:$0x3FAD]  }
0x30: {  	s3 =	sld [smem:$0x3FB0]  }
0x31: {  	[smem:$0x3FB9] =	sst s10  }
0x32: {  	s10 =	sld [smem:$0x3FB7];
	_ =	sdelay $0x3  }
0x33: {  	p0 =	seq.s32 s10, $0x1;
	s10 =	sld [smem:$0x3FB9];
	_ =	sdelay $0x3  }
0x34: {  	[smem:$0x3FB9] =	sst s10  }
0x35: {  	s10 =	sld [smem:$0x3FB8];
	_ =	sdelay $0x3  }
0x36: {  	p1 =	seq.s32 s10, $0x1;
	s10 =	sld [smem:$0x3FB9];
	_ =	sdelay $0x3  }
0x37: {  	[smem:$0x3FB9] =	sst s10  }
0x38: {  	s10 =	sld [smem:$0x3FBA]  }
0x39: {  	_ = 	snop;
	(pc) =	sbr.ind lr, $3  }
0x3a: {  	_ = 	snop  }
0x3b: {  	_ = 	snop  }
0x3c: {  	p2 =	seq.s32 s10, $0x1;
	s10 =	sld [smem:$0x3FB9]  }
0x3d: {  	_ =	shalt  }
0x3e: {  	_ =	shalt  }
0x3f: {  	_ =	shalt  }
0x40: {  	_ =	shalt  }
0x41: {  	_ =	shalt  }
0x42: {  	_ =	shalt  }
0x43: {  	_ =	shalt  }
0x44: {  	_ =	shalt  }
0x45: {  	_ =	shalt  }
0x46: {  	_ =	shalt  }
0x47: {  	_ =	shalt  }
0x48: {  	_ =	shalt  }
0x49: {  	_ =	shalt  }
0x4a: {  	_ =	shalt  }
0x4b: {  	_ =	shalt  }
0x4c: {  	_ =	shalt  }
0x4d: {  	_ =	shalt  }
0x4e: {  	_ =	shalt  }
0x4f: {  	_ =	shalt  }
0x50: {  	_ =	shalt  }
0x51: {  	_ =	shalt  }
0x52: {  	_ =	shalt  }
0x53: {  	_ =	shalt  }
0x54: {  	_ =	shalt  }
0x55: {  	_ =	shalt  }
0x56: {  	_ =	shalt  }
0x57: {  	_ =	shalt  }
0x58: {  	_ =	shalt  }
0x59: {  	_ =	shalt  }
0x5a: {  	_ =	shalt  }
0x5b: {  	_ =	shalt  }
0x5c: {  	_ =	shalt  }
0x5d: {  	_ =	shalt  }
0x5e: {  	_ =	shalt  }
0x5f: {  	_ =	shalt  }
0x60: {  	_ =	shalt  }
0x61: {  	_ =	shalt  }
0x62: {  	_ =	shalt  }
0x63: {  	_ =	shalt  }
0x64: {  	_ =	shalt  }
0x65: {  	_ =	shalt  }
0x66: {  	_ =	shalt  }
0x67: {  	_ =	shalt  }
0x68: {  	_ =	shalt  }
0x69: {  	_ =	shalt  }
0x6a: {  	_ =	shalt  }
0x6b: {  	_ =	shalt  }
0x6c: {  	_ =	shalt  }
0x6d: {  	_ =	shalt  }
0x6e: {  	_ =	shalt  }
0x6f: {  	_ =	shalt  }
0x70: {  	_ =	shalt  }
0x71: {  	_ =	shalt  }
0x72: {  	_ =	shalt  }
0x73: {  	_ =	shalt  }
0x74: {  	_ =	shalt  }
0x75: {  	_ =	shalt  }
0x76: {  	_ =	shalt  }
0x77: {  	_ =	shalt  }
0x78: {  	_ =	shalt  }
0x79: {  	_ =	shalt  }
0x7a: {  	_ =	shalt  }
0x7b: {  	_ =	shalt  }
0x7c: {  	_ =	shalt  }
0x7d: {  	_ =	shalt  }
0x7e: {  	_ =	shalt  }
0x7f: {  	_ =	shalt  }
0x80: {  	_ =	shalt  }
0x81: {  	_ =	shalt  }
0x82: {  	_ =	shalt  }
0x83: {  	_ =	shalt  }
0x84: {  	_ =	shalt  }
0x85: {  	_ =	shalt  }
0x86: {  	_ =	shalt  }
0x87: {  	_ =	shalt  }
.Lfunc_end0:
.L_simem_size_0:
called_computation_lowered:
.L_overlay_start_0:
0x88: {  	s2 =	sld [smem:$0x3FD9]  }
0x89: {  	s3 =	sld [smem:$0x3FFE];
	_ =	sdelay $0x1  }
0x8a: {  	s1 =	srdreg.scid  }
0x8b: {  	s0 =	sand.u32 $0x1, s1  }
0x8c: {  	s14 =	sshll.u32 s0, $0xA;
	s2 =	sadd.s32 s3, s2  }
0x8d: {  	s2 =	sadd.s32 s2, s14  }
0x8e: {  	[smem:$0x3FC5] =	sst s2  }
0x8f: {  	_ = 	snop  }
0x90: {  	s2 =	sld [smem:$0x3FD0];
	_ =	sdelay $0x2  }
0x91: {  	s4 =	simm.s32 $0xA;
	s5 =	simm.s32 $0x10;
	s15 =	sld [smem:$0x3FC9]  }
0x92: {  	[smem:s5], [sflag:s4] =	dma.local [hbm:s2], $0x1  }
0x93: {  	_ =	swait.eq [sflag:s4], $0x1  }
0x94: {  	[sflag:s4] =	ssyncset.done $0x0  }
0x95: {  	[sflag:s4] =	ssyncadd.s32 $0xFFFFFFFF  }
0x96: {  	s16 =	sld [smem:$0x10];
	(tm) =	ssettm $0x1  }
0x97: {  	s17 =	sld [smem:$0x3FFB];
	_ =	sdelay $0x3  }
0x98: {  	_ =	strace s17  }
0x99: {  	s4 =	sld [smem:$0x3FFC];
	_ =	sdelay $0x3  }
0x9a: {  	_ =	strace s4  }
0x9b: {  	s4 =	sld [smem:$0x3FFD];
	_ =	sdelay $0x3  }
0x9c: {  	_ =	strace s4  }
0x9d: {  	_ =	strace $0x8FFFFFFF  }
0x9e: {  	s18 =	sld [smem:$0x3FDB];
	_ =	sdelay $0x1  }
0x9f: {  	s19 =	simm.s32 $_scs_section_size  }
0xa0: {  	s6 =	simm.s32 $_size__tile_overlayer_lowered;
	s7 =	simm.s32 $_tile_overlayer_lowered  }
0xa1: {  	s22 =	simm.s32 $0x1BFF;
	s21 =	sshll.u32 s7, $0x1;
	s4 =	sadd.s32 s19, s18  }
0xa2: {  	s8 =	simm.s32 $0x0;
	s20 =	sshll.u32 s6, $0x1;
	s6 =	sadd.s32 s21, s4  }
0xa3: {  	[timem:s8], [sflag:s22] =	dma.local [hbm:s6], s20  }
0xa4: {  	_ =	swait.ge [sflag:s22], s20  }
0xa5: {  	s5 =	ssub.s32 $0x0, s20;
	[sflag:s22] =	ssyncset.done $0x0  }
0xa6: {  	[sflag:s22] =	ssyncadd.s32 s5;
	_ =	sdelay $0x1  }
0xa7: {  	s23 =	simm.s32 $0x1B8B  }
0xa8: {  	_ =	swait.ge [sflag:s23], $0x1  }
0xa9: {  	[sflag:s23] =	ssyncset.done $0x0  }
0xaa: {  	s25 =	simm.s32 $0x1B8E;
	s24 =	sld [smem:$0x3FFE];
	[sflag:s23] =	ssyncadd.s32 $0xFFFFFFFF  }
0xab: {  	s26 =	simm.s32 $execute0_lowered;
	[smem:$0x3FD2] =	sst s25  }
0xac: {  	s6 =	sshll.u32 s26, $0x1;
	_ =	strace $0x80000046;
	[dreg:$0x1] =	wrdreg $0xFFFFFFFF  }
0xad: {  	s28 =	simm.s32 $_size_execute0_lowered;
	s4 =	sadd.s32 s4, s6;
	[dreg:$0x0] =	wrdreg $0x0  }
0xae: {  	s6 =	sshll.u32 s28, $0x1;
	[dreg:$0x2] =	wrdreg s4  }
0xaf: {  	[dreg:$0x3] =	wrdreg s6  }
0xb0: {  	[dreg:$0x4] =	wrdreg $0xC0  }
0xb1: {  	_ =	task [dreg:s8], $0x5FFFF  }
0xb2: {  	[dreg:$0x1] =	wrdreg $0xFFFFFFFF  }
0xb3: {  	[dreg:$0x0] =	wrdreg $0x60  }
0xb4: {  	[dreg:$0x2] =	wrdreg s15  }
0xb5: {  	[dreg:$0x3] =	wrdreg s24  }
0xb6: {  	[dreg:$0x4] =	wrdreg s16  }
0xb7: {  	[dreg:$0x5] =	wrdreg $0x9  }
0xb8: {  	_ =	task.clear_ibuf [dreg:s8], $0x6FFFF;
	_ =	strace $0x90000046  }
0xb9: {  	s29 =	simm.s32 $0x9;
	_ =	strace $0x80000048  }
0xba: {  	_ =	swait.ge [sflag:s29], $0x1  }
0xbb: {  	[sflag:s29] =	ssyncadd.s32 $0xFFFFFFFF  }
0xbc: {  	_ =	strace $0x90000048  }
0xbd: {  	_ =	sfence  }
0xbe: {  	s30 =	sld [smem:$0x0];
	_ =	sdelay $0x2  }
0xbf: {  	s31 =	sshll.u32 s1, $0xD;
	s1 =	sshrl.u32 s1, $0x2  }
0xc0: {  	s3 =	sand.u32 $0x4000, s31;
	s1 =	sadd.s32 s1, s30  }
0xc1: {  	s0 =	sor.u32 s3, s0;
	s1 =	sshll.u32 s1, $0x11  }
0xc2: {  	s0 =	sor.u32 s1, s0  }
0xc3: {  	s0 =	sadd.s32 $0x8F2B, s0  }
0xc4: {  	[sflag:s0] =	ssyncadd.remote.s32 $0x1  }
0xc5: {  	_ =	sfence.sel $0xFFFF  }
0xc6: {  	[dreg:$0x0] =	wrdreg $0xFFFFFFFF;
	(pc) =	sbr.abs _section_cstart, $3  }
0xc7: {  	[dreg:$0x1] =	wrdreg $0xFFFFFFFF  }
0xc8: {  	_ =	task.clear_ibuf [dreg:s8], $0x2FFFF;
	_ =	strace $0x9FFFFFFF  }
0xc9: {  	(tm) =	ssettm $0x7FFFFFFF  }
tec
execute0_lowered:
.L_overlay_start_1:
0x0: {  	(tag) =	ssettag $0x1  }
0x1: {  	s1 =	rddreg [dreg:$0x0]  }
0x2: {  	s0 =	rddreg [dreg:$0x1];
	s2 =	srdreg.scid  }
0x3: {  	s4 =	stileid.u32;
	s17 =	rddreg [dreg:$0x2];
	s6 =	simm.s32 $0x0  }
0x4: {  	s29 =	simm.s32 $0x1;
	s30 =	simm.s32 $0x100;
	s31 =	simm.s32 $0xD200  }
0x5: {  	s19 =	simm.s32 $0x4200;
	s20 =	simm.s32 $0x2;
	s21 =	simm.s32 $0x11200  }
0x6: {  	s28 =	simm.s32 $0x0;
	s2 =	sand.u32 $0x1, s2;
	s3 =	sshll.u32 s4, $0x1  }
0x7: {  	s4 =	sshrl.u32 s4, $0x2;
	[smem:$0x7FF] =	sst s6;
	s9 =	sadd.s32 $0x800, s1  }
0x8: {  	s10 =	sadd.s32 $0xC00, s1;
	s11 =	sadd.s32 $0x1000, s1;
	s12 =	sadd.s32 $0x1400, s1  }
0x9: {  	s13 =	sadd.s32 $0x1800, s1;
	s14 =	sadd.s32 $0x1C00, s1;
	s15 =	sadd.s32 $0x20, s17  }
0xa: {  	s16 =	sadd.s32 $0x40, s17;
	s17 =	sadd.s32 $0x60, s17;
	s3 =	sor.u32 s2, s3  }
0xb: {  	s22 =	sshll.u32 s4, $0xB;
	_ =	strace $0x80000047;
	s8 =	sshll.u32 s4, $0xA  }
0xc: {  	s4 =	sshll.u32 s4, $0xF;
	s2 =	ssub.s32 $0x2, s2;
	[dreg:$0x9] =	wrdreg s28  }
0xd: {  	s5 =	sshll.u32 s3, $0x7;
	s7 =	sshll.u32 s3, $0xB;
	s23 =	sshrl.u32 s2, $0x1  }
0xe: {  	s5 =	sand.u32 $0x380, s5;
	s7 =	sadd.s32 s7, s0;
	s2 =	ssub.s32 s2, s23  }
0xf: {  	s23 =	simm.s32 $0x400;
	s6 =	sor.u32 s22, s5;
	s8 =	sor.u32 s8, s5  }
0x10: {  	s4 =	sor.u32 s4, s5;
	s5 =	sshll.u32 s3, $0x8;
	s24 =	sadd.s32 $0xE00, s7  }
0x11: {  	s2 =	smax.u32 s2, $0x1;
	s3 =	simm.s32 $0x9;
	s7 =	simm.s32 $0x3  }
0x12: {  	s6 =	sshrl.u32 s6, $0x3;
	s8 =	sshrl.u32 s8, $0x3;
	[dreg:$0x4] =	wrdreg s24  }
0x13: {  	s4 =	sshrl.u32 s4, $0x3;
	[dreg:$0x8] =	wrdreg s2;
	s6 =	sadd.s32 s6, s0  }
0x14: {  	v0 =	vlaneseq.u32;
	v1 =	vimm.f32 $0.0e+00;
	vm0 =	vmmov $0xffff;
	s24 =	simm.s32 $0x4000;
	s18 =	sadd.s32 s8, s0;
	s25 =	sadd.s32 $0xA00, s6  }
0x15: {  	vm1 =	vmmov $0x3;
	v4 =	vimm.s32 $0x0;
	vm2 =	vcmask $0x704;
	s0 =	sadd.s32 s4, s0;
	s26 =	sadd.s32 $0x14E00, s18;
	[dreg:$0x5] =	wrdreg s25  }
0x16: {  	v3 =	vshrl.u32 v0, $0x1;
	v2 =	vand.u32 $0x1, v0;
	v4 =	vsel vm2, $0x80, v4;
	s8 =	sadd.s32 $0x400, s1;
	s0 =	sadd.s32 $0x10E00, s0;
	[dreg:$0x6] =	wrdreg s26  }
0x17: {  	v5 =	vor.u32 $0x10, v0;
	v6 =	vor.u32 $0x20, v0;
	v7 =	vor.u32 $0x40, v0;
	s4 =	simm.s32 $0x80;
	s18 =	simm.s32 $0x4;
	[dreg:$0x7] =	wrdreg s0  }
0x18: {  	v8 =	vor.u32 $0x60, v0;
	v9 =	vor.u32 $0x70, v0;
	v3 =	vmul.u32 $0x8, v3;
	s0 =	simm.s32 $0x0;
	s25 =	simm.s32 $0x5200;
	s26 =	simm.s32 $0x9200  }
.LBB2_1:
0x19: {  	s2 =	rddreg [dreg:$0x4]  }
0x1a: {  	[tilespmem:s0], [sflag:$0x9] =	stream.linear.gather [hbm4b:s2+s0], $0x4000, $0x38;
	[tilespmem:$0x15200] =	vst v63  }
0x1b: {  	_ =	swait.ge [sflag:s3], $0x4000  }
0x1c: {  	[sflag:s3] =	ssyncset.done $0x0  }
0x1d: {  	s28 =	rddreg [dreg:$0x5];
	[sflag:s3] =	ssyncadd.s32 $0xFFFFC000  }
0x1e: {  	[tilespmem:s24], [sflag:$0x9] =	stream.strided.gather [hbm4b:s28+s4], $0x100, s23, s4, $0x38;
	[tilespmem:$0x15200] =	vst v63  }
0x1f: {  	_ =	swait.ge [sflag:s3], $0x100  }
0x20: {  	[sflag:s3] =	ssyncset.done $0x0  }
0x21: {  	[sflag:s3] =	ssyncadd.s32 $0xFFFFFF00  }
0x22: {  	v10 =	vld.msk [tilespmem:$0x0], $0x3;
	_ =	sdelay $0x4  }
0x23: {  	v11 =	vshll.u32 v10, $0x6  }
0x24: {  	v10 =	vand.u32 $0x7, v10;
	v11 =	vand.u32 $0xFFFFFE00, v11  }
0x25: {  	v10 =	vor.u32 v10, v11  }
0x26: {  	v10 =	vperm.xlane v10, v2;
	_ =	sdelay $0x1  }
0x27: {  	v10 =	vadd.s32 v3, v10;
	_ =	sdelay $0x3  }
0x28: {  	[tilespmem:$0x4180] =	vst v1  }
0x29: {  	[tilespmem:s25], [sflag:$0x1] =	stream.indirect_vreg.gather [hbm4b:s1+s0], $0x80, v10, vm0, $0xb8;
	[tilespmem:$0x15200] =	vst v63  }
0x2a: {  	s4 =	simm.s32 $0x5A00  }
0x2b: {  	[tilespmem:s4], [sflag:$0x1] =	stream.indirect_vreg.gather [hbm4b:s8+s0], $0x80, v10, vm0, $0xb8;
	[tilespmem:$0x15200] =	vst v63  }
0x2c: {  	s6 =	simm.s32 $0x6200  }
0x2d: {  	[tilespmem:s6], [sflag:$0x1] =	stream.indirect_vreg.gather [hbm4b:s9+s0], $0x80, v10, vm0, $0xb8;
	[tilespmem:$0x15200] =	vst v63  }
0x2e: {  	s22 =	simm.s32 $0x6A00  }
0x2f: {  	[tilespmem:s22], [sflag:$0x1] =	stream.indirect_vreg.gather [hbm4b:s10+s0], $0x80, v10, vm0, $0xb8;
	[tilespmem:$0x15200] =	vst v63  }
0x30: {  	s28 =	simm.s32 $0x7200  }
0x31: {  	[tilespmem:s28], [sflag:$0x1] =	stream.indirect_vreg.gather [hbm4b:s11+s0], $0x80, v10, vm0, $0xb8;
	[tilespmem:$0x15200] =	vst v63  }
0x32: {  	s3 =	simm.s32 $0x7A00  }
0x33: {  	[tilespmem:s3], [sflag:$0x1] =	stream.indirect_vreg.gather [hbm4b:s12+s0], $0x80, v10, vm0, $0xb8;
	[tilespmem:$0x15200] =	vst v63  }
0x34: {  	s4 =	simm.s32 $0x8200  }
0x35: {  	[tilespmem:s4], [sflag:$0x1] =	stream.indirect_vreg.gather [hbm4b:s13+s0], $0x80, v10, vm0, $0xb8;
	[tilespmem:$0x15200] =	vst v63  }
0x36: {  	s6 =	simm.s32 $0x8A00  }
0x37: {  	[tilespmem:s6], [sflag:$0x1] =	stream.indirect_vreg.gather [hbm4b:s14+s0], $0x80, v10, vm0, $0xb8;
	[tilespmem:$0x15200] =	vst v63  }
0x38: {  	v10 =	vld.msk [tilespmem:$0x80], $0x3;
	_ =	sdelay $0x4  }
0x39: {  	v11 =	vshll.u32 v10, $0x6  }
0x3a: {  	v10 =	vand.u32 $0x7, v10;
	v11 =	vand.u32 $0xFFFFFE00, v11  }
0x3b: {  	v10 =	vor.u32 v10, v11  }
0x3c: {  	v10 =	vperm.xlane v10, v2;
	_ =	sdelay $0x1  }
0x3d: {  	v10 =	vadd.s32 v3, v10;
	_ =	sdelay $0x4  }
0x3e: {  	[tilespmem:s26], [sflag:$0x2] =	stream.indirect_vreg.gather [hbm4b:s1+s0], $0x80, v10, vm0, $0xb8;
	[tilespmem:$0x15200] =	vst v63  }
0x3f: {  	s22 =	simm.s32 $0x9A00  }
0x40: {  	[tilespmem:s22], [sflag:$0x2] =	stream.indirect_vreg.gather [hbm4b:s8+s0], $0x80, v10, vm0, $0xb8;
	[tilespmem:$0x15200] =	vst v63  }
0x41: {  	s28 =	simm.s32 $0xA200  }
0x42: {  	[tilespmem:s28], [sflag:$0x2] =	stream.indirect_vreg.gather [hbm4b:s9+s0], $0x80, v10, vm0, $0xb8;
	[tilespmem:$0x15200] =	vst v63  }
0x43: {  	s3 =	simm.s32 $0xAA00  }
0x44: {  	[tilespmem:s3], [sflag:$0x2] =	stream.indirect_vreg.gather [hbm4b:s10+s0], $0x80, v10, vm0, $0xb8;
	[tilespmem:$0x15200] =	vst v63  }
0x45: {  	s4 =	simm.s32 $0xB200  }
0x46: {  	[tilespmem:s4], [sflag:$0x2] =	stream.indirect_vreg.gather [hbm4b:s11+s0], $0x80, v10, vm0, $0xb8;
	[tilespmem:$0x15200] =	vst v63  }
0x47: {  	s6 =	simm.s32 $0xBA00  }
0x48: {  	[tilespmem:s6], [sflag:$0x2] =	stream.indirect_vreg.gather [hbm4b:s12+s0], $0x80, v10, vm0, $0xb8;
	[tilespmem:$0x15200] =	vst v63  }
0x49: {  	s22 =	simm.s32 $0xC200  }
0x4a: {  	[tilespmem:s22], [sflag:$0x2] =	stream.indirect_vreg.gather [hbm4b:s13+s0], $0x80, v10, vm0, $0xb8;
	[tilespmem:$0x15200] =	vst v63  }
0x4b: {  	s28 =	simm.s32 $0xCA00;
	s4 =	simm.s32 $0x0  }
0x4c: {  	[tilespmem:s28], [sflag:$0x2] =	stream.indirect_vreg.gather [hbm4b:s14+s0], $0x80, v10, vm0, $0xb8;
	[tilespmem:$0x15200] =	vst v63  }
.LBB2_2:
0x4d: {  	_ =	swait.ge [sflag:s29], $0x4000  }
0x4e: {  	s3 =	sshll.u32 s4, $0x3;
	[sflag:s29] =	ssyncset.done $0x0  }
0x4f: {  	s0 =	sadd.s32 s5, s3;
	[sflag:s29] =	ssyncadd.s32 $0xFFFFC000  }
0x50: {  	s0 =	sshll.u32 s0, $0xA;
	s2 =	rddreg [dreg:$0x2]  }
0x51: {  	p0 =	seq.s32 s4, $0x0;
	s0 =	sadd.s32 s2, s0  }
0x52: {  	[hbm4b:s0+s30] =	stream.strided.scatter [tilespmem:s25], [sflag:$0x5], $0x4000, s23, s30, $0x38;
	[tilespmem:$0x15200] =	vst v63  }
0x53: {  	s22 =	simm.s32 @!p0 $0x7;
	s0 =	sshll.u32 s4, $0x2  }
0x54: {  	s2 =	sor.u32 $0x2, s0;
	_ =	swait.ge @!p0 [sflag:s22], $0x4000  }
0x55: {  	[sflag:s22] =	ssyncset.done @!p0 $0x0;
	s28 =	sshll.u32 s2, $0x7  }
0x56: {  	[sflag:s22] =	ssyncadd.s32 @!p0 $0xFFFFC000;
	s6 =	sand.u32 $0x3FFFFF80, s28  }
0x57: {  	v10 =	vld.msk [tilespmem:s6+$0x0], $0x3;
	_ =	sdelay $0x4  }
0x58: {  	v11 =	vshll.u32 v10, $0x6  }
0x59: {  	v10 =	vand.u32 $0x7, v10;
	v11 =	vand.u32 $0xFFFFFE00, v11  }
0x5a: {  	v10 =	vor.u32 v10, v11  }
0x5b: {  	v10 =	vperm.xlane v10, v2;
	_ =	sdelay $0x1  }
0x5c: {  	v10 =	vadd.s32 v3, v10;
	_ =	sdelay $0x3  }
0x5d: {  	s22 =	simm.s32 $0x0  }
0x5e: {  	[tilespmem:s31], [sflag:$0x3] =	stream.indirect_vreg.gather [hbm4b:s1+s22], $0x80, v10, vm0, $0xb8;
	[tilespmem:$0x15200] =	vst v63  }
0x5f: {  	s6 =	simm.s32 $0xDA00  }
0x60: {  	[tilespmem:s6], [sflag:$0x3] =	stream.indirect_vreg.gather [hbm4b:s8+s22], $0x80, v10, vm0, $0xb8;
	[tilespmem:$0x15200] =	vst v63  }
0x61: {  	s6 =	simm.s32 $0xE200  }
0x62: {  	[tilespmem:s6], [sflag:$0x3] =	stream.indirect_vreg.gather [hbm4b:s9+s22], $0x80, v10, vm0, $0xb8;
	[tilespmem:$0x15200] =	vst v63  }
0x63: {  	s6 =	simm.s32 $0xEA00  }
0x64: {  	[tilespmem:s6], [sflag:$0x3] =	stream.indirect_vreg.gather [hbm4b:s10+s22], $0x80, v10, vm0, $0xb8;
	[tilespmem:$0x15200] =	vst v63  }
0x65: {  	s6 =	simm.s32 $0xF200  }
0x66: {  	[tilespmem:s6], [sflag:$0x3] =	stream.indirect_vreg.gather [hbm4b:s11+s22], $0x80, v10, vm0, $0xb8;
	[tilespmem:$0x15200] =	vst v63  }
0x67: {  	s6 =	simm.s32 $0xFA00  }
0x68: {  	v11 =	vadd.s32 s3, v0;
	[tilespmem:s6], [sflag:$0x3] =	stream.indirect_vreg.gather [hbm4b:s12+s22], $0x80, v10, vm0, $0xb8;
	[tilespmem:$0x15200] =	vst v63  }
0x69: {  	s6 =	simm.s32 $0x10200  }
0x6a: {  	[tilespmem:s6], [sflag:$0x3] =	stream.indirect_vreg.gather [hbm4b:s13+s22], $0x80, v10, vm0, $0xb8;
	[tilespmem:$0x15200] =	vst v63  }
0x6b: {  	s6 =	simm.s32 $0x10A00  }
0x6c: {  	[tilespmem:s6], [sflag:$0x3] =	stream.indirect_vreg.gather [hbm4b:s14+s22], $0x80, v10, vm0, $0xb8;
	[tilespmem:$0x15200] =	vst v63  }
0x6d: {  	v10 =	vld.idx.msk [tilespmem:v11+s24+$0x0], $0xffff;
	_ =	sdelay $0x4  }
0x6e: {  	v10 =	vnsel vm1, $0x0, v10  }
0x6f: {  	v11 =	vshll.u32 v10, $0x1  }
0x70: {  	v10 =	vand.u32 $0x7F, v10;
	v11 =	vand.u32 $0xFFFFFF00, v11  }
0x71: {  	v10 =	vor.u32 v11, v10  }
0x72: {  	v10 =	vor.u32 v4, v10;
	_ =	sdelay $0x4  }
0x73: {  	v10 =	vld.idx.msk [tilespmem:v10+s25+$0x0], $0xffff  }
0x74: {  	v11 =	vld [tilespmem:$0x4180];
	_ =	sdelay $0x3  }
0x75: {  	v10 =	vnsel vm1, $0x0, v10  }
0x76: {  	v10 =	vadd.f32 v10, v11;
	_ =	sdelay $0x1  }
0x77: {  	s22 =	simm.s32 $0x0;
	[tilespmem:$0x4180] =	vst v10  }
0x78: {  	v10 =	vld [tilespmem:s22+$0x5200]  }
0x79: {  	v11 =	vld [tilespmem:s22+$0x5210];
	_ =	sdelay $0x1  }
0x7a: {  	v12 =	vld [tilespmem:s22+$0x5220];
	_ =	sdelay $0x1  }
0x7b: {  	v10 =	vmul.f32 $1.442695020e+00, v10  }
0x7c: {  	v13 =	vld [tilespmem:s22+$0x5230];
	v11 =	vmul.f32 $1.442695020e+00, v11  }
0x7d: {  	(erf) = vpow2.f32 v10;
	v10 =	vld [tilespmem:s22+$0x5240]  }
0x7e: {  	v12 =	vmul.f32 $1.442695020e+00, v12;
	(erf) = vpow2.f32 v11;
	v11 =	vld [tilespmem:s22+$0x5250];
	_ =	sdelay $0x1  }
0x7f: {  	(erf) = vpow2.f32 v12;
	v12 =	vld [tilespmem:s22+$0x5260];
	_ =	sdelay $0x1  }
0x80: {  	v13 =	vmul.f32 $1.442695020e+00, v13  }
0x81: {  	v10 =	vmul.f32 $1.442695020e+00, v10;
	v11 =	vmul.f32 $1.442695020e+00, v11  }
0x82: {  	(erf) = vpow2.f32 v13;
	v13 =	vld [tilespmem:s22+$0x5270]  }
0x83: {  	(erf) = vpow2.f32 v10;
	v12 =	vmul.f32 $1.442695020e+00, v12  }
0x84: {  	v10 =	vimm.f32 $0.0e+00;
	v14 =	vpop (erf);
	(erf) = vpow2.f32 v11  }
0x85: {  	v10 =	vadd.f32 v14, v10;
	v11 =	vpop (erf);
	(erf) = vpow2.f32 v12;
	v12 =	vld [tilespmem:s22+$0x5300];
	_ =	sdelay $0x1  }
0x86: {  	v14 =	vld [tilespmem:s22+$0x5310];
	v10 =	vadd.f32 v11, v10;
	v11 =	vmul.f32 $1.442695020e+00, v13;
	_ =	sdelay $0x1  }
0x87: {  	v13 =	vpop (erf);
	(erf) = vpow2.f32 v11;
	v11 =	vld [tilespmem:s22+$0x5320]  }
0x88: {  	v15 =	vld [tilespmem:s22+$0x5330];
	v10 =	vadd.f32 v13, v10;
	v12 =	vmul.f32 $1.442695020e+00, v12  }
0x89: {  	v13 =	vpop (erf)  }
0x8a: {  	v14 =	vmul.f32 $1.442695020e+00, v14;
	v10 =	vadd.f32 v13, v10;
	v16 =	vpop (erf);
	(erf) = vpow2.f32 v12  }
0x8b: {  	v13 =	vld [tilespmem:s22+$0x5340]  }
0x8c: {  	v10 =	vadd.f32 v16, v10;
	(erf) = vpow2.f32 v14;
	v11 =	vmul.f32 $1.442695020e+00, v11  }
0x8d: {  	v63 =	vld [tilespmem:s22+$0x5350];
	v12 =	vmul.f32 $1.442695020e+00, v15;
	v17 =	vpop (erf)  }
0x8e: {  	v14 =	vpop (erf);
	v10 =	vadd.f32 v17, v10;
	(erf) = vpow2.f32 v11  }
0x8f: {  	v11 =	vld [tilespmem:s22+$0x5360]  }
0x90: {  	v15 =	vmul.f32 $1.442695020e+00, v13;
	v14 =	vadd.f32 v14, v10;
	(erf) = vpow2.f32 v12  }
0x91: {  	v10 =	vld [tilespmem:s22+$0x5370];
	v12 =	vpop (erf)  }
0x92: {  	s28 =	simm.s32 $0x1000;
	s3 =	simm.s32 $0x200;
	(erf) = vpow2.f32 v15;
	v13 =	vadd.f32 v12, v14;
	v12 =	vmul.f32 $1.442695020e+00, v63  }
.LBB2_3:
0x93: {  	p1 =	sne.s32 s28, $0xF800;
	v14 =	vld [tilespmem:s3+$0x5200];
	v15 =	vpop (erf)  }
0x94: {  	v13 =	vadd.f32 v15, v13;
	v11 =	vmul.f32 $1.442695020e+00, v11;
	(erf) = vpow2.f32 v12  }
0x95: {  	v12 =	vld [tilespmem:s3+$0x5210];
	v15 =	vpop (erf)  }
0x96: {  	v13 =	vadd.f32 v15, v13;
	v10 =	vmul.f32 $1.442695020e+00, v10;
	(erf) = vpow2.f32 v11  }
0x97: {  	v11 =	vld [tilespmem:s3+$0x5220];
	v15 =	vpop (erf)  }
0x98: {  	v14 =	vmul.f32 $1.442695020e+00, v14;
	v13 =	vadd.f32 v15, v13;
	(erf) = vpow2.f32 v10  }
0x99: {  	v10 =	vld [tilespmem:s3+$0x5230];
	v15 =	vpop (erf)  }
0x9a: {  	v12 =	vmul.f32 $1.442695020e+00, v12;
	(erf) = vpow2.f32 v14;
	v13 =	vadd.f32 v15, v13  }
0x9b: {  	v14 =	vld [tilespmem:s3+$0x5240];
	v15 =	vpop (erf)  }
0x9c: {  	v11 =	vmul.f32 $1.442695020e+00, v11;
	(erf) = vpow2.f32 v12;
	v12 =	vadd.f32 v15, v13  }
0x9d: {  	v13 =	vld [tilespmem:s3+$0x5250];
	v15 =	vpop (erf)  }
0x9e: {  	v10 =	vmul.f32 $1.442695020e+00, v10;
	(erf) = vpow2.f32 v11;
	v11 =	vadd.f32 v15, v12  }
0x9f: {  	v12 =	vld [tilespmem:s3+$0x5260];
	v15 =	vpop (erf)  }
0xa0: {  	v14 =	vmul.f32 $1.442695020e+00, v14;
	(erf) = vpow2.f32 v10;
	v10 =	vadd.f32 v15, v11  }
0xa1: {  	v11 =	vld [tilespmem:s3+$0x5270];
	v15 =	vpop (erf)  }
0xa2: {  	v13 =	vmul.f32 $1.442695020e+00, v13;
	(erf) = vpow2.f32 v14;
	v10 =	vadd.f32 v15, v10  }
0xa3: {  	v14 =	vld [tilespmem:s3+$0x5300];
	v15 =	vpop (erf)  }
0xa4: {  	v10 =	vadd.f32 v15, v10;
	v12 =	vmul.f32 $1.442695020e+00, v12;
	(erf) = vpow2.f32 v13  }
0xa5: {  	v13 =	vld [tilespmem:s3+$0x5310];
	v15 =	vpop (erf)  }
0xa6: {  	v10 =	vadd.f32 v15, v10;
	v11 =	vmul.f32 $1.442695020e+00, v11;
	(erf) = vpow2.f32 v12  }
0xa7: {  	v12 =	vld [tilespmem:s3+$0x5320];
	v15 =	vpop (erf)  }
0xa8: {  	v10 =	vadd.f32 v15, v10;
	v14 =	vmul.f32 $1.442695020e+00, v14;
	(erf) = vpow2.f32 v11  }
0xa9: {  	v11 =	vld [tilespmem:s3+$0x5330];
	v15 =	vpop (erf)  }
0xaa: {  	v10 =	vadd.f32 v15, v10;
	v16 =	vmul.f32 $1.442695020e+00, v13;
	(erf) = vpow2.f32 v14  }
0xab: {  	v14 =	vld [tilespmem:s3+$0x5340];
	v15 =	vpop (erf)  }
0xac: {  	v10 =	vadd.f32 v15, v10;
	v17 =	vmul.f32 $1.442695020e+00, v12;
	(erf) = vpow2.f32 v16  }
0xad: {  	v15 =	vld [tilespmem:s3+$0x5350];
	v13 =	vpop (erf)  }
.Ltmp0:
0xae: {  	v10 =	vadd.f32 v13, v10;
	v16 =	vmul.f32 $1.442695020e+00, v11;
	(erf) = vpow2.f32 v17;
	(pc) =	sbr.rel @p1 .LBB2_3-.Ltmp0, $4  }
0xaf: {  	v11 =	vld [tilespmem:s3+$0x5360];
	v12 =	vpop (erf)  }
0xb0: {  	v12 =	vadd.f32 v12, v10;
	v14 =	vmul.f32 $1.442695020e+00, v14;
	(erf) = vpow2.f32 v16  }
0xb1: {  	v10 =	vld [tilespmem:s3+$0x5370];
	v13 =	vpop (erf)  }
0xb2: {  	s3 =	sshra.s32 s28, $0x2;
	s28 =	sadd.s32 $0x800, s28;
	v13 =	vadd.f32 v13, v12;
	v12 =	vmul.f32 $1.442695020e+00, v15;
	(erf) = vpow2.f32 v14  }
0xb3: {  	v14 =	vld [tilespmem:s3+$0x5200];
	v15 =	vpop (erf)  }
0xb4: {  	v13 =	vadd.f32 v15, v13;
	v11 =	vmul.f32 $1.442695020e+00, v11;
	(erf) = vpow2.f32 v12  }
0xb5: {  	v12 =	vld [tilespmem:s3+$0x5210];
	v15 =	vpop (erf)  }
0xb6: {  	v13 =	vadd.f32 v15, v13;
	v10 =	vmul.f32 $1.442695020e+00, v10;
	(erf) = vpow2.f32 v11  }
0xb7: {  	v11 =	vld [tilespmem:s3+$0x5220];
	v15 =	vpop (erf)  }
0xb8: {  	v14 =	vmul.f32 $1.442695020e+00, v14;
	v13 =	vadd.f32 v15, v13;
	(erf) = vpow2.f32 v10  }
0xb9: {  	v10 =	vld [tilespmem:s3+$0x5230];
	v15 =	vpop (erf)  }
0xba: {  	v12 =	vmul.f32 $1.442695020e+00, v12;
	(erf) = vpow2.f32 v14;
	v13 =	vadd.f32 v15, v13  }
0xbb: {  	v14 =	vld [tilespmem:s3+$0x5240];
	v15 =	vpop (erf)  }
0xbc: {  	v11 =	vmul.f32 $1.442695020e+00, v11;
	(erf) = vpow2.f32 v12;
	v12 =	vadd.f32 v15, v13  }
0xbd: {  	v13 =	vld [tilespmem:s3+$0x5250];
	v15 =	vpop (erf)  }
0xbe: {  	v10 =	vmul.f32 $1.442695020e+00, v10;
	(erf) = vpow2.f32 v11;
	v11 =	vadd.f32 v15, v12  }
0xbf: {  	v12 =	vld [tilespmem:s3+$0x5260];
	v15 =	vpop (erf)  }
0xc0: {  	v14 =	vmul.f32 $1.442695020e+00, v14;
	(erf) = vpow2.f32 v10;
	v10 =	vadd.f32 v15, v11  }
0xc1: {  	v11 =	vld [tilespmem:s3+$0x5270];
	v15 =	vpop (erf)  }
0xc2: {  	v13 =	vmul.f32 $1.442695020e+00, v13;
	(erf) = vpow2.f32 v14;
	v10 =	vadd.f32 v15, v10  }
0xc3: {  	v14 =	vld [tilespmem:s3+$0x5300];
	v15 =	vpop (erf)  }
0xc4: {  	v12 =	vmul.f32 $1.442695020e+00, v12;
	(erf) = vpow2.f32 v13;
	v10 =	vadd.f32 v15, v10  }
0xc5: {  	v13 =	vld [tilespmem:s3+$0x5310];
	v15 =	vpop (erf)  }
0xc6: {  	v11 =	vmul.f32 $1.442695020e+00, v11;
	(erf) = vpow2.f32 v12;
	v10 =	vadd.f32 v15, v10  }
0xc7: {  	v12 =	vld [tilespmem:s3+$0x5320];
	v15 =	vpop (erf)  }
0xc8: {  	v14 =	vmul.f32 $1.442695020e+00, v14;
	(erf) = vpow2.f32 v11;
	v10 =	vadd.f32 v15, v10  }
0xc9: {  	v11 =	vld [tilespmem:s3+$0x5330];
	v15 =	vpop (erf)  }
0xca: {  	v13 =	vmul.f32 $1.442695020e+00, v13;
	(erf) = vpow2.f32 v14;
	v14 =	vld [tilespmem:s3+$0x5340];
	v10 =	vadd.f32 v15, v10  }
0xcb: {  	v15 =	vpop (erf)  }
0xcc: {  	v12 =	vmul.f32 $1.442695020e+00, v12;
	(erf) = vpow2.f32 v13;
	v13 =	vld [tilespmem:s3+$0x5350];
	v10 =	vadd.f32 v15, v10  }
0xcd: {  	v15 =	vpop (erf)  }
0xce: {  	v11 =	vmul.f32 $1.442695020e+00, v11;
	(erf) = vpow2.f32 v12;
	v12 =	vld [tilespmem:s3+$0x5360];
	v10 =	vadd.f32 v15, v10  }
0xcf: {  	v14 =	vmul.f32 $1.442695020e+00, v14;
	v15 =	vpop (erf)  }
0xd0: {  	(erf) = vpow2.f32 v11;
	v11 =	vld [tilespmem:s3+$0x5370];
	v10 =	vadd.f32 v15, v10  }
0xd1: {  	v13 =	vmul.f32 $1.442695020e+00, v13;
	v15 =	vpop (erf)  }
0xd2: {  	(erf) = vpow2.f32 v14;
	v10 =	vadd.f32 v15, v10  }
0xd3: {  	v14 =	vpop (erf);
	v12 =	vmul.f32 $1.442695020e+00, v12  }
0xd4: {  	v10 =	vadd.f32 v14, v10  }
0xd5: {  	(erf) = vpow2.f32 v13;
	v13 =	vpop (erf);
	v11 =	vmul.f32 $1.442695020e+00, v11  }
0xd6: {  	v10 =	vadd.f32 v13, v10  }
0xd7: {  	(erf) = vpow2.f32 v12;
	v12 =	vpop (erf)  }
0xd8: {  	v10 =	vadd.f32 v12, v10  }
0xd9: {  	s6 =	sshll.u32 s4, $0x7;
	(erf) = vpow2.f32 v11;
	v11 =	vpop (erf)  }
0xda: {  	v10 =	vadd.f32 v11, v10;
	v11 =	vmov s6  }
0xdb: {  	v12 =	vpop (erf);
	v11 =	vshrl.u32 v11, $0x7  }
0xdc: {  	v12 =	vadd.f32 v12, v10  }
0xdd: {  	v10 =	vshll.u32 v11, $0x7  }
0xde: {  	v10 =	vbroadcast v10, $0x0;
	v11 =	vpop (erf)  }
0xdf: {  	v11 =	vadd.f32 v11, v12  }
0xe0: {  	v13 =	vor.u32 v0, v10;
	v12 =	vpop (erf)  }
0xe1: {  	v11 =	vadd.f32 v12, v11  }
0xe2: {  	v12 =	vpop (erf)  }
0xe3: {  	v11 =	vadd.f32 v12, v11;
	_ =	sdelay $0x1  }
0xe4: {  	s22 =	simm.s32 $0x0;
	[tilespmem:v13+s19+$0x0] =	vst.idx.msk $0xffff, v11  }
0xe5: {  	v11 =	vld [tilespmem:s22+$0x5280];
	_ =	sdelay $0x1  }
0xe6: {  	v12 =	vld [tilespmem:s22+$0x5290]  }
0xe7: {  	v13 =	vld [tilespmem:s22+$0x52A0];
	_ =	sdelay $0x1  }
0xe8: {  	v11 =	vmul.f32 $1.442695020e+00, v11;
	_ =	sdelay $0x1  }
0xe9: {  	v14 =	vld [tilespmem:s22+$0x52B0];
	v12 =	vmul.f32 $1.442695020e+00, v12;
	(erf) = vpow2.f32 v11  }
0xea: {  	v13 =	vmul.f32 $1.442695020e+00, v13;
	v11 =	vld [tilespmem:s22+$0x52C0]  }
0xeb: {  	(erf) = vpow2.f32 v12;
	v12 =	vld [tilespmem:s22+$0x52D0]  }
0xec: {  	(erf) = vpow2.f32 v13;
	v13 =	vld [tilespmem:s22+$0x52E0];
	_ =	sdelay $0x1  }
0xed: {  	v14 =	vmul.f32 $1.442695020e+00, v14  }
0xee: {  	v11 =	vmul.f32 $1.442695020e+00, v11  }
0xef: {  	(erf) = vpow2.f32 v14;
	v14 =	vld [tilespmem:s22+$0x52F0];
	v12 =	vmul.f32 $1.442695020e+00, v12  }
0xf0: {  	(erf) = vpow2.f32 v11;
	v13 =	vmul.f32 $1.442695020e+00, v13  }
0xf1: {  	v11 =	vimm.f32 $0.0e+00;
	(erf) = vpow2.f32 v12;
	v15 =	vpop (erf)  }
0xf2: {  	(erf) = vpow2.f32 v13;
	v13 =	vld [tilespmem:s22+$0x5380];
	v11 =	vadd.f32 v15, v11  }
0xf3: {  	v12 =	vpop (erf)  }
0xf4: {  	v15 =	vld [tilespmem:s22+$0x5390];
	v11 =	vadd.f32 v12, v11;
	v12 =	vmul.f32 $1.442695020e+00, v14;
	_ =	sdelay $0x1  }
0xf5: {  	v14 =	vpop (erf);
	(erf) = vpow2.f32 v12;
	v12 =	vld [tilespmem:s22+$0x53A0]  }
0xf6: {  	v16 =	vld [tilespmem:s22+$0x53B0];
	v11 =	vadd.f32 v14, v11;
	v13 =	vmul.f32 $1.442695020e+00, v13  }
0xf7: {  	v14 =	vpop (erf)  }
0xf8: {  	v15 =	vmul.f32 $1.442695020e+00, v15;
	v11 =	vadd.f32 v14, v11;
	v17 =	vpop (erf);
	(erf) = vpow2.f32 v13  }
0xf9: {  	v14 =	vld [tilespmem:s22+$0x53C0]  }
0xfa: {  	(erf) = vpow2.f32 v15;
	v11 =	vadd.f32 v17, v11;
	v12 =	vmul.f32 $1.442695020e+00, v12  }
0xfb: {  	v62 =	vld [tilespmem:s22+$0x53D0];
	v13 =	vmul.f32 $1.442695020e+00, v16;
	v18 =	vpop (erf)  }
0xfc: {  	v15 =	vpop (erf);
	v11 =	vadd.f32 v18, v11;
	(erf) = vpow2.f32 v12  }
0xfd: {  	v12 =	vld [tilespmem:s22+$0x53E0]  }
0xfe: {  	v63 =	vmul.f32 $1.442695020e+00, v14;
	v15 =	vadd.f32 v15, v11;
	(erf) = vpow2.f32 v13  }
0xff: {  	v11 =	vld [tilespmem:s22+$0x53F0];
	v13 =	vpop (erf)  }
0x100: {  	s28 =	simm.s32 $0x1000;
	s3 =	simm.s32 $0x200;
	(erf) = vpow2.f32 v63;
	v14 =	vadd.f32 v13, v15;
	v13 =	vmul.f32 $1.442695020e+00, v62  }
.LBB2_5:
0x101: {  	p1 =	sne.s32 s28, $0xF800;
	v15 =	vld [tilespmem:s3+$0x5280];
	v16 =	vpop (erf)  }
0x102: {  	v14 =	vadd.f32 v16, v14;
	v12 =	vmul.f32 $1.442695020e+00, v12;
	(erf) = vpow2.f32 v13  }
0x103: {  	v13 =	vld [tilespmem:s3+$0x5290];
	v16 =	vpop (erf)  }
0x104: {  	v14 =	vadd.f32 v16, v14;
	v11 =	vmul.f32 $1.442695020e+00, v11;
	(erf) = vpow2.f32 v12  }
0x105: {  	v12 =	vld [tilespmem:s3+$0x52A0];
	v16 =	vpop (erf)  }
0x106: {  	v15 =	vmul.f32 $1.442695020e+00, v15;
	v14 =	vadd.f32 v16, v14;
	(erf) = vpow2.f32 v11  }
0x107: {  	v11 =	vld [tilespmem:s3+$0x52B0];
	v16 =	vpop (erf)  }
0x108: {  	v13 =	vmul.f32 $1.442695020e+00, v13;
	(erf) = vpow2.f32 v15;
	v14 =	vadd.f32 v16, v14  }
0x109: {  	v15 =	vld [tilespmem:s3+$0x52C0];
	v16 =	vpop (erf)  }
0x10a: {  	v12 =	vmul.f32 $1.442695020e+00, v12;
	(erf) = vpow2.f32 v13;
	v13 =	vadd.f32 v16, v14  }
0x10b: {  	v14 =	vld [tilespmem:s3+$0x52D0];
	v16 =	vpop (erf)  }
0x10c: {  	v11 =	vmul.f32 $1.442695020e+00, v11;
	(erf) = vpow2.f32 v12;
	v12 =	vadd.f32 v16, v13  }
0x10d: {  	v13 =	vld [tilespmem:s3+$0x52E0];
	v16 =	vpop (erf)  }
0x10e: {  	v15 =	vmul.f32 $1.442695020e+00, v15;
	(erf) = vpow2.f32 v11;
	v11 =	vadd.f32 v16, v12  }
0x10f: {  	v12 =	vld [tilespmem:s3+$0x52F0];
	v16 =	vpop (erf)  }
0x110: {  	v14 =	vmul.f32 $1.442695020e+00, v14;
	(erf) = vpow2.f32 v15;
	v11 =	vadd.f32 v16, v11  }
0x111: {  	v15 =	vld [tilespmem:s3+$0x5380];
	v16 =	vpop (erf)  }
0x112: {  	v11 =	vadd.f32 v16, v11;
	v13 =	vmul.f32 $1.442695020e+00, v13;
	(erf) = vpow2.f32 v14  }
0x113: {  	v14 =	vld [tilespmem:s3+$0x5390];
	v16 =	vpop (erf)  }
0x114: {  	v11 =	vadd.f32 v16, v11;
	v12 =	vmul.f32 $1.442695020e+00, v12;
	(erf) = vpow2.f32 v13  }
0x115: {  	v13 =	vld [tilespmem:s3+$0x53A0];
	v16 =	vpop (erf)  }
0x116: {  	v11 =	vadd.f32 v16, v11;
	v15 =	vmul.f32 $1.442695020e+00, v15;
	(erf) = vpow2.f32 v12  }
0x117: {  	v12 =	vld [tilespmem:s3+$0x53B0];
	v16 =	vpop (erf)  }
0x118: {  	v11 =	vadd.f32 v16, v11;
	v17 =	vmul.f32 $1.442695020e+00, v14;
	(erf) = vpow2.f32 v15  }
0x119: {  	v15 =	vld [tilespmem:s3+$0x53C0];
	v16 =	vpop (erf)  }
0x11a: {  	v11 =	vadd.f32 v16, v11;
	v18 =	vmul.f32 $1.442695020e+00, v13;
	(erf) = vpow2.f32 v17  }
0x11b: {  	v16 =	vld [tilespmem:s3+$0x53D0];
	v14 =	vpop (erf)  }
.Ltmp1:
0x11c: {  	v11 =	vadd.f32 v14, v11;
	v17 =	vmul.f32 $1.442695020e+00, v12;
	(erf) = vpow2.f32 v18;
	(pc) =	sbr.rel @p1 .LBB2_5-.Ltmp1, $4  }
0x11d: {  	v12 =	vld [tilespmem:s3+$0x53E0];
	v13 =	vpop (erf)  }
0x11e: {  	v13 =	vadd.f32 v13, v11;
	v15 =	vmul.f32 $1.442695020e+00, v15;
	(erf) = vpow2.f32 v17  }
0x11f: {  	v11 =	vld [tilespmem:s3+$0x53F0];
	v14 =	vpop (erf)  }
0x120: {  	s3 =	sshra.s32 s28, $0x2;
	s28 =	sadd.s32 $0x800, s28;
	v14 =	vadd.f32 v14, v13;
	v13 =	vmul.f32 $1.442695020e+00, v16;
	(erf) = vpow2.f32 v15  }
0x121: {  	v15 =	vld [tilespmem:s3+$0x5280];
	v16 =	vpop (erf)  }
0x122: {  	v14 =	vadd.f32 v16, v14;
	v12 =	vmul.f32 $1.442695020e+00, v12;
	(erf) = vpow2.f32 v13  }
0x123: {  	v13 =	vld [tilespmem:s3+$0x5290];
	v47 =	vpop (erf)  }
0x124: {  	v14 =	vadd.f32 v47, v14;
	v11 =	vmul.f32 $1.442695020e+00, v11;
	(erf) = vpow2.f32 v12  }
0x125: {  	v12 =	vld [tilespmem:s3+$0x52A0];
	v48 =	vpop (erf)  }
0x126: {  	v15 =	vmul.f32 $1.442695020e+00, v15;
	v14 =	vadd.f32 v48, v14;
	(erf) = vpow2.f32 v11  }
0x127: {  	v11 =	vld [tilespmem:s3+$0x52B0];
	v49 =	vpop (erf)  }
0x128: {  	v13 =	vmul.f32 $1.442695020e+00, v13;
	(erf) = vpow2.f32 v15;
	v14 =	vadd.f32 v49, v14  }
0x129: {  	v15 =	vld [tilespmem:s3+$0x52C0];
	v50 =	vpop (erf)  }
0x12a: {  	v12 =	vmul.f32 $1.442695020e+00, v12;
	(erf) = vpow2.f32 v13;
	v13 =	vadd.f32 v50, v14  }
0x12b: {  	v14 =	vld [tilespmem:s3+$0x52D0];
	v51 =	vpop (erf)  }
0x12c: {  	v11 =	vmul.f32 $1.442695020e+00, v11;
	(erf) = vpow2.f32 v12;
	v12 =	vadd.f32 v51, v13  }
0x12d: {  	v13 =	vld [tilespmem:s3+$0x52E0];
	v52 =	vpop (erf)  }
0x12e: {  	v15 =	vmul.f32 $1.442695020e+00, v15;
	(erf) = vpow2.f32 v11;
	v11 =	vadd.f32 v52, v12  }
0x12f: {  	v12 =	vld [tilespmem:s3+$0x52F0];
	v53 =	vpop (erf)  }
0x130: {  	v14 =	vmul.f32 $1.442695020e+00, v14;
	(erf) = vpow2.f32 v15;
	v11 =	vadd.f32 v53, v11  }
0x131: {  	v15 =	vld [tilespmem:s3+$0x5380];
	v54 =	vpop (erf)  }
0x132: {  	v13 =	vmul.f32 $1.442695020e+00, v13;
	(erf) = vpow2.f32 v14;
	v11 =	vadd.f32 v54, v11  }
0x133: {  	v14 =	vld [tilespmem:s3+$0x5390];
	v55 =	vpop (erf)  }
0x134: {  	v12 =	vmul.f32 $1.442695020e+00, v12;
	(erf) = vpow2.f32 v13;
	v11 =	vadd.f32 v55, v11  }
0x135: {  	v13 =	vld [tilespmem:s3+$0x53A0];
	v56 =	vpop (erf)  }
0x136: {  	v15 =	vmul.f32 $1.442695020e+00, v15;
	(erf) = vpow2.f32 v12;
	v11 =	vadd.f32 v56, v11  }
0x137: {  	v12 =	vld [tilespmem:s3+$0x53B0];
	v57 =	vpop (erf)  }
0x138: {  	v14 =	vmul.f32 $1.442695020e+00, v14;
	(erf) = vpow2.f32 v15;
	v15 =	vld [tilespmem:s3+$0x53C0];
	v11 =	vadd.f32 v57, v11  }
0x139: {  	v58 =	vpop (erf)  }
0x13a: {  	v13 =	vmul.f32 $1.442695020e+00, v13;
	(erf) = vpow2.f32 v14;
	v14 =	vld [tilespmem:s3+$0x53D0];
	v11 =	vadd.f32 v58, v11  }
0x13b: {  	v59 =	vpop (erf)  }
0x13c: {  	v12 =	vmul.f32 $1.442695020e+00, v12;
	(erf) = vpow2.f32 v13;
	v13 =	vld [tilespmem:s3+$0x53E0];
	v11 =	vadd.f32 v59, v11  }
0x13d: {  	v15 =	vmul.f32 $1.442695020e+00, v15;
	v60 =	vpop (erf)  }
0x13e: {  	(erf) = vpow2.f32 v12;
	v12 =	vld [tilespmem:s3+$0x53F0];
	v11 =	vadd.f32 v60, v11  }
0x13f: {  	v14 =	vmul.f32 $1.442695020e+00, v14;
	v61 =	vpop (erf)  }
0x140: {  	(erf) = vpow2.f32 v15;
	v11 =	vadd.f32 v61, v11  }
0x141: {  	v15 =	vpop (erf);
	v13 =	vmul.f32 $1.442695020e+00, v13  }
0x142: {  	(erf) = vpow2.f32 v14;
	v11 =	vadd.f32 v15, v11  }
0x143: {  	v14 =	vpop (erf);
	v12 =	vmul.f32 $1.442695020e+00, v12  }
0x144: {  	(erf) = vpow2.f32 v13;
	v11 =	vadd.f32 v14, v11  }
0x145: {  	v13 =	vpop (erf)  }
0x146: {  	(erf) = vpow2.f32 v12;
	v11 =	vadd.f32 v13, v11  }
0x147: {  	v12 =	vpop (erf)  }
0x148: {  	v11 =	vadd.f32 v12, v11  }
0x149: {  	v12 =	vpop (erf)  }
0x14a: {  	v11 =	vadd.f32 v12, v11  }
0x14b: {  	v12 =	vpop (erf)  }
0x14c: {  	v11 =	vadd.f32 v12, v11  }
0x14d: {  	v10 =	vor.u32 v5, v10;
	v12 =	vpop (erf)  }
0x14e: {  	v11 =	vadd.f32 v12, v11  }
0x14f: {  	v12 =	vpop (erf)  }
0x150: {  	s28 =	sor.u32 $0x1, s0;
	v11 =	vadd.f32 v12, v11  }
0x151: {  	s22 =	sshll.u32 s28, $0x1  }
0x152: {  	s6 =	sadd.s32 s5, s22;
	[tilespmem:v10+s19+$0x0] =	vst.idx.msk $0xffff, v11  }
0x153: {  	s3 =	sshll.u32 s6, $0xA;
	_ =	swait.ge [sflag:s20], $0x4000  }
0x154: {  	s3 =	sand.u32 $0x1FFFE000, s3;
	[sflag:s20] =	ssyncset.done $0x0  }
0x155: {  	s6 =	simm.s32 @!p0 $0x8;
	s3 =	sadd.s32 s3, s15;
	[sflag:s20] =	ssyncadd.s32 $0xFFFFC000  }
0x156: {  	[hbm4b:s3+s30] =	stream.strided.scatter [tilespmem:s26], [sflag:$0x6], $0x4000, s23, s30, $0x38;
	[tilespmem:$0x15200] =	vst v63  }
0x157: {  	s3 =	sor.u32 $0x3, s0;
	_ =	swait.ge @!p0 [sflag:s6], $0x4000  }
0x158: {  	s0 =	sshll.u32 s3, $0x7;
	[sflag:s6] =	ssyncset.done @!p0 $0x0  }
0x159: {  	s0 =	sand.u32 $0x3FFFFF80, s0;
	[sflag:s6] =	ssyncadd.s32 @!p0 $0xFFFFC000  }
0x15a: {  	v10 =	vld.msk [tilespmem:s0+$0x0], $0x3;
	_ =	sdelay $0x4  }
0x15b: {  	v11 =	vshll.u32 v10, $0x6  }
0x15c: {  	v10 =	vand.u32 $0x7, v10;
	v11 =	vand.u32 $0xFFFFFE00, v11  }
0x15d: {  	v10 =	vor.u32 v10, v11  }
0x15e: {  	v10 =	vperm.xlane v10, v2;
	_ =	sdelay $0x1  }
0x15f: {  	v10 =	vadd.s32 v3, v10;
	_ =	sdelay $0x3  }
0x160: {  	s0 =	simm.s32 $0x0  }
0x161: {  	[tilespmem:s21], [sflag:$0x4] =	stream.indirect_vreg.gather [hbm4b:s1+s0], $0x80, v10, vm0, $0xb8;
	[tilespmem:$0x15200] =	vst v63  }
0x162: {  	s6 =	simm.s32 $0x11A00  }
0x163: {  	[tilespmem:s6], [sflag:$0x4] =	stream.indirect_vreg.gather [hbm4b:s8+s0], $0x80, v10, vm0, $0xb8;
	[tilespmem:$0x15200] =	vst v63  }
0x164: {  	s6 =	simm.s32 $0x12200  }
0x165: {  	[tilespmem:s6], [sflag:$0x4] =	stream.indirect_vreg.gather [hbm4b:s9+s0], $0x80, v10, vm0, $0xb8;
	[tilespmem:$0x15200] =	vst v63  }
0x166: {  	s6 =	simm.s32 $0x12A00  }
0x167: {  	[tilespmem:s6], [sflag:$0x4] =	stream.indirect_vreg.gather [hbm4b:s10+s0], $0x80, v10, vm0, $0xb8;
	[tilespmem:$0x15200] =	vst v63  }
0x168: {  	s6 =	simm.s32 $0x13200  }
0x169: {  	[tilespmem:s6], [sflag:$0x4] =	stream.indirect_vreg.gather [hbm4b:s11+s0], $0x80, v10, vm0, $0xb8;
	[tilespmem:$0x15200] =	vst v63  }
0x16a: {  	s6 =	simm.s32 $0x13A00  }
0x16b: {  	v11 =	vadd.s32 s22, v0;
	[tilespmem:s6], [sflag:$0x4] =	stream.indirect_vreg.gather [hbm4b:s12+s0], $0x80, v10, vm0, $0xb8;
	[tilespmem:$0x15200] =	vst v63  }
0x16c: {  	s22 =	simm.s32 $0x14200  }
0x16d: {  	[tilespmem:s22], [sflag:$0x4] =	stream.indirect_vreg.gather [hbm4b:s13+s0], $0x80, v10, vm0, $0xb8;
	[tilespmem:$0x15200] =	vst v63  }
0x16e: {  	s22 =	simm.s32 $0x14A00  }
0x16f: {  	[tilespmem:s22], [sflag:$0x4] =	stream.indirect_vreg.gather [hbm4b:s14+s0], $0x80, v10, vm0, $0xb8;
	[tilespmem:$0x15200] =	vst v63  }
0x170: {  	v10 =	vld.idx.msk [tilespmem:v11+s24+$0x0], $0xffff;
	_ =	sdelay $0x4  }
0x171: {  	v10 =	vnsel vm1, $0x0, v10  }
0x172: {  	v11 =	vshll.u32 v10, $0x1  }
0x173: {  	v10 =	vand.u32 $0x7F, v10;
	v11 =	vand.u32 $0xFFFFFF00, v11  }
0x174: {  	v10 =	vor.u32 v11, v10  }
0x175: {  	v10 =	vor.u32 v4, v10;
	_ =	sdelay $0x4  }
0x176: {  	v10 =	vld.idx.msk [tilespmem:v10+s26+$0x0], $0xffff  }
0x177: {  	v11 =	vld [tilespmem:$0x4180];
	_ =	sdelay $0x3  }
0x178: {  	v10 =	vnsel vm1, $0x0, v10  }
0x179: {  	v10 =	vadd.f32 v10, v11;
	_ =	sdelay $0x1  }
0x17a: {  	s22 =	simm.s32 $0x0;
	[tilespmem:$0x4180] =	vst v10  }
0x17b: {  	v10 =	vld [tilespmem:s22+$0x9200];
	_ =	sdelay $0x1  }
0x17c: {  	v11 =	vld [tilespmem:s22+$0x9210]  }
0x17d: {  	v12 =	vld [tilespmem:s22+$0x9220];
	_ =	sdelay $0x1  }
0x17e: {  	v10 =	vmul.f32 $1.442695020e+00, v10;
	_ =	sdelay $0x1  }
0x17f: {  	v13 =	vld [tilespmem:s22+$0x9230];
	v11 =	vmul.f32 $1.442695020e+00, v11;
	(erf) = vpow2.f32 v10  }
0x180: {  	v12 =	vmul.f32 $1.442695020e+00, v12;
	v10 =	vld [tilespmem:s22+$0x9240]  }
0x181: {  	(erf) = vpow2.f32 v11;
	v11 =	vld [tilespmem:s22+$0x9250]  }
0x182: {  	(erf) = vpow2.f32 v12;
	v12 =	vld [tilespmem:s22+$0x9260];
	_ =	sdelay $0x1  }
0x183: {  	v13 =	vmul.f32 $1.442695020e+00, v13  }
0x184: {  	v10 =	vmul.f32 $1.442695020e+00, v10  }
0x185: {  	(erf) = vpow2.f32 v13;
	v13 =	vld [tilespmem:s22+$0x9270];
	v11 =	vmul.f32 $1.442695020e+00, v11  }
0x186: {  	(erf) = vpow2.f32 v10;
	v12 =	vmul.f32 $1.442695020e+00, v12  }
0x187: {  	v10 =	vimm.f32 $0.0e+00;
	(erf) = vpow2.f32 v11;
	v14 =	vpop (erf)  }
0x188: {  	(erf) = vpow2.f32 v12;
	v12 =	vld [tilespmem:s22+$0x9300];
	v10 =	vadd.f32 v14, v10  }
0x189: {  	v11 =	vpop (erf)  }
0x18a: {  	v14 =	vld [tilespmem:s22+$0x9310];
	v10 =	vadd.f32 v11, v10;
	v11 =	vmul.f32 $1.442695020e+00, v13;
	_ =	sdelay $0x1  }
0x18b: {  	v13 =	vpop (erf);
	(erf) = vpow2.f32 v11;
	v11 =	vld [tilespmem:s22+$0x9320]  }
0x18c: {  	v15 =	vld [tilespmem:s22+$0x9330];
	v10 =	vadd.f32 v13, v10;
	v12 =	vmul.f32 $1.442695020e+00, v12  }
0x18d: {  	v13 =	vpop (erf)  }
0x18e: {  	v14 =	vmul.f32 $1.442695020e+00, v14;
	v10 =	vadd.f32 v13, v10;
	v62 =	vpop (erf);
	(erf) = vpow2.f32 v12  }
0x18f: {  	v13 =	vld [tilespmem:s22+$0x9340]  }
0x190: {  	(erf) = vpow2.f32 v14;
	v10 =	vadd.f32 v62, v10;
	v11 =	vmul.f32 $1.442695020e+00, v11  }
0x191: {  	v63 =	vld [tilespmem:s22+$0x9350];
	v12 =	vmul.f32 $1.442695020e+00, v15;
	v17 =	vpop (erf)  }
0x192: {  	v14 =	vpop (erf);
	v10 =	vadd.f32 v17, v10;
	(erf) = vpow2.f32 v11  }
0x193: {  	v11 =	vld [tilespmem:s22+$0x9360]  }
0x194: {  	v15 =	vmul.f32 $1.442695020e+00, v13;
	v14 =	vadd.f32 v14, v10;
	(erf) = vpow2.f32 v12  }
0x195: {  	v10 =	vld [tilespmem:s22+$0x9370];
	v12 =	vpop (erf)  }
0x196: {  	s0 =	simm.s32 $0x200;
	s22 =	simm.s32 $0x1000;
	(erf) = vpow2.f32 v15;
	v13 =	vadd.f32 v12, v14;
	v12 =	vmul.f32 $1.442695020e+00, v63  }
.LBB2_7:
0x197: {  	p0 =	sne.s32 s22, $0xF800;
	v14 =	vld [tilespmem:s0+$0x9200];
	v15 =	vpop (erf)  }
0x198: {  	v13 =	vadd.f32 v15, v13;
	v11 =	vmul.f32 $1.442695020e+00, v11;
	(erf) = vpow2.f32 v12  }
0x199: {  	v12 =	vld [tilespmem:s0+$0x9210];
	v15 =	vpop (erf)  }
0x19a: {  	v13 =	vadd.f32 v15, v13;
	v10 =	vmul.f32 $1.442695020e+00, v10;
	(erf) = vpow2.f32 v11  }
0x19b: {  	v11 =	vld [tilespmem:s0+$0x9220];
	v15 =	vpop (erf)  }
0x19c: {  	v14 =	vmul.f32 $1.442695020e+00, v14;
	v13 =	vadd.f32 v15, v13;
	(erf) = vpow2.f32 v10  }
0x19d: {  	v10 =	vld [tilespmem:s0+$0x9230];
	v15 =	vpop (erf)  }
0x19e: {  	v12 =	vmul.f32 $1.442695020e+00, v12;
	(erf) = vpow2.f32 v14;
	v13 =	vadd.f32 v15, v13  }
0x19f: {  	v14 =	vld [tilespmem:s0+$0x9240];
	v15 =	vpop (erf)  }
0x1a0: {  	v11 =	vmul.f32 $1.442695020e+00, v11;
	(erf) = vpow2.f32 v12;
	v12 =	vadd.f32 v15, v13  }
0x1a1: {  	v13 =	vld [tilespmem:s0+$0x9250];
	v15 =	vpop (erf)  }
0x1a2: {  	v10 =	vmul.f32 $1.442695020e+00, v10;
	(erf) = vpow2.f32 v11;
	v11 =	vadd.f32 v15, v12  }
0x1a3: {  	v12 =	vld [tilespmem:s0+$0x9260];
	v15 =	vpop (erf)  }
0x1a4: {  	v14 =	vmul.f32 $1.442695020e+00, v14;
	(erf) = vpow2.f32 v10;
	v10 =	vadd.f32 v15, v11  }
0x1a5: {  	v11 =	vld [tilespmem:s0+$0x9270];
	v15 =	vpop (erf)  }
0x1a6: {  	v13 =	vmul.f32 $1.442695020e+00, v13;
	(erf) = vpow2.f32 v14;
	v10 =	vadd.f32 v15, v10  }
0x1a7: {  	v14 =	vld [tilespmem:s0+$0x9300];
	v15 =	vpop (erf)  }
0x1a8: {  	v10 =	vadd.f32 v15, v10;
	v12 =	vmul.f32 $1.442695020e+00, v12;
	(erf) = vpow2.f32 v13  }
0x1a9: {  	v13 =	vld [tilespmem:s0+$0x9310];
	v15 =	vpop (erf)  }
0x1aa: {  	v10 =	vadd.f32 v15, v10;
	v11 =	vmul.f32 $1.442695020e+00, v11;
	(erf) = vpow2.f32 v12  }
0x1ab: {  	v12 =	vld [tilespmem:s0+$0x9320];
	v15 =	vpop (erf)  }
0x1ac: {  	v10 =	vadd.f32 v15, v10;
	v14 =	vmul.f32 $1.442695020e+00, v14;
	(erf) = vpow2.f32 v11  }
0x1ad: {  	v11 =	vld [tilespmem:s0+$0x9330];
	v15 =	vpop (erf)  }
0x1ae: {  	v10 =	vadd.f32 v15, v10;
	v16 =	vmul.f32 $1.442695020e+00, v13;
	(erf) = vpow2.f32 v14  }
0x1af: {  	v14 =	vld [tilespmem:s0+$0x9340];
	v15 =	vpop (erf)  }
0x1b0: {  	v10 =	vadd.f32 v15, v10;
	v17 =	vmul.f32 $1.442695020e+00, v12;
	(erf) = vpow2.f32 v16  }
0x1b1: {  	v15 =	vld [tilespmem:s0+$0x9350];
	v13 =	vpop (erf)  }
.Ltmp2:
0x1b2: {  	v10 =	vadd.f32 v13, v10;
	v16 =	vmul.f32 $1.442695020e+00, v11;
	(erf) = vpow2.f32 v17;
	(pc) =	sbr.rel @p0 .LBB2_7-.Ltmp2, $4  }
0x1b3: {  	v11 =	vld [tilespmem:s0+$0x9360];
	v12 =	vpop (erf)  }
0x1b4: {  	v12 =	vadd.f32 v12, v10;
	v14 =	vmul.f32 $1.442695020e+00, v14;
	(erf) = vpow2.f32 v16  }
0x1b5: {  	v10 =	vld [tilespmem:s0+$0x9370];
	v13 =	vpop (erf)  }
0x1b6: {  	s0 =	sshra.s32 s22, $0x2;
	s22 =	sadd.s32 $0x800, s22;
	v13 =	vadd.f32 v13, v12;
	v12 =	vmul.f32 $1.442695020e+00, v15;
	(erf) = vpow2.f32 v14  }
0x1b7: {  	v14 =	vld [tilespmem:s0+$0x9200];
	v15 =	vpop (erf)  }
0x1b8: {  	v13 =	vadd.f32 v15, v13;
	v11 =	vmul.f32 $1.442695020e+00, v11;
	(erf) = vpow2.f32 v12  }
0x1b9: {  	v12 =	vld [tilespmem:s0+$0x9210];
	v15 =	vpop (erf)  }
0x1ba: {  	v13 =	vadd.f32 v15, v13;
	v10 =	vmul.f32 $1.442695020e+00, v10;
	(erf) = vpow2.f32 v11  }
0x1bb: {  	v11 =	vld [tilespmem:s0+$0x9220];
	v15 =	vpop (erf)  }
0x1bc: {  	v14 =	vmul.f32 $1.442695020e+00, v14;
	v13 =	vadd.f32 v15, v13;
	(erf) = vpow2.f32 v10  }
0x1bd: {  	v10 =	vld [tilespmem:s0+$0x9230];
	v15 =	vpop (erf)  }
0x1be: {  	v12 =	vmul.f32 $1.442695020e+00, v12;
	(erf) = vpow2.f32 v14;
	v13 =	vadd.f32 v15, v13  }
0x1bf: {  	v14 =	vld [tilespmem:s0+$0x9240];
	v15 =	vpop (erf)  }
0x1c0: {  	v11 =	vmul.f32 $1.442695020e+00, v11;
	(erf) = vpow2.f32 v12;
	v12 =	vadd.f32 v15, v13  }
0x1c1: {  	v13 =	vld [tilespmem:s0+$0x9250];
	v15 =	vpop (erf)  }
0x1c2: {  	v10 =	vmul.f32 $1.442695020e+00, v10;
	(erf) = vpow2.f32 v11;
	v11 =	vadd.f32 v15, v12  }
0x1c3: {  	v12 =	vld [tilespmem:s0+$0x9260];
	v15 =	vpop (erf)  }
0x1c4: {  	v14 =	vmul.f32 $1.442695020e+00, v14;
	(erf) = vpow2.f32 v10;
	v10 =	vadd.f32 v15, v11  }
0x1c5: {  	v11 =	vld [tilespmem:s0+$0x9270];
	v15 =	vpop (erf)  }
0x1c6: {  	v13 =	vmul.f32 $1.442695020e+00, v13;
	(erf) = vpow2.f32 v14;
	v10 =	vadd.f32 v15, v10  }
0x1c7: {  	v14 =	vld [tilespmem:s0+$0x9300];
	v15 =	vpop (erf)  }
0x1c8: {  	v12 =	vmul.f32 $1.442695020e+00, v12;
	(erf) = vpow2.f32 v13;
	v10 =	vadd.f32 v15, v10  }
0x1c9: {  	v13 =	vld [tilespmem:s0+$0x9310];
	v15 =	vpop (erf)  }
0x1ca: {  	v11 =	vmul.f32 $1.442695020e+00, v11;
	(erf) = vpow2.f32 v12;
	v10 =	vadd.f32 v15, v10  }
0x1cb: {  	v12 =	vld [tilespmem:s0+$0x9320];
	v15 =	vpop (erf)  }
0x1cc: {  	v14 =	vmul.f32 $1.442695020e+00, v14;
	(erf) = vpow2.f32 v11;
	v10 =	vadd.f32 v15, v10  }
0x1cd: {  	v11 =	vld [tilespmem:s0+$0x9330];
	v15 =	vpop (erf)  }
0x1ce: {  	v13 =	vmul.f32 $1.442695020e+00, v13;
	(erf) = vpow2.f32 v14;
	v14 =	vld [tilespmem:s0+$0x9340];
	v10 =	vadd.f32 v15, v10  }
0x1cf: {  	v15 =	vpop (erf)  }
0x1d0: {  	v12 =	vmul.f32 $1.442695020e+00, v12;
	(erf) = vpow2.f32 v13;
	v13 =	vld [tilespmem:s0+$0x9350];
	v10 =	vadd.f32 v15, v10  }
0x1d1: {  	v15 =	vpop (erf)  }
0x1d2: {  	v11 =	vmul.f32 $1.442695020e+00, v11;
	(erf) = vpow2.f32 v12;
	v12 =	vld [tilespmem:s0+$0x9360];
	v10 =	vadd.f32 v15, v10  }
0x1d3: {  	v14 =	vmul.f32 $1.442695020e+00, v14;
	v15 =	vpop (erf)  }
0x1d4: {  	(erf) = vpow2.f32 v11;
	v11 =	vld [tilespmem:s0+$0x9370];
	v10 =	vadd.f32 v15, v10  }
0x1d5: {  	v13 =	vmul.f32 $1.442695020e+00, v13;
	v15 =	vpop (erf)  }
0x1d6: {  	(erf) = vpow2.f32 v14;
	v10 =	vadd.f32 v15, v10  }
0x1d7: {  	v14 =	vpop (erf);
	v12 =	vmul.f32 $1.442695020e+00, v12  }
0x1d8: {  	(erf) = vpow2.f32 v13;
	v10 =	vadd.f32 v14, v10  }
0x1d9: {  	v13 =	vpop (erf);
	v11 =	vmul.f32 $1.442695020e+00, v11  }
0x1da: {  	(erf) = vpow2.f32 v12;
	v10 =	vadd.f32 v13, v10  }
0x1db: {  	v12 =	vpop (erf)  }
0x1dc: {  	(erf) = vpow2.f32 v11;
	v10 =	vadd.f32 v12, v10  }
0x1dd: {  	s0 =	sshll.u32 s28, $0x5;
	v11 =	vpop (erf)  }
0x1de: {  	v10 =	vadd.f32 v11, v10;
	v11 =	vmov s0  }
0x1df: {  	v12 =	vpop (erf);
	v11 =	vshrl.u32 v11, $0x7  }
0x1e0: {  	v10 =	vadd.f32 v12, v10;
	v11 =	vshll.u32 v11, $0x7  }
0x1e1: {  	v12 =	vpop (erf);
	v11 =	vbroadcast v11, $0x0  }
0x1e2: {  	v10 =	vadd.f32 v12, v10  }
0x1e3: {  	v12 =	vpop (erf);
	v11 =	vor.u32 v6, v11  }
0x1e4: {  	v10 =	vadd.f32 v12, v10  }
0x1e5: {  	v12 =	vpop (erf)  }
0x1e6: {  	v10 =	vadd.f32 v12, v10;
	_ =	sdelay $0x1  }
0x1e7: {  	s6 =	simm.s32 $0x0;
	[tilespmem:v11+s19+$0x0] =	vst.idx.msk $0xffff, v10  }
0x1e8: {  	v10 =	vld [tilespmem:s6+$0x9280];
	_ =	sdelay $0x1  }
0x1e9: {  	v11 =	vld [tilespmem:s6+$0x9290]  }
0x1ea: {  	v12 =	vld [tilespmem:s6+$0x92A0];
	_ =	sdelay $0x1  }
0x1eb: {  	v10 =	vmul.f32 $1.442695020e+00, v10;
	_ =	sdelay $0x1  }
0x1ec: {  	v13 =	vld [tilespmem:s6+$0x92B0];
	v11 =	vmul.f32 $1.442695020e+00, v11;
	(erf) = vpow2.f32 v10  }
0x1ed: {  	v12 =	vmul.f32 $1.442695020e+00, v12;
	v10 =	vld [tilespmem:s6+$0x92C0]  }
0x1ee: {  	(erf) = vpow2.f32 v11;
	v11 =	vld [tilespmem:s6+$0x92D0]  }
0x1ef: {  	(erf) = vpow2.f32 v12;
	v12 =	vld [tilespmem:s6+$0x92E0];
	_ =	sdelay $0x1  }
0x1f0: {  	v13 =	vmul.f32 $1.442695020e+00, v13  }
0x1f1: {  	v10 =	vmul.f32 $1.442695020e+00, v10  }
0x1f2: {  	(erf) = vpow2.f32 v13;
	v13 =	vld [tilespmem:s6+$0x92F0];
	v11 =	vmul.f32 $1.442695020e+00, v11  }
0x1f3: {  	(erf) = vpow2.f32 v10;
	v12 =	vmul.f32 $1.442695020e+00, v12  }
0x1f4: {  	v10 =	vimm.f32 $0.0e+00;
	(erf) = vpow2.f32 v11;
	v14 =	vpop (erf)  }
0x1f5: {  	(erf) = vpow2.f32 v12;
	v12 =	vld [tilespmem:s6+$0x9380];
	v10 =	vadd.f32 v14, v10  }
0x1f6: {  	v11 =	vpop (erf)  }
0x1f7: {  	v14 =	vld [tilespmem:s6+$0x9390];
	v10 =	vadd.f32 v11, v10;
	v11 =	vmul.f32 $1.442695020e+00, v13;
	_ =	sdelay $0x1  }
0x1f8: {  	v13 =	vpop (erf);
	(erf) = vpow2.f32 v11;
	v11 =	vld [tilespmem:s6+$0x93A0]  }
0x1f9: {  	v15 =	vld [tilespmem:s6+$0x93B0];
	v10 =	vadd.f32 v13, v10;
	v12 =	vmul.f32 $1.442695020e+00, v12  }
0x1fa: {  	v13 =	vpop (erf)  }
0x1fb: {  	v14 =	vmul.f32 $1.442695020e+00, v14;
	v10 =	vadd.f32 v13, v10;
	v16 =	vpop (erf);
	(erf) = vpow2.f32 v12  }
0x1fc: {  	v13 =	vld [tilespmem:s6+$0x93C0]  }
0x1fd: {  	(erf) = vpow2.f32 v14;
	v10 =	vadd.f32 v16, v10;
	v11 =	vmul.f32 $1.442695020e+00, v11  }
0x1fe: {  	v63 =	vld [tilespmem:s6+$0x93D0];
	v12 =	vmul.f32 $1.442695020e+00, v15;
	v17 =	vpop (erf)  }
0x1ff: {  	v14 =	vpop (erf);
	v10 =	vadd.f32 v17, v10;
	(erf) = vpow2.f32 v11  }
0x200: {  	v11 =	vld [tilespmem:s6+$0x93E0]  }
0x201: {  	v15 =	vmul.f32 $1.442695020e+00, v13;
	v14 =	vadd.f32 v14, v10;
	(erf) = vpow2.f32 v12  }
0x202: {  	v10 =	vld [tilespmem:s6+$0x93F0];
	v12 =	vpop (erf)  }
0x203: {  	s22 =	simm.s32 $0x1000;
	s28 =	simm.s32 $0x200;
	(erf) = vpow2.f32 v15;
	v13 =	vadd.f32 v12, v14;
	v12 =	vmul.f32 $1.442695020e+00, v63  }
.LBB2_9:
0x204: {  	p0 =	sne.s32 s22, $0xF800;
	v14 =	vld [tilespmem:s28+$0x9280];
	v15 =	vpop (erf)  }
0x205: {  	v13 =	vadd.f32 v15, v13;
	v11 =	vmul.f32 $1.442695020e+00, v11;
	(erf) = vpow2.f32 v12  }
0x206: {  	v12 =	vld [tilespmem:s28+$0x9290];
	v15 =	vpop (erf)  }
0x207: {  	v13 =	vadd.f32 v15, v13;
	v10 =	vmul.f32 $1.442695020e+00, v10;
	(erf) = vpow2.f32 v11  }
0x208: {  	v11 =	vld [tilespmem:s28+$0x92A0];
	v15 =	vpop (erf)  }
0x209: {  	v14 =	vmul.f32 $1.442695020e+00, v14;
	v13 =	vadd.f32 v15, v13;
	(erf) = vpow2.f32 v10  }
0x20a: {  	v10 =	vld [tilespmem:s28+$0x92B0];
	v15 =	vpop (erf)  }
0x20b: {  	v12 =	vmul.f32 $1.442695020e+00, v12;
	(erf) = vpow2.f32 v14;
	v13 =	vadd.f32 v15, v13  }
0x20c: {  	v14 =	vld [tilespmem:s28+$0x92C0];
	v15 =	vpop (erf)  }
0x20d: {  	v11 =	vmul.f32 $1.442695020e+00, v11;
	(erf) = vpow2.f32 v12;
	v12 =	vadd.f32 v15, v13  }
0x20e: {  	v13 =	vld [tilespmem:s28+$0x92D0];
	v15 =	vpop (erf)  }
0x20f: {  	v10 =	vmul.f32 $1.442695020e+00, v10;
	(erf) = vpow2.f32 v11;
	v11 =	vadd.f32 v15, v12  }
0x210: {  	v12 =	vld [tilespmem:s28+$0x92E0];
	v15 =	vpop (erf)  }
0x211: {  	v14 =	vmul.f32 $1.442695020e+00, v14;
	(erf) = vpow2.f32 v10;
	v10 =	vadd.f32 v15, v11  }
0x212: {  	v11 =	vld [tilespmem:s28+$0x92F0];
	v15 =	vpop (erf)  }
0x213: {  	v13 =	vmul.f32 $1.442695020e+00, v13;
	(erf) = vpow2.f32 v14;
	v10 =	vadd.f32 v15, v10  }
0x214: {  	v14 =	vld [tilespmem:s28+$0x9380];
	v15 =	vpop (erf)  }
0x215: {  	v10 =	vadd.f32 v15, v10;
	v12 =	vmul.f32 $1.442695020e+00, v12;
	(erf) = vpow2.f32 v13  }
0x216: {  	v13 =	vld [tilespmem:s28+$0x9390];
	v15 =	vpop (erf)  }
0x217: {  	v10 =	vadd.f32 v15, v10;
	v11 =	vmul.f32 $1.442695020e+00, v11;
	(erf) = vpow2.f32 v12  }
0x218: {  	v12 =	vld [tilespmem:s28+$0x93A0];
	v15 =	vpop (erf)  }
0x219: {  	v10 =	vadd.f32 v15, v10;
	v14 =	vmul.f32 $1.442695020e+00, v14;
	(erf) = vpow2.f32 v11  }
0x21a: {  	v11 =	vld [tilespmem:s28+$0x93B0];
	v15 =	vpop (erf)  }
0x21b: {  	v10 =	vadd.f32 v15, v10;
	v16 =	vmul.f32 $1.442695020e+00, v13;
	(erf) = vpow2.f32 v14  }
0x21c: {  	v14 =	vld [tilespmem:s28+$0x93C0];
	v15 =	vpop (erf)  }
0x21d: {  	v10 =	vadd.f32 v15, v10;
	v17 =	vmul.f32 $1.442695020e+00, v12;
	(erf) = vpow2.f32 v16  }
0x21e: {  	v15 =	vld [tilespmem:s28+$0x93D0];
	v13 =	vpop (erf)  }
.Ltmp3:
0x21f: {  	v10 =	vadd.f32 v13, v10;
	v16 =	vmul.f32 $1.442695020e+00, v11;
	(erf) = vpow2.f32 v17;
	(pc) =	sbr.rel @p0 .LBB2_9-.Ltmp3, $4  }
0x220: {  	v11 =	vld [tilespmem:s28+$0x93E0];
	v12 =	vpop (erf)  }
0x221: {  	v12 =	vadd.f32 v12, v10;
	v14 =	vmul.f32 $1.442695020e+00, v14;
	(erf) = vpow2.f32 v16  }
0x222: {  	v10 =	vld [tilespmem:s28+$0x93F0];
	v13 =	vpop (erf)  }
0x223: {  	s28 =	sshra.s32 s22, $0x2;
	s22 =	sadd.s32 $0x800, s22;
	v13 =	vadd.f32 v13, v12;
	v12 =	vmul.f32 $1.442695020e+00, v15;
	(erf) = vpow2.f32 v14  }
0x224: {  	v14 =	vld [tilespmem:s28+$0x9280];
	v15 =	vpop (erf)  }
0x225: {  	v13 =	vadd.f32 v15, v13;
	v11 =	vmul.f32 $1.442695020e+00, v11;
	(erf) = vpow2.f32 v12  }
0x226: {  	v12 =	vld [tilespmem:s28+$0x9290];
	v15 =	vpop (erf)  }
0x227: {  	v13 =	vadd.f32 v15, v13;
	v10 =	vmul.f32 $1.442695020e+00, v10;
	(erf) = vpow2.f32 v11  }
0x228: {  	v11 =	vld [tilespmem:s28+$0x92A0];
	v15 =	vpop (erf)  }
0x229: {  	v14 =	vmul.f32 $1.442695020e+00, v14;
	v13 =	vadd.f32 v15, v13;
	(erf) = vpow2.f32 v10  }
0x22a: {  	v10 =	vld [tilespmem:s28+$0x92B0];
	v15 =	vpop (erf)  }
0x22b: {  	v12 =	vmul.f32 $1.442695020e+00, v12;
	(erf) = vpow2.f32 v14;
	v13 =	vadd.f32 v15, v13  }
0x22c: {  	v14 =	vld [tilespmem:s28+$0x92C0];
	v15 =	vpop (erf)  }
0x22d: {  	v11 =	vmul.f32 $1.442695020e+00, v11;
	(erf) = vpow2.f32 v12;
	v12 =	vadd.f32 v15, v13  }
0x22e: {  	v13 =	vld [tilespmem:s28+$0x92D0];
	v15 =	vpop (erf)  }
0x22f: {  	v10 =	vmul.f32 $1.442695020e+00, v10;
	(erf) = vpow2.f32 v11;
	v11 =	vadd.f32 v15, v12  }
0x230: {  	v12 =	vld [tilespmem:s28+$0x92E0];
	v15 =	vpop (erf)  }
0x231: {  	v14 =	vmul.f32 $1.442695020e+00, v14;
	(erf) = vpow2.f32 v10;
	v10 =	vadd.f32 v15, v11  }
0x232: {  	v11 =	vld [tilespmem:s28+$0x92F0];
	v15 =	vpop (erf)  }
0x233: {  	v13 =	vmul.f32 $1.442695020e+00, v13;
	(erf) = vpow2.f32 v14;
	v10 =	vadd.f32 v15, v10  }
0x234: {  	v14 =	vld [tilespmem:s28+$0x9380];
	v15 =	vpop (erf)  }
0x235: {  	v12 =	vmul.f32 $1.442695020e+00, v12;
	(erf) = vpow2.f32 v13;
	v10 =	vadd.f32 v15, v10  }
0x236: {  	v13 =	vld [tilespmem:s28+$0x9390];
	v15 =	vpop (erf)  }
0x237: {  	v11 =	vmul.f32 $1.442695020e+00, v11;
	(erf) = vpow2.f32 v12;
	v10 =	vadd.f32 v15, v10  }
0x238: {  	v12 =	vld [tilespmem:s28+$0x93A0];
	v15 =	vpop (erf)  }
0x239: {  	v14 =	vmul.f32 $1.442695020e+00, v14;
	(erf) = vpow2.f32 v11;
	v10 =	vadd.f32 v15, v10  }
0x23a: {  	v11 =	vld [tilespmem:s28+$0x93B0];
	v15 =	vpop (erf)  }
0x23b: {  	v13 =	vmul.f32 $1.442695020e+00, v13;
	(erf) = vpow2.f32 v14;
	v14 =	vld [tilespmem:s28+$0x93C0];
	v10 =	vadd.f32 v15, v10  }
0x23c: {  	v15 =	vpop (erf)  }
0x23d: {  	v12 =	vmul.f32 $1.442695020e+00, v12;
	(erf) = vpow2.f32 v13;
	v13 =	vld [tilespmem:s28+$0x93D0];
	v10 =	vadd.f32 v15, v10  }
0x23e: {  	v15 =	vpop (erf)  }
0x23f: {  	v11 =	vmul.f32 $1.442695020e+00, v11;
	(erf) = vpow2.f32 v12;
	v12 =	vld [tilespmem:s28+$0x93E0];
	v10 =	vadd.f32 v15, v10  }
0x240: {  	v14 =	vmul.f32 $1.442695020e+00, v14;
	v15 =	vpop (erf)  }
0x241: {  	(erf) = vpow2.f32 v11;
	v11 =	vld [tilespmem:s28+$0x93F0];
	v10 =	vadd.f32 v15, v10  }
0x242: {  	v13 =	vmul.f32 $1.442695020e+00, v13;
	v15 =	vpop (erf)  }
0x243: {  	(erf) = vpow2.f32 v14;
	v10 =	vadd.f32 v15, v10  }
0x244: {  	v14 =	vpop (erf);
	v12 =	vmul.f32 $1.442695020e+00, v12  }
0x245: {  	(erf) = vpow2.f32 v13;
	v10 =	vadd.f32 v14, v10  }
0x246: {  	v13 =	vpop (erf);
	v11 =	vmul.f32 $1.442695020e+00, v11  }
0x247: {  	(erf) = vpow2.f32 v12;
	v10 =	vadd.f32 v13, v10  }
0x248: {  	v12 =	vpop (erf)  }
0x249: {  	(erf) = vpow2.f32 v11;
	v10 =	vadd.f32 v12, v10  }
0x24a: {  	v11 =	vpop (erf)  }
0x24b: {  	v10 =	vadd.f32 v11, v10  }
0x24c: {  	v11 =	vpop (erf)  }
0x24d: {  	v10 =	vadd.f32 v11, v10  }
0x24e: {  	v11 =	vpop (erf)  }
0x24f: {  	s0 =	sor.u32 $0x10, s0;
	v10 =	vadd.f32 v11, v10  }
0x250: {  	v12 =	vor.u32 s0, v0;
	v11 =	vpop (erf)  }
0x251: {  	v10 =	vadd.f32 v11, v10  }
0x252: {  	v11 =	vpop (erf)  }
0x253: {  	v10 =	vadd.f32 v11, v10  }
0x254: {  	s6 =	sshll.u32 s2, $0x1  }
0x255: {  	s22 =	sadd.s32 s5, s6;
	[tilespmem:v12+s19+$0x0] =	vst.idx.msk $0xffff, v10  }
0x256: {  	s0 =	sshll.u32 s22, $0xA;
	_ =	swait.ge [sflag:s7], $0x4000  }
0x257: {  	s0 =	sand.u32 $0x1FFFE000, s0;
	[sflag:s7] =	ssyncset.done $0x0  }
0x258: {  	p0 =	seq.s32 s4, $0x1F;
	s0 =	sadd.s32 s0, s16;
	[sflag:s7] =	ssyncadd.s32 $0xFFFFC000  }
0x259: {  	[hbm4b:s0+s30] =	stream.strided.scatter [tilespmem:s31], [sflag:$0x7], $0x4000, s23, s30, $0x38;
	[tilespmem:$0x15200] =	vst v63  }
0x25a: {  	s0 =	simm.s32 @!p0 $0x5  }
0x25b: {  	_ =	swait.ge @!p0 [sflag:s0], $0x4000  }
0x25c: {  	s22 =	sshll.u32 @!p0 s4, $0x9;
	[sflag:s0] =	ssyncset.done @!p0 $0x0  }
0x25d: {  	[sflag:s0] =	ssyncadd.s32 @!p0 $0xFFFFC000;
	s0 =	sand.u32 @!p0 $0x3FFFFE00, s22  }
0x25e: {  	v10 =	vld.msk @!p0 [tilespmem:s0+$0x200], $0x3;
	_ =	sdelay $0x4  }
0x25f: {  	v11 =	vshll.u32 @!p0 v10, $0x6  }
0x260: {  	v12 =	vlaneseq.u32 @!p0;
	v10 =	vand.u32 @!p0 $0x7, v10;
	v11 =	vand.u32 @!p0 $0xFFFFFE00, v11  }
0x261: {  	v10 =	vor.u32 @!p0 v10, v11;
	v11 =	vand.u32 @!p0 $0x1, v12;
	v12 =	vshrl.u32 @!p0 v12, $0x1  }
0x262: {  	v10 =	vperm.xlane @!p0 v10, v11;
	v11 =	vmul.u32 @!p0 $0x8, v12;
	_ =	sdelay $0x1  }
0x263: {  	v10 =	vadd.s32 @!p0 v11, v10;
	_ =	sdelay $0x3  }
0x264: {  	vm2 =	vmmov @!p0 $0xffff;
	s28 =	simm.s32 @!p0 $0x5200;
	s22 =	simm.s32 @!p0 $0x0  }
0x265: {  	[tilespmem:s28], [sflag:$0x1] =	stream.indirect_vreg.gather @!p0 [hbm4b:s1+s22], $0x80, v10, vm2, $0xb8;
	[tilespmem:$0x15200] =	vst v63  }
0x266: {  	s28 =	simm.s32 @!p0 $0x5A00  }
0x267: {  	[tilespmem:s28], [sflag:$0x1] =	stream.indirect_vreg.gather @!p0 [hbm4b:s8+s22], $0x80, v10, vm2, $0xb8;
	[tilespmem:$0x15200] =	vst v63  }
0x268: {  	s28 =	simm.s32 @!p0 $0x6200  }
0x269: {  	[tilespmem:s28], [sflag:$0x1] =	stream.indirect_vreg.gather @!p0 [hbm4b:s9+s22], $0x80, v10, vm2, $0xb8;
	[tilespmem:$0x15200] =	vst v63  }
0x26a: {  	s28 =	simm.s32 @!p0 $0x6A00  }
0x26b: {  	[tilespmem:s28], [sflag:$0x1] =	stream.indirect_vreg.gather @!p0 [hbm4b:s10+s22], $0x80, v10, vm2, $0xb8;
	[tilespmem:$0x15200] =	vst v63  }
0x26c: {  	s28 =	simm.s32 @!p0 $0x7200  }
0x26d: {  	[tilespmem:s28], [sflag:$0x1] =	stream.indirect_vreg.gather @!p0 [hbm4b:s11+s22], $0x80, v10, vm2, $0xb8;
	[tilespmem:$0x15200] =	vst v63  }
0x26e: {  	s28 =	simm.s32 @!p0 $0x7A00  }
0x26f: {  	v11 =	vadd.s32 s6, v0;
	[tilespmem:s28], [sflag:$0x1] =	stream.indirect_vreg.gather @!p0 [hbm4b:s12+s22], $0x80, v10, vm2, $0xb8;
	[tilespmem:$0x15200] =	vst v63  }
0x270: {  	s6 =	simm.s32 @!p0 $0x8200  }
0x271: {  	[tilespmem:s6], [sflag:$0x1] =	stream.indirect_vreg.gather @!p0 [hbm4b:s13+s22], $0x80, v10, vm2, $0xb8;
	[tilespmem:$0x15200] =	vst v63  }
0x272: {  	s6 =	simm.s32 @!p0 $0x8A00  }
0x273: {  	[tilespmem:s6], [sflag:$0x1] =	stream.indirect_vreg.gather @!p0 [hbm4b:s14+s22], $0x80, v10, vm2, $0xb8;
	[tilespmem:$0x15200] =	vst v63  }
0x274: {  	v10 =	vld.idx.msk [tilespmem:v11+s24+$0x0], $0xffff;
	_ =	sdelay $0x4  }
0x275: {  	v10 =	vnsel vm1, $0x0, v10  }
0x276: {  	v11 =	vshll.u32 v10, $0x1  }
0x277: {  	v10 =	vand.u32 $0x7F, v10;
	v11 =	vand.u32 $0xFFFFFF00, v11  }
0x278: {  	v10 =	vor.u32 v11, v10  }
0x279: {  	v10 =	vor.u32 v4, v10;
	_ =	sdelay $0x4  }
0x27a: {  	v10 =	vld.idx.msk [tilespmem:v10+s31+$0x0], $0xffff  }
0x27b: {  	v11 =	vld [tilespmem:$0x4180];
	_ =	sdelay $0x3  }
0x27c: {  	v10 =	vnsel vm1, $0x0, v10  }
0x27d: {  	v10 =	vadd.f32 v10, v11;
	_ =	sdelay $0x1  }
0x27e: {  	s22 =	simm.s32 $0x0;
	[tilespmem:$0x4180] =	vst v10  }
0x27f: {  	v10 =	vld [tilespmem:s22+$0xD200];
	_ =	sdelay $0x1  }
0x280: {  	v11 =	vld [tilespmem:s22+$0xD210]  }
0x281: {  	v12 =	vld [tilespmem:s22+$0xD220];
	_ =	sdelay $0x1  }
0x282: {  	v10 =	vmul.f32 $1.442695020e+00, v10;
	_ =	sdelay $0x1  }
0x283: {  	v13 =	vld [tilespmem:s22+$0xD230];
	v11 =	vmul.f32 $1.442695020e+00, v11;
	(erf) = vpow2.f32 v10  }
0x284: {  	v12 =	vmul.f32 $1.442695020e+00, v12;
	v10 =	vld [tilespmem:s22+$0xD240]  }
0x285: {  	(erf) = vpow2.f32 v11;
	v11 =	vld [tilespmem:s22+$0xD250]  }
0x286: {  	(erf) = vpow2.f32 v12;
	v12 =	vld [tilespmem:s22+$0xD260];
	_ =	sdelay $0x1  }
0x287: {  	v13 =	vmul.f32 $1.442695020e+00, v13  }
0x288: {  	v10 =	vmul.f32 $1.442695020e+00, v10  }
0x289: {  	(erf) = vpow2.f32 v13;
	v13 =	vld [tilespmem:s22+$0xD270];
	v11 =	vmul.f32 $1.442695020e+00, v11  }
0x28a: {  	(erf) = vpow2.f32 v10;
	v12 =	vmul.f32 $1.442695020e+00, v12  }
0x28b: {  	v10 =	vimm.f32 $0.0e+00;
	(erf) = vpow2.f32 v11;
	v14 =	vpop (erf)  }
0x28c: {  	(erf) = vpow2.f32 v12;
	v12 =	vld [tilespmem:s22+$0xD300];
	v10 =	vadd.f32 v14, v10  }
0x28d: {  	v11 =	vpop (erf)  }
0x28e: {  	v14 =	vld [tilespmem:s22+$0xD310];
	v10 =	vadd.f32 v11, v10;
	v11 =	vmul.f32 $1.442695020e+00, v13;
	_ =	sdelay $0x1  }
0x28f: {  	v13 =	vpop (erf);
	(erf) = vpow2.f32 v11;
	v11 =	vld [tilespmem:s22+$0xD320]  }
0x290: {  	v15 =	vld [tilespmem:s22+$0xD330];
	v10 =	vadd.f32 v13, v10;
	v12 =	vmul.f32 $1.442695020e+00, v12  }
0x291: {  	v13 =	vpop (erf)  }
0x292: {  	v14 =	vmul.f32 $1.442695020e+00, v14;
	v10 =	vadd.f32 v13, v10;
	v16 =	vpop (erf);
	(erf) = vpow2.f32 v12  }
0x293: {  	v13 =	vld [tilespmem:s22+$0xD340]  }
0x294: {  	(erf) = vpow2.f32 v14;
	v10 =	vadd.f32 v16, v10;
	v11 =	vmul.f32 $1.442695020e+00, v11  }
0x295: {  	v63 =	vld [tilespmem:s22+$0xD350];
	v12 =	vmul.f32 $1.442695020e+00, v15;
	v17 =	vpop (erf)  }
0x296: {  	v14 =	vpop (erf);
	v10 =	vadd.f32 v17, v10;
	(erf) = vpow2.f32 v11  }
0x297: {  	v11 =	vld [tilespmem:s22+$0xD360]  }
0x298: {  	v15 =	vmul.f32 $1.442695020e+00, v13;
	v14 =	vadd.f32 v14, v10;
	(erf) = vpow2.f32 v12  }
0x299: {  	v10 =	vld [tilespmem:s22+$0xD370];
	v12 =	vpop (erf)  }
0x29a: {  	s28 =	simm.s32 $0x200;
	s22 =	simm.s32 $0x1000;
	(erf) = vpow2.f32 v15;
	v13 =	vadd.f32 v12, v14;
	v12 =	vmul.f32 $1.442695020e+00, v63  }
.LBB2_11:
0x29b: {  	p1 =	sne.s32 s22, $0xF800;
	v14 =	vld [tilespmem:s28+$0xD200];
	v15 =	vpop (erf)  }
0x29c: {  	v13 =	vadd.f32 v15, v13;
	v11 =	vmul.f32 $1.442695020e+00, v11;
	(erf) = vpow2.f32 v12  }
0x29d: {  	v12 =	vld [tilespmem:s28+$0xD210];
	v15 =	vpop (erf)  }
0x29e: {  	v13 =	vadd.f32 v15, v13;
	v10 =	vmul.f32 $1.442695020e+00, v10;
	(erf) = vpow2.f32 v11  }
0x29f: {  	v11 =	vld [tilespmem:s28+$0xD220];
	v15 =	vpop (erf)  }
0x2a0: {  	v14 =	vmul.f32 $1.442695020e+00, v14;
	v13 =	vadd.f32 v15, v13;
	(erf) = vpow2.f32 v10  }
0x2a1: {  	v10 =	vld [tilespmem:s28+$0xD230];
	v15 =	vpop (erf)  }
0x2a2: {  	v12 =	vmul.f32 $1.442695020e+00, v12;
	(erf) = vpow2.f32 v14;
	v13 =	vadd.f32 v15, v13  }
0x2a3: {  	v14 =	vld [tilespmem:s28+$0xD240];
	v15 =	vpop (erf)  }
0x2a4: {  	v11 =	vmul.f32 $1.442695020e+00, v11;
	(erf) = vpow2.f32 v12;
	v12 =	vadd.f32 v15, v13  }
0x2a5: {  	v13 =	vld [tilespmem:s28+$0xD250];
	v15 =	vpop (erf)  }
0x2a6: {  	v10 =	vmul.f32 $1.442695020e+00, v10;
	(erf) = vpow2.f32 v11;
	v11 =	vadd.f32 v15, v12  }
0x2a7: {  	v12 =	vld [tilespmem:s28+$0xD260];
	v15 =	vpop (erf)  }
0x2a8: {  	v14 =	vmul.f32 $1.442695020e+00, v14;
	(erf) = vpow2.f32 v10;
	v10 =	vadd.f32 v15, v11  }
0x2a9: {  	v11 =	vld [tilespmem:s28+$0xD270];
	v15 =	vpop (erf)  }
0x2aa: {  	v13 =	vmul.f32 $1.442695020e+00, v13;
	(erf) = vpow2.f32 v14;
	v10 =	vadd.f32 v15, v10  }
0x2ab: {  	v14 =	vld [tilespmem:s28+$0xD300];
	v15 =	vpop (erf)  }
0x2ac: {  	v10 =	vadd.f32 v15, v10;
	v12 =	vmul.f32 $1.442695020e+00, v12;
	(erf) = vpow2.f32 v13  }
0x2ad: {  	v13 =	vld [tilespmem:s28+$0xD310];
	v15 =	vpop (erf)  }
0x2ae: {  	v10 =	vadd.f32 v15, v10;
	v11 =	vmul.f32 $1.442695020e+00, v11;
	(erf) = vpow2.f32 v12  }
0x2af: {  	v12 =	vld [tilespmem:s28+$0xD320];
	v15 =	vpop (erf)  }
0x2b0: {  	v10 =	vadd.f32 v15, v10;
	v14 =	vmul.f32 $1.442695020e+00, v14;
	(erf) = vpow2.f32 v11  }
0x2b1: {  	v11 =	vld [tilespmem:s28+$0xD330];
	v15 =	vpop (erf)  }
0x2b2: {  	v10 =	vadd.f32 v15, v10;
	v16 =	vmul.f32 $1.442695020e+00, v13;
	(erf) = vpow2.f32 v14  }
0x2b3: {  	v14 =	vld [tilespmem:s28+$0xD340];
	v15 =	vpop (erf)  }
0x2b4: {  	v10 =	vadd.f32 v15, v10;
	v17 =	vmul.f32 $1.442695020e+00, v12;
	(erf) = vpow2.f32 v16  }
0x2b5: {  	v15 =	vld [tilespmem:s28+$0xD350];
	v13 =	vpop (erf)  }
.Ltmp4:
0x2b6: {  	v10 =	vadd.f32 v13, v10;
	v16 =	vmul.f32 $1.442695020e+00, v11;
	(erf) = vpow2.f32 v17;
	(pc) =	sbr.rel @p1 .LBB2_11-.Ltmp4, $4  }
0x2b7: {  	v11 =	vld [tilespmem:s28+$0xD360];
	v12 =	vpop (erf)  }
0x2b8: {  	v12 =	vadd.f32 v12, v10;
	v14 =	vmul.f32 $1.442695020e+00, v14;
	(erf) = vpow2.f32 v16  }
0x2b9: {  	v10 =	vld [tilespmem:s28+$0xD370];
	v13 =	vpop (erf)  }
0x2ba: {  	s28 =	sshra.s32 s22, $0x2;
	s22 =	sadd.s32 $0x800, s22;
	v13 =	vadd.f32 v13, v12;
	v12 =	vmul.f32 $1.442695020e+00, v15;
	(erf) = vpow2.f32 v14  }
0x2bb: {  	v14 =	vld [tilespmem:s28+$0xD200];
	v15 =	vpop (erf)  }
0x2bc: {  	v13 =	vadd.f32 v15, v13;
	v11 =	vmul.f32 $1.442695020e+00, v11;
	(erf) = vpow2.f32 v12  }
0x2bd: {  	v12 =	vld [tilespmem:s28+$0xD210];
	v15 =	vpop (erf)  }
0x2be: {  	v13 =	vadd.f32 v15, v13;
	v10 =	vmul.f32 $1.442695020e+00, v10;
	(erf) = vpow2.f32 v11  }
0x2bf: {  	v11 =	vld [tilespmem:s28+$0xD220];
	v15 =	vpop (erf)  }
0x2c0: {  	v14 =	vmul.f32 $1.442695020e+00, v14;
	v13 =	vadd.f32 v15, v13;
	(erf) = vpow2.f32 v10  }
0x2c1: {  	v10 =	vld [tilespmem:s28+$0xD230];
	v15 =	vpop (erf)  }
0x2c2: {  	v12 =	vmul.f32 $1.442695020e+00, v12;
	(erf) = vpow2.f32 v14;
	v13 =	vadd.f32 v15, v13  }
0x2c3: {  	v14 =	vld [tilespmem:s28+$0xD240];
	v15 =	vpop (erf)  }
0x2c4: {  	v11 =	vmul.f32 $1.442695020e+00, v11;
	(erf) = vpow2.f32 v12;
	v12 =	vadd.f32 v15, v13  }
0x2c5: {  	v13 =	vld [tilespmem:s28+$0xD250];
	v15 =	vpop (erf)  }
0x2c6: {  	v10 =	vmul.f32 $1.442695020e+00, v10;
	(erf) = vpow2.f32 v11;
	v11 =	vadd.f32 v15, v12  }
0x2c7: {  	v12 =	vld [tilespmem:s28+$0xD260];
	v15 =	vpop (erf)  }
0x2c8: {  	v14 =	vmul.f32 $1.442695020e+00, v14;
	(erf) = vpow2.f32 v10;
	v10 =	vadd.f32 v15, v11  }
0x2c9: {  	v11 =	vld [tilespmem:s28+$0xD270];
	v15 =	vpop (erf)  }
0x2ca: {  	v13 =	vmul.f32 $1.442695020e+00, v13;
	(erf) = vpow2.f32 v14;
	v10 =	vadd.f32 v15, v10  }
0x2cb: {  	v14 =	vld [tilespmem:s28+$0xD300];
	v15 =	vpop (erf)  }
0x2cc: {  	v12 =	vmul.f32 $1.442695020e+00, v12;
	(erf) = vpow2.f32 v13;
	v10 =	vadd.f32 v15, v10  }
0x2cd: {  	v13 =	vld [tilespmem:s28+$0xD310];
	v15 =	vpop (erf)  }
0x2ce: {  	v11 =	vmul.f32 $1.442695020e+00, v11;
	(erf) = vpow2.f32 v12;
	v10 =	vadd.f32 v15, v10  }
0x2cf: {  	v12 =	vld [tilespmem:s28+$0xD320];
	v15 =	vpop (erf)  }
0x2d0: {  	v14 =	vmul.f32 $1.442695020e+00, v14;
	(erf) = vpow2.f32 v11;
	v10 =	vadd.f32 v15, v10  }
0x2d1: {  	v11 =	vld [tilespmem:s28+$0xD330];
	v15 =	vpop (erf)  }
0x2d2: {  	v13 =	vmul.f32 $1.442695020e+00, v13;
	(erf) = vpow2.f32 v14;
	v14 =	vld [tilespmem:s28+$0xD340];
	v10 =	vadd.f32 v15, v10  }
0x2d3: {  	v15 =	vpop (erf)  }
0x2d4: {  	v12 =	vmul.f32 $1.442695020e+00, v12;
	(erf) = vpow2.f32 v13;
	v13 =	vld [tilespmem:s28+$0xD350];
	v10 =	vadd.f32 v15, v10  }
0x2d5: {  	v15 =	vpop (erf)  }
0x2d6: {  	v11 =	vmul.f32 $1.442695020e+00, v11;
	(erf) = vpow2.f32 v12;
	v12 =	vld [tilespmem:s28+$0xD360];
	v10 =	vadd.f32 v15, v10  }
0x2d7: {  	v14 =	vmul.f32 $1.442695020e+00, v14;
	v15 =	vpop (erf)  }
0x2d8: {  	(erf) = vpow2.f32 v11;
	v11 =	vld [tilespmem:s28+$0xD370];
	v10 =	vadd.f32 v15, v10  }
0x2d9: {  	v13 =	vmul.f32 $1.442695020e+00, v13;
	v15 =	vpop (erf)  }
0x2da: {  	(erf) = vpow2.f32 v14;
	v10 =	vadd.f32 v15, v10  }
0x2db: {  	v14 =	vpop (erf);
	v12 =	vmul.f32 $1.442695020e+00, v12  }
0x2dc: {  	(erf) = vpow2.f32 v13;
	v10 =	vadd.f32 v14, v10  }
0x2dd: {  	v13 =	vpop (erf);
	v11 =	vmul.f32 $1.442695020e+00, v11  }
0x2de: {  	(erf) = vpow2.f32 v12;
	v10 =	vadd.f32 v13, v10  }
0x2df: {  	v12 =	vpop (erf)  }
0x2e0: {  	(erf) = vpow2.f32 v11;
	v10 =	vadd.f32 v12, v10  }
0x2e1: {  	s2 =	sshll.u32 s2, $0x5;
	v11 =	vpop (erf)  }
0x2e2: {  	v10 =	vadd.f32 v11, v10;
	v11 =	vmov s2  }
0x2e3: {  	v12 =	vpop (erf);
	v11 =	vshrl.u32 v11, $0x7  }
0x2e4: {  	v10 =	vadd.f32 v12, v10;
	v11 =	vshll.u32 v11, $0x7  }
0x2e5: {  	v12 =	vpop (erf);
	v11 =	vbroadcast v11, $0x0  }
0x2e6: {  	v10 =	vadd.f32 v12, v10  }
0x2e7: {  	v12 =	vpop (erf);
	v11 =	vor.u32 v7, v11  }
0x2e8: {  	v10 =	vadd.f32 v12, v10  }
0x2e9: {  	v12 =	vpop (erf)  }
0x2ea: {  	v10 =	vadd.f32 v12, v10;
	_ =	sdelay $0x1  }
0x2eb: {  	s6 =	simm.s32 $0x0;
	[tilespmem:v11+s19+$0x0] =	vst.idx.msk $0xffff, v10  }
0x2ec: {  	v10 =	vld [tilespmem:s6+$0xD280];
	_ =	sdelay $0x1  }
0x2ed: {  	v11 =	vld [tilespmem:s6+$0xD290]  }
0x2ee: {  	v12 =	vld [tilespmem:s6+$0xD2A0];
	_ =	sdelay $0x1  }
0x2ef: {  	v10 =	vmul.f32 $1.442695020e+00, v10;
	_ =	sdelay $0x1  }
0x2f0: {  	v13 =	vld [tilespmem:s6+$0xD2B0];
	v11 =	vmul.f32 $1.442695020e+00, v11;
	(erf) = vpow2.f32 v10  }
0x2f1: {  	v12 =	vmul.f32 $1.442695020e+00, v12;
	v10 =	vld [tilespmem:s6+$0xD2C0]  }
0x2f2: {  	(erf) = vpow2.f32 v11;
	v11 =	vld [tilespmem:s6+$0xD2D0]  }
0x2f3: {  	(erf) = vpow2.f32 v12;
	v12 =	vld [tilespmem:s6+$0xD2E0];
	_ =	sdelay $0x1  }
0x2f4: {  	v13 =	vmul.f32 $1.442695020e+00, v13  }
0x2f5: {  	v10 =	vmul.f32 $1.442695020e+00, v10  }
0x2f6: {  	(erf) = vpow2.f32 v13;
	v13 =	vld [tilespmem:s6+$0xD2F0];
	v11 =	vmul.f32 $1.442695020e+00, v11  }
0x2f7: {  	(erf) = vpow2.f32 v10;
	v12 =	vmul.f32 $1.442695020e+00, v12  }
0x2f8: {  	v10 =	vimm.f32 $0.0e+00;
	(erf) = vpow2.f32 v11;
	v14 =	vpop (erf)  }
0x2f9: {  	(erf) = vpow2.f32 v12;
	v12 =	vld [tilespmem:s6+$0xD380];
	v10 =	vadd.f32 v14, v10  }
0x2fa: {  	v11 =	vpop (erf)  }
0x2fb: {  	v14 =	vld [tilespmem:s6+$0xD390];
	v10 =	vadd.f32 v11, v10;
	v11 =	vmul.f32 $1.442695020e+00, v13;
	_ =	sdelay $0x1  }
0x2fc: {  	v13 =	vpop (erf);
	(erf) = vpow2.f32 v11;
	v11 =	vld [tilespmem:s6+$0xD3A0]  }
0x2fd: {  	v15 =	vld [tilespmem:s6+$0xD3B0];
	v10 =	vadd.f32 v13, v10;
	v12 =	vmul.f32 $1.442695020e+00, v12  }
0x2fe: {  	v13 =	vpop (erf)  }
0x2ff: {  	v14 =	vmul.f32 $1.442695020e+00, v14;
	v10 =	vadd.f32 v13, v10;
	v16 =	vpop (erf);
	(erf) = vpow2.f32 v12  }
0x300: {  	v13 =	vld [tilespmem:s6+$0xD3C0]  }
0x301: {  	(erf) = vpow2.f32 v14;
	v10 =	vadd.f32 v16, v10;
	v11 =	vmul.f32 $1.442695020e+00, v11  }
0x302: {  	v63 =	vld [tilespmem:s6+$0xD3D0];
	v12 =	vmul.f32 $1.442695020e+00, v15;
	v17 =	vpop (erf)  }
0x303: {  	v14 =	vpop (erf);
	v10 =	vadd.f32 v17, v10;
	(erf) = vpow2.f32 v11  }
0x304: {  	v11 =	vld [tilespmem:s6+$0xD3E0]  }
0x305: {  	v15 =	vmul.f32 $1.442695020e+00, v13;
	v14 =	vadd.f32 v14, v10;
	(erf) = vpow2.f32 v12  }
0x306: {  	v10 =	vld [tilespmem:s6+$0xD3F0];
	v12 =	vpop (erf)  }
0x307: {  	s22 =	simm.s32 $0x1000;
	s28 =	simm.s32 $0x200;
	(erf) = vpow2.f32 v15;
	v13 =	vadd.f32 v12, v14;
	v12 =	vmul.f32 $1.442695020e+00, v63  }
.LBB2_13:
0x308: {  	p1 =	sne.s32 s22, $0xF800;
	v14 =	vld [tilespmem:s28+$0xD280];
	v15 =	vpop (erf)  }
0x309: {  	v13 =	vadd.f32 v15, v13;
	v11 =	vmul.f32 $1.442695020e+00, v11;
	(erf) = vpow2.f32 v12  }
0x30a: {  	v12 =	vld [tilespmem:s28+$0xD290];
	v15 =	vpop (erf)  }
0x30b: {  	v13 =	vadd.f32 v15, v13;
	v10 =	vmul.f32 $1.442695020e+00, v10;
	(erf) = vpow2.f32 v11  }
0x30c: {  	v11 =	vld [tilespmem:s28+$0xD2A0];
	v15 =	vpop (erf)  }
0x30d: {  	v14 =	vmul.f32 $1.442695020e+00, v14;
	v13 =	vadd.f32 v15, v13;
	(erf) = vpow2.f32 v10  }
0x30e: {  	v10 =	vld [tilespmem:s28+$0xD2B0];
	v15 =	vpop (erf)  }
0x30f: {  	v12 =	vmul.f32 $1.442695020e+00, v12;
	(erf) = vpow2.f32 v14;
	v13 =	vadd.f32 v15, v13  }
0x310: {  	v14 =	vld [tilespmem:s28+$0xD2C0];
	v15 =	vpop (erf)  }
0x311: {  	v11 =	vmul.f32 $1.442695020e+00, v11;
	(erf) = vpow2.f32 v12;
	v12 =	vadd.f32 v15, v13  }
0x312: {  	v13 =	vld [tilespmem:s28+$0xD2D0];
	v15 =	vpop (erf)  }
0x313: {  	v10 =	vmul.f32 $1.442695020e+00, v10;
	(erf) = vpow2.f32 v11;
	v11 =	vadd.f32 v15, v12  }
0x314: {  	v12 =	vld [tilespmem:s28+$0xD2E0];
	v15 =	vpop (erf)  }
0x315: {  	v14 =	vmul.f32 $1.442695020e+00, v14;
	(erf) = vpow2.f32 v10;
	v10 =	vadd.f32 v15, v11  }
0x316: {  	v11 =	vld [tilespmem:s28+$0xD2F0];
	v15 =	vpop (erf)  }
0x317: {  	v13 =	vmul.f32 $1.442695020e+00, v13;
	(erf) = vpow2.f32 v14;
	v10 =	vadd.f32 v15, v10  }
0x318: {  	v14 =	vld [tilespmem:s28+$0xD380];
	v15 =	vpop (erf)  }
0x319: {  	v10 =	vadd.f32 v15, v10;
	v12 =	vmul.f32 $1.442695020e+00, v12;
	(erf) = vpow2.f32 v13  }
0x31a: {  	v13 =	vld [tilespmem:s28+$0xD390];
	v15 =	vpop (erf)  }
0x31b: {  	v10 =	vadd.f32 v15, v10;
	v11 =	vmul.f32 $1.442695020e+00, v11;
	(erf) = vpow2.f32 v12  }
0x31c: {  	v12 =	vld [tilespmem:s28+$0xD3A0];
	v15 =	vpop (erf)  }
0x31d: {  	v10 =	vadd.f32 v15, v10;
	v14 =	vmul.f32 $1.442695020e+00, v14;
	(erf) = vpow2.f32 v11  }
0x31e: {  	v11 =	vld [tilespmem:s28+$0xD3B0];
	v15 =	vpop (erf)  }
0x31f: {  	v10 =	vadd.f32 v15, v10;
	v16 =	vmul.f32 $1.442695020e+00, v13;
	(erf) = vpow2.f32 v14  }
0x320: {  	v14 =	vld [tilespmem:s28+$0xD3C0];
	v15 =	vpop (erf)  }
0x321: {  	v10 =	vadd.f32 v15, v10;
	v17 =	vmul.f32 $1.442695020e+00, v12;
	(erf) = vpow2.f32 v16  }
0x322: {  	v15 =	vld [tilespmem:s28+$0xD3D0];
	v13 =	vpop (erf)  }
.Ltmp5:
0x323: {  	v10 =	vadd.f32 v13, v10;
	v16 =	vmul.f32 $1.442695020e+00, v11;
	(erf) = vpow2.f32 v17;
	(pc) =	sbr.rel @p1 .LBB2_13-.Ltmp5, $4  }
0x324: {  	v11 =	vld [tilespmem:s28+$0xD3E0];
	v12 =	vpop (erf)  }
0x325: {  	v12 =	vadd.f32 v12, v10;
	v14 =	vmul.f32 $1.442695020e+00, v14;
	(erf) = vpow2.f32 v16  }
0x326: {  	v10 =	vld [tilespmem:s28+$0xD3F0];
	v13 =	vpop (erf)  }
0x327: {  	s28 =	sshra.s32 s22, $0x2;
	s22 =	sadd.s32 $0x800, s22;
	v13 =	vadd.f32 v13, v12;
	v12 =	vmul.f32 $1.442695020e+00, v15;
	(erf) = vpow2.f32 v14  }
0x328: {  	v14 =	vld [tilespmem:s28+$0xD280];
	v15 =	vpop (erf)  }
0x329: {  	v13 =	vadd.f32 v15, v13;
	v11 =	vmul.f32 $1.442695020e+00, v11;
	(erf) = vpow2.f32 v12  }
0x32a: {  	v12 =	vld [tilespmem:s28+$0xD290];
	v15 =	vpop (erf)  }
0x32b: {  	v13 =	vadd.f32 v15, v13;
	v10 =	vmul.f32 $1.442695020e+00, v10;
	(erf) = vpow2.f32 v11  }
0x32c: {  	v11 =	vld [tilespmem:s28+$0xD2A0];
	v15 =	vpop (erf)  }
0x32d: {  	v14 =	vmul.f32 $1.442695020e+00, v14;
	v13 =	vadd.f32 v15, v13;
	(erf) = vpow2.f32 v10  }
0x32e: {  	v10 =	vld [tilespmem:s28+$0xD2B0];
	v15 =	vpop (erf)  }
0x32f: {  	v12 =	vmul.f32 $1.442695020e+00, v12;
	(erf) = vpow2.f32 v14;
	v13 =	vadd.f32 v15, v13  }
0x330: {  	v14 =	vld [tilespmem:s28+$0xD2C0];
	v15 =	vpop (erf)  }
0x331: {  	v11 =	vmul.f32 $1.442695020e+00, v11;
	(erf) = vpow2.f32 v12;
	v12 =	vadd.f32 v15, v13  }
0x332: {  	v13 =	vld [tilespmem:s28+$0xD2D0];
	v15 =	vpop (erf)  }
0x333: {  	v10 =	vmul.f32 $1.442695020e+00, v10;
	(erf) = vpow2.f32 v11;
	v11 =	vadd.f32 v15, v12  }
0x334: {  	v12 =	vld [tilespmem:s28+$0xD2E0];
	v15 =	vpop (erf)  }
0x335: {  	v14 =	vmul.f32 $1.442695020e+00, v14;
	(erf) = vpow2.f32 v10;
	v10 =	vadd.f32 v15, v11  }
0x336: {  	v11 =	vld [tilespmem:s28+$0xD2F0];
	v15 =	vpop (erf)  }
0x337: {  	v13 =	vmul.f32 $1.442695020e+00, v13;
	(erf) = vpow2.f32 v14;
	v10 =	vadd.f32 v15, v10  }
0x338: {  	v14 =	vld [tilespmem:s28+$0xD380];
	v15 =	vpop (erf)  }
0x339: {  	v12 =	vmul.f32 $1.442695020e+00, v12;
	(erf) = vpow2.f32 v13;
	v10 =	vadd.f32 v15, v10  }
0x33a: {  	v13 =	vld [tilespmem:s28+$0xD390];
	v15 =	vpop (erf)  }
0x33b: {  	v11 =	vmul.f32 $1.442695020e+00, v11;
	(erf) = vpow2.f32 v12;
	v10 =	vadd.f32 v15, v10  }
0x33c: {  	v12 =	vld [tilespmem:s28+$0xD3A0];
	v15 =	vpop (erf)  }
0x33d: {  	v14 =	vmul.f32 $1.442695020e+00, v14;
	(erf) = vpow2.f32 v11;
	v10 =	vadd.f32 v15, v10  }
0x33e: {  	v11 =	vld [tilespmem:s28+$0xD3B0];
	v15 =	vpop (erf)  }
0x33f: {  	v13 =	vmul.f32 $1.442695020e+00, v13;
	(erf) = vpow2.f32 v14;
	v14 =	vld [tilespmem:s28+$0xD3C0];
	v10 =	vadd.f32 v15, v10  }
0x340: {  	v15 =	vpop (erf)  }
0x341: {  	v12 =	vmul.f32 $1.442695020e+00, v12;
	(erf) = vpow2.f32 v13;
	v13 =	vld [tilespmem:s28+$0xD3D0];
	v10 =	vadd.f32 v15, v10  }
0x342: {  	v15 =	vpop (erf)  }
0x343: {  	v11 =	vmul.f32 $1.442695020e+00, v11;
	(erf) = vpow2.f32 v12;
	v12 =	vld [tilespmem:s28+$0xD3E0];
	v10 =	vadd.f32 v15, v10  }
0x344: {  	v14 =	vmul.f32 $1.442695020e+00, v14;
	v15 =	vpop (erf)  }
0x345: {  	(erf) = vpow2.f32 v11;
	v11 =	vld [tilespmem:s28+$0xD3F0];
	v10 =	vadd.f32 v15, v10  }
0x346: {  	v13 =	vmul.f32 $1.442695020e+00, v13;
	v15 =	vpop (erf)  }
0x347: {  	(erf) = vpow2.f32 v14;
	v10 =	vadd.f32 v15, v10  }
0x348: {  	v14 =	vpop (erf);
	v12 =	vmul.f32 $1.442695020e+00, v12  }
0x349: {  	(erf) = vpow2.f32 v13;
	v10 =	vadd.f32 v14, v10  }
0x34a: {  	v13 =	vpop (erf);
	v11 =	vmul.f32 $1.442695020e+00, v11  }
0x34b: {  	(erf) = vpow2.f32 v12;
	v10 =	vadd.f32 v13, v10  }
0x34c: {  	v12 =	vpop (erf)  }
0x34d: {  	(erf) = vpow2.f32 v11;
	v10 =	vadd.f32 v12, v10  }
0x34e: {  	v11 =	vpop (erf)  }
0x34f: {  	v10 =	vadd.f32 v11, v10  }
0x350: {  	v11 =	vpop (erf)  }
0x351: {  	v10 =	vadd.f32 v11, v10  }
0x352: {  	v11 =	vpop (erf)  }
0x353: {  	s2 =	sor.u32 $0x10, s2;
	v10 =	vadd.f32 v11, v10  }
0x354: {  	v12 =	vor.u32 s2, v0;
	v11 =	vpop (erf)  }
0x355: {  	v10 =	vadd.f32 v11, v10  }
0x356: {  	v11 =	vpop (erf)  }
0x357: {  	v10 =	vadd.f32 v11, v10  }
0x358: {  	s22 =	sshll.u32 s3, $0x1  }
0x359: {  	s6 =	sadd.s32 s5, s22;
	[tilespmem:v12+s19+$0x0] =	vst.idx.msk $0xffff, v10  }
0x35a: {  	s6 =	sshll.u32 s6, $0xA;
	_ =	swait.ge [sflag:s18], $0x4000  }
0x35b: {  	s6 =	sand.u32 $0x1FFFE000, s6;
	[sflag:s18] =	ssyncset.done $0x0  }
0x35c: {  	s6 =	sadd.s32 s6, s17;
	[sflag:s18] =	ssyncadd.s32 $0xFFFFC000  }
0x35d: {  	[hbm4b:s6+s30] =	stream.strided.scatter [tilespmem:s21], [sflag:$0x8], $0x4000, s23, s30, $0x38;
	[tilespmem:$0x15200] =	vst v63  }
0x35e: {  	s6 =	simm.s32 @!p0 $0x6  }
0x35f: {  	_ =	swait.ge @!p0 [sflag:s6], $0x4000  }
0x360: {  	[sflag:s6] =	ssyncset.done @!p0 $0x0  }
0x361: {  	[sflag:s6] =	ssyncadd.s32 @!p0 $0xFFFFC000  }
0x362: {  	v10 =	vld.msk @!p0 [tilespmem:s0+$0x280], $0x3;
	_ =	sdelay $0x4  }
0x363: {  	v11 =	vshll.u32 @!p0 v10, $0x6  }
0x364: {  	v12 =	vlaneseq.u32 @!p0;
	v10 =	vand.u32 @!p0 $0x7, v10;
	v11 =	vand.u32 @!p0 $0xFFFFFE00, v11  }
0x365: {  	v10 =	vor.u32 @!p0 v10, v11;
	v11 =	vand.u32 @!p0 $0x1, v12;
	v12 =	vshrl.u32 @!p0 v12, $0x1  }
0x366: {  	v10 =	vperm.xlane @!p0 v10, v11;
	v11 =	vmul.u32 @!p0 $0x8, v12;
	_ =	sdelay $0x1  }
0x367: {  	v10 =	vadd.s32 @!p0 v11, v10;
	_ =	sdelay $0x3  }
0x368: {  	s6 =	simm.s32 @!p0 $0x9200;
	s0 =	simm.s32 @!p0 $0x0  }
0x369: {  	[tilespmem:s6], [sflag:$0x2] =	stream.indirect_vreg.gather @!p0 [hbm4b:s1+s0], $0x80, v10, vm2, $0xb8;
	[tilespmem:$0x15200] =	vst v63  }
0x36a: {  	s6 =	simm.s32 @!p0 $0x9A00  }
0x36b: {  	[tilespmem:s6], [sflag:$0x2] =	stream.indirect_vreg.gather @!p0 [hbm4b:s8+s0], $0x80, v10, vm2, $0xb8;
	[tilespmem:$0x15200] =	vst v63  }
0x36c: {  	s6 =	simm.s32 @!p0 $0xA200  }
0x36d: {  	[tilespmem:s6], [sflag:$0x2] =	stream.indirect_vreg.gather @!p0 [hbm4b:s9+s0], $0x80, v10, vm2, $0xb8;
	[tilespmem:$0x15200] =	vst v63  }
0x36e: {  	s6 =	simm.s32 @!p0 $0xAA00  }
0x36f: {  	[tilespmem:s6], [sflag:$0x2] =	stream.indirect_vreg.gather @!p0 [hbm4b:s10+s0], $0x80, v10, vm2, $0xb8;
	[tilespmem:$0x15200] =	vst v63  }
0x370: {  	s6 =	simm.s32 @!p0 $0xB200  }
0x371: {  	[tilespmem:s6], [sflag:$0x2] =	stream.indirect_vreg.gather @!p0 [hbm4b:s11+s0], $0x80, v10, vm2, $0xb8;
	[tilespmem:$0x15200] =	vst v63  }
0x372: {  	s6 =	simm.s32 @!p0 $0xBA00  }
0x373: {  	v11 =	vadd.s32 s22, v0;
	[tilespmem:s6], [sflag:$0x2] =	stream.indirect_vreg.gather @!p0 [hbm4b:s12+s0], $0x80, v10, vm2, $0xb8;
	[tilespmem:$0x15200] =	vst v63  }
0x374: {  	s2 =	simm.s32 @!p0 $0xC200  }
0x375: {  	[tilespmem:s2], [sflag:$0x2] =	stream.indirect_vreg.gather @!p0 [hbm4b:s13+s0], $0x80, v10, vm2, $0xb8;
	[tilespmem:$0x15200] =	vst v63  }
0x376: {  	s2 =	simm.s32 @!p0 $0xCA00  }
0x377: {  	[tilespmem:s2], [sflag:$0x2] =	stream.indirect_vreg.gather @!p0 [hbm4b:s14+s0], $0x80, v10, vm2, $0xb8;
	[tilespmem:$0x15200] =	vst v63  }
0x378: {  	v10 =	vld.idx.msk [tilespmem:v11+s24+$0x0], $0xffff;
	_ =	sdelay $0x4  }
0x379: {  	v10 =	vnsel vm1, $0x0, v10  }
0x37a: {  	v11 =	vshll.u32 v10, $0x1  }
0x37b: {  	v10 =	vand.u32 $0x7F, v10;
	v11 =	vand.u32 $0xFFFFFF00, v11  }
0x37c: {  	v10 =	vor.u32 v11, v10  }
0x37d: {  	v10 =	vor.u32 v4, v10;
	_ =	sdelay $0x4  }
0x37e: {  	v10 =	vld.idx.msk [tilespmem:v10+s21+$0x0], $0xffff  }
0x37f: {  	v11 =	vld [tilespmem:$0x4180];
	_ =	sdelay $0x3  }
0x380: {  	v10 =	vnsel vm1, $0x0, v10  }
0x381: {  	v10 =	vadd.f32 v10, v11;
	_ =	sdelay $0x1  }
0x382: {  	s28 =	simm.s32 $0x0;
	[tilespmem:$0x4180] =	vst v10  }
0x383: {  	v10 =	vld [tilespmem:s28+$0x11200];
	_ =	sdelay $0x1  }
0x384: {  	v11 =	vld [tilespmem:s28+$0x11210]  }
0x385: {  	v12 =	vld [tilespmem:s28+$0x11220];
	_ =	sdelay $0x1  }
0x386: {  	v10 =	vmul.f32 $1.442695020e+00, v10;
	_ =	sdelay $0x1  }
0x387: {  	v13 =	vld [tilespmem:s28+$0x11230];
	v11 =	vmul.f32 $1.442695020e+00, v11;
	(erf) = vpow2.f32 v10  }
0x388: {  	v12 =	vmul.f32 $1.442695020e+00, v12;
	v10 =	vld [tilespmem:s28+$0x11240]  }
0x389: {  	(erf) = vpow2.f32 v11;
	v11 =	vld [tilespmem:s28+$0x11250]  }
0x38a: {  	(erf) = vpow2.f32 v12;
	v12 =	vld [tilespmem:s28+$0x11260];
	_ =	sdelay $0x1  }
0x38b: {  	v13 =	vmul.f32 $1.442695020e+00, v13  }
0x38c: {  	v10 =	vmul.f32 $1.442695020e+00, v10  }
0x38d: {  	(erf) = vpow2.f32 v13;
	v13 =	vld [tilespmem:s28+$0x11270];
	v11 =	vmul.f32 $1.442695020e+00, v11  }
0x38e: {  	(erf) = vpow2.f32 v10;
	v12 =	vmul.f32 $1.442695020e+00, v12  }
0x38f: {  	v10 =	vimm.f32 $0.0e+00;
	(erf) = vpow2.f32 v11;
	v14 =	vpop (erf)  }
0x390: {  	(erf) = vpow2.f32 v12;
	v12 =	vld [tilespmem:s28+$0x11300];
	v10 =	vadd.f32 v14, v10  }
0x391: {  	v11 =	vpop (erf)  }
0x392: {  	v14 =	vld [tilespmem:s28+$0x11310];
	v10 =	vadd.f32 v11, v10;
	v11 =	vmul.f32 $1.442695020e+00, v13;
	_ =	sdelay $0x1  }
0x393: {  	v13 =	vpop (erf);
	(erf) = vpow2.f32 v11;
	v11 =	vld [tilespmem:s28+$0x11320]  }
0x394: {  	v15 =	vld [tilespmem:s28+$0x11330];
	v10 =	vadd.f32 v13, v10;
	v12 =	vmul.f32 $1.442695020e+00, v12  }
0x395: {  	v13 =	vpop (erf)  }
0x396: {  	v14 =	vmul.f32 $1.442695020e+00, v14;
	v10 =	vadd.f32 v13, v10;
	v16 =	vpop (erf);
	(erf) = vpow2.f32 v12  }
0x397: {  	v13 =	vld [tilespmem:s28+$0x11340]  }
0x398: {  	(erf) = vpow2.f32 v14;
	v10 =	vadd.f32 v16, v10;
	v11 =	vmul.f32 $1.442695020e+00, v11  }
0x399: {  	v63 =	vld [tilespmem:s28+$0x11350];
	v12 =	vmul.f32 $1.442695020e+00, v15;
	v17 =	vpop (erf)  }
0x39a: {  	v14 =	vpop (erf);
	v10 =	vadd.f32 v17, v10;
	(erf) = vpow2.f32 v11  }
0x39b: {  	v11 =	vld [tilespmem:s28+$0x11360]  }
0x39c: {  	v15 =	vmul.f32 $1.442695020e+00, v13;
	v14 =	vadd.f32 v14, v10;
	(erf) = vpow2.f32 v12  }
0x39d: {  	v10 =	vld [tilespmem:s28+$0x11370];
	v12 =	vpop (erf)  }
0x39e: {  	s0 =	simm.s32 $0x200;
	s2 =	simm.s32 $0x1000;
	(erf) = vpow2.f32 v15;
	v13 =	vadd.f32 v12, v14;
	v12 =	vmul.f32 $1.442695020e+00, v63  }
.LBB2_15:
0x39f: {  	p0 =	sne.s32 s2, $0xF800;
	v14 =	vld [tilespmem:s0+$0x11200];
	v15 =	vpop (erf)  }
0x3a0: {  	v13 =	vadd.f32 v15, v13;
	v11 =	vmul.f32 $1.442695020e+00, v11;
	(erf) = vpow2.f32 v12  }
0x3a1: {  	v12 =	vld [tilespmem:s0+$0x11210];
	v15 =	vpop (erf)  }
0x3a2: {  	v13 =	vadd.f32 v15, v13;
	v10 =	vmul.f32 $1.442695020e+00, v10;
	(erf) = vpow2.f32 v11  }
0x3a3: {  	v11 =	vld [tilespmem:s0+$0x11220];
	v15 =	vpop (erf)  }
0x3a4: {  	v14 =	vmul.f32 $1.442695020e+00, v14;
	v13 =	vadd.f32 v15, v13;
	(erf) = vpow2.f32 v10  }
0x3a5: {  	v10 =	vld [tilespmem:s0+$0x11230];
	v15 =	vpop (erf)  }
0x3a6: {  	v12 =	vmul.f32 $1.442695020e+00, v12;
	(erf) = vpow2.f32 v14;
	v13 =	vadd.f32 v15, v13  }
0x3a7: {  	v14 =	vld [tilespmem:s0+$0x11240];
	v15 =	vpop (erf)  }
0x3a8: {  	v11 =	vmul.f32 $1.442695020e+00, v11;
	(erf) = vpow2.f32 v12;
	v12 =	vadd.f32 v15, v13  }
0x3a9: {  	v13 =	vld [tilespmem:s0+$0x11250];
	v15 =	vpop (erf)  }
0x3aa: {  	v10 =	vmul.f32 $1.442695020e+00, v10;
	(erf) = vpow2.f32 v11;
	v11 =	vadd.f32 v15, v12  }
0x3ab: {  	v12 =	vld [tilespmem:s0+$0x11260];
	v15 =	vpop (erf)  }
0x3ac: {  	v14 =	vmul.f32 $1.442695020e+00, v14;
	(erf) = vpow2.f32 v10;
	v10 =	vadd.f32 v15, v11  }
0x3ad: {  	v11 =	vld [tilespmem:s0+$0x11270];
	v15 =	vpop (erf)  }
0x3ae: {  	v13 =	vmul.f32 $1.442695020e+00, v13;
	(erf) = vpow2.f32 v14;
	v10 =	vadd.f32 v15, v10  }
0x3af: {  	v14 =	vld [tilespmem:s0+$0x11300];
	v15 =	vpop (erf)  }
0x3b0: {  	v10 =	vadd.f32 v15, v10;
	v12 =	vmul.f32 $1.442695020e+00, v12;
	(erf) = vpow2.f32 v13  }
0x3b1: {  	v13 =	vld [tilespmem:s0+$0x11310];
	v15 =	vpop (erf)  }
0x3b2: {  	v10 =	vadd.f32 v15, v10;
	v11 =	vmul.f32 $1.442695020e+00, v11;
	(erf) = vpow2.f32 v12  }
0x3b3: {  	v12 =	vld [tilespmem:s0+$0x11320];
	v15 =	vpop (erf)  }
0x3b4: {  	v10 =	vadd.f32 v15, v10;
	v14 =	vmul.f32 $1.442695020e+00, v14;
	(erf) = vpow2.f32 v11  }
0x3b5: {  	v11 =	vld [tilespmem:s0+$0x11330];
	v15 =	vpop (erf)  }
0x3b6: {  	v10 =	vadd.f32 v15, v10;
	v16 =	vmul.f32 $1.442695020e+00, v13;
	(erf) = vpow2.f32 v14  }
0x3b7: {  	v14 =	vld [tilespmem:s0+$0x11340];
	v15 =	vpop (erf)  }
0x3b8: {  	v10 =	vadd.f32 v15, v10;
	v17 =	vmul.f32 $1.442695020e+00, v12;
	(erf) = vpow2.f32 v16  }
0x3b9: {  	v15 =	vld [tilespmem:s0+$0x11350];
	v13 =	vpop (erf)  }
.Ltmp6:
0x3ba: {  	v10 =	vadd.f32 v13, v10;
	v16 =	vmul.f32 $1.442695020e+00, v11;
	(erf) = vpow2.f32 v17;
	(pc) =	sbr.rel @p0 .LBB2_15-.Ltmp6, $4  }
0x3bb: {  	v11 =	vld [tilespmem:s0+$0x11360];
	v12 =	vpop (erf)  }
0x3bc: {  	v12 =	vadd.f32 v12, v10;
	v14 =	vmul.f32 $1.442695020e+00, v14;
	(erf) = vpow2.f32 v16  }
0x3bd: {  	v10 =	vld [tilespmem:s0+$0x11370];
	v13 =	vpop (erf)  }
0x3be: {  	s0 =	sshra.s32 s2, $0x2;
	s2 =	sadd.s32 $0x800, s2;
	v13 =	vadd.f32 v13, v12;
	v12 =	vmul.f32 $1.442695020e+00, v15;
	(erf) = vpow2.f32 v14  }
0x3bf: {  	v14 =	vld [tilespmem:s0+$0x11200];
	v15 =	vpop (erf)  }
0x3c0: {  	v13 =	vadd.f32 v15, v13;
	v11 =	vmul.f32 $1.442695020e+00, v11;
	(erf) = vpow2.f32 v12  }
0x3c1: {  	v12 =	vld [tilespmem:s0+$0x11210];
	v15 =	vpop (erf)  }
0x3c2: {  	v13 =	vadd.f32 v15, v13;
	v10 =	vmul.f32 $1.442695020e+00, v10;
	(erf) = vpow2.f32 v11  }
0x3c3: {  	v11 =	vld [tilespmem:s0+$0x11220];
	v15 =	vpop (erf)  }
0x3c4: {  	v14 =	vmul.f32 $1.442695020e+00, v14;
	v13 =	vadd.f32 v15, v13;
	(erf) = vpow2.f32 v10  }
0x3c5: {  	v10 =	vld [tilespmem:s0+$0x11230];
	v15 =	vpop (erf)  }
0x3c6: {  	v12 =	vmul.f32 $1.442695020e+00, v12;
	(erf) = vpow2.f32 v14;
	v13 =	vadd.f32 v15, v13  }
0x3c7: {  	v14 =	vld [tilespmem:s0+$0x11240];
	v15 =	vpop (erf)  }
0x3c8: {  	v11 =	vmul.f32 $1.442695020e+00, v11;
	(erf) = vpow2.f32 v12;
	v12 =	vadd.f32 v15, v13  }
0x3c9: {  	v13 =	vld [tilespmem:s0+$0x11250];
	v15 =	vpop (erf)  }
0x3ca: {  	v10 =	vmul.f32 $1.442695020e+00, v10;
	(erf) = vpow2.f32 v11;
	v11 =	vadd.f32 v15, v12  }
0x3cb: {  	v12 =	vld [tilespmem:s0+$0x11260];
	v15 =	vpop (erf)  }
0x3cc: {  	v14 =	vmul.f32 $1.442695020e+00, v14;
	(erf) = vpow2.f32 v10;
	v10 =	vadd.f32 v15, v11  }
0x3cd: {  	v11 =	vld [tilespmem:s0+$0x11270];
	v15 =	vpop (erf)  }
0x3ce: {  	v13 =	vmul.f32 $1.442695020e+00, v13;
	(erf) = vpow2.f32 v14;
	v10 =	vadd.f32 v15, v10  }
0x3cf: {  	v14 =	vld [tilespmem:s0+$0x11300];
	v15 =	vpop (erf)  }
0x3d0: {  	v12 =	vmul.f32 $1.442695020e+00, v12;
	(erf) = vpow2.f32 v13;
	v10 =	vadd.f32 v15, v10  }
0x3d1: {  	v13 =	vld [tilespmem:s0+$0x11310];
	v15 =	vpop (erf)  }
0x3d2: {  	v11 =	vmul.f32 $1.442695020e+00, v11;
	(erf) = vpow2.f32 v12;
	v10 =	vadd.f32 v15, v10  }
0x3d3: {  	v12 =	vld [tilespmem:s0+$0x11320];
	v15 =	vpop (erf)  }
0x3d4: {  	v14 =	vmul.f32 $1.442695020e+00, v14;
	(erf) = vpow2.f32 v11;
	v10 =	vadd.f32 v15, v10  }
0x3d5: {  	v11 =	vld [tilespmem:s0+$0x11330];
	v15 =	vpop (erf)  }
0x3d6: {  	v13 =	vmul.f32 $1.442695020e+00, v13;
	(erf) = vpow2.f32 v14;
	v14 =	vld [tilespmem:s0+$0x11340];
	v10 =	vadd.f32 v15, v10  }
0x3d7: {  	v15 =	vpop (erf)  }
0x3d8: {  	v12 =	vmul.f32 $1.442695020e+00, v12;
	(erf) = vpow2.f32 v13;
	v13 =	vld [tilespmem:s0+$0x11350];
	v10 =	vadd.f32 v15, v10  }
0x3d9: {  	v15 =	vpop (erf)  }
0x3da: {  	v11 =	vmul.f32 $1.442695020e+00, v11;
	(erf) = vpow2.f32 v12;
	v12 =	vld [tilespmem:s0+$0x11360];
	v10 =	vadd.f32 v15, v10  }
0x3db: {  	v14 =	vmul.f32 $1.442695020e+00, v14;
	v15 =	vpop (erf)  }
0x3dc: {  	(erf) = vpow2.f32 v11;
	v11 =	vld [tilespmem:s0+$0x11370];
	v10 =	vadd.f32 v15, v10  }
0x3dd: {  	v13 =	vmul.f32 $1.442695020e+00, v13;
	v15 =	vpop (erf)  }
0x3de: {  	(erf) = vpow2.f32 v14;
	v10 =	vadd.f32 v15, v10  }
0x3df: {  	v14 =	vpop (erf);
	v12 =	vmul.f32 $1.442695020e+00, v12  }
0x3e0: {  	v10 =	vadd.f32 v14, v10  }
0x3e1: {  	(erf) = vpow2.f32 v13;
	v13 =	vpop (erf);
	v11 =	vmul.f32 $1.442695020e+00, v11  }
0x3e2: {  	v10 =	vadd.f32 v13, v10  }
0x3e3: {  	(erf) = vpow2.f32 v12;
	v12 =	vpop (erf)  }
0x3e4: {  	v10 =	vadd.f32 v12, v10  }
0x3e5: {  	s22 =	sshll.u32 s3, $0x5;
	(erf) = vpow2.f32 v11;
	v11 =	vpop (erf)  }
0x3e6: {  	v10 =	vadd.f32 v11, v10;
	v11 =	vmov s22  }
0x3e7: {  	v12 =	vpop (erf);
	v11 =	vshrl.u32 v11, $0x7  }
0x3e8: {  	v12 =	vadd.f32 v12, v10  }
0x3e9: {  	v10 =	vshll.u32 v11, $0x7  }
0x3ea: {  	v10 =	vbroadcast v10, $0x0;
	v11 =	vpop (erf)  }
0x3eb: {  	v11 =	vadd.f32 v11, v12  }
0x3ec: {  	v13 =	vor.u32 v8, v10;
	v12 =	vpop (erf)  }
0x3ed: {  	v11 =	vadd.f32 v12, v11  }
0x3ee: {  	v12 =	vpop (erf)  }
0x3ef: {  	v11 =	vadd.f32 v12, v11;
	_ =	sdelay $0x1  }
0x3f0: {  	s28 =	simm.s32 $0x0;
	[tilespmem:v13+s19+$0x0] =	vst.idx.msk $0xffff, v11  }
0x3f1: {  	v11 =	vld [tilespmem:s28+$0x11280];
	_ =	sdelay $0x1  }
0x3f2: {  	v12 =	vld [tilespmem:s28+$0x11290]  }
0x3f3: {  	v13 =	vld [tilespmem:s28+$0x112A0];
	_ =	sdelay $0x1  }
0x3f4: {  	v11 =	vmul.f32 $1.442695020e+00, v11;
	_ =	sdelay $0x1  }
0x3f5: {  	v14 =	vld [tilespmem:s28+$0x112B0];
	v12 =	vmul.f32 $1.442695020e+00, v12;
	(erf) = vpow2.f32 v11  }
0x3f6: {  	v13 =	vmul.f32 $1.442695020e+00, v13;
	v11 =	vld [tilespmem:s28+$0x112C0]  }
0x3f7: {  	(erf) = vpow2.f32 v12;
	v12 =	vld [tilespmem:s28+$0x112D0]  }
0x3f8: {  	(erf) = vpow2.f32 v13;
	v13 =	vld [tilespmem:s28+$0x112E0];
	_ =	sdelay $0x1  }
0x3f9: {  	v14 =	vmul.f32 $1.442695020e+00, v14  }
0x3fa: {  	v11 =	vmul.f32 $1.442695020e+00, v11  }
0x3fb: {  	(erf) = vpow2.f32 v14;
	v14 =	vld [tilespmem:s28+$0x112F0];
	v12 =	vmul.f32 $1.442695020e+00, v12  }
0x3fc: {  	(erf) = vpow2.f32 v11;
	v13 =	vmul.f32 $1.442695020e+00, v13  }
0x3fd: {  	v11 =	vimm.f32 $0.0e+00;
	(erf) = vpow2.f32 v12;
	v15 =	vpop (erf)  }
0x3fe: {  	(erf) = vpow2.f32 v13;
	v13 =	vld [tilespmem:s28+$0x11380];
	v11 =	vadd.f32 v15, v11  }
0x3ff: {  	v12 =	vpop (erf)  }
0x400: {  	v15 =	vld [tilespmem:s28+$0x11390];
	v11 =	vadd.f32 v12, v11;
	v12 =	vmul.f32 $1.442695020e+00, v14;
	_ =	sdelay $0x1  }
0x401: {  	v14 =	vpop (erf);
	(erf) = vpow2.f32 v12;
	v12 =	vld [tilespmem:s28+$0x113A0]  }
0x402: {  	v16 =	vld [tilespmem:s28+$0x113B0];
	v11 =	vadd.f32 v14, v11;
	v13 =	vmul.f32 $1.442695020e+00, v13  }
0x403: {  	v14 =	vpop (erf)  }
0x404: {  	v15 =	vmul.f32 $1.442695020e+00, v15;
	v11 =	vadd.f32 v14, v11;
	v17 =	vpop (erf);
	(erf) = vpow2.f32 v13  }
0x405: {  	v14 =	vld [tilespmem:s28+$0x113C0]  }
0x406: {  	(erf) = vpow2.f32 v15;
	v11 =	vadd.f32 v17, v11;
	v12 =	vmul.f32 $1.442695020e+00, v12  }
0x407: {  	v62 =	vld [tilespmem:s28+$0x113D0];
	v13 =	vmul.f32 $1.442695020e+00, v16;
	v18 =	vpop (erf)  }
0x408: {  	v15 =	vpop (erf);
	v11 =	vadd.f32 v18, v11;
	(erf) = vpow2.f32 v12  }
0x409: {  	v12 =	vld [tilespmem:s28+$0x113E0]  }
0x40a: {  	v63 =	vmul.f32 $1.442695020e+00, v14;
	v15 =	vadd.f32 v15, v11;
	(erf) = vpow2.f32 v13  }
0x40b: {  	v11 =	vld [tilespmem:s28+$0x113F0];
	v13 =	vpop (erf)  }
0x40c: {  	s2 =	simm.s32 $0x1000;
	s0 =	simm.s32 $0x200;
	(erf) = vpow2.f32 v63;
	v14 =	vadd.f32 v13, v15;
	v13 =	vmul.f32 $1.442695020e+00, v62  }
.LBB2_17:
0x40d: {  	p0 =	sne.s32 s2, $0xF800;
	v15 =	vld [tilespmem:s0+$0x11280];
	v16 =	vpop (erf)  }
0x40e: {  	v14 =	vadd.f32 v16, v14;
	v12 =	vmul.f32 $1.442695020e+00, v12;
	(erf) = vpow2.f32 v13  }
0x40f: {  	v13 =	vld [tilespmem:s0+$0x11290];
	v16 =	vpop (erf)  }
0x410: {  	v14 =	vadd.f32 v16, v14;
	v11 =	vmul.f32 $1.442695020e+00, v11;
	(erf) = vpow2.f32 v12  }
0x411: {  	v12 =	vld [tilespmem:s0+$0x112A0];
	v16 =	vpop (erf)  }
0x412: {  	v15 =	vmul.f32 $1.442695020e+00, v15;
	v14 =	vadd.f32 v16, v14;
	(erf) = vpow2.f32 v11  }
0x413: {  	v11 =	vld [tilespmem:s0+$0x112B0];
	v16 =	vpop (erf)  }
0x414: {  	v13 =	vmul.f32 $1.442695020e+00, v13;
	(erf) = vpow2.f32 v15;
	v14 =	vadd.f32 v16, v14  }
0x415: {  	v15 =	vld [tilespmem:s0+$0x112C0];
	v16 =	vpop (erf)  }
0x416: {  	v12 =	vmul.f32 $1.442695020e+00, v12;
	(erf) = vpow2.f32 v13;
	v13 =	vadd.f32 v16, v14  }
0x417: {  	v14 =	vld [tilespmem:s0+$0x112D0];
	v16 =	vpop (erf)  }
0x418: {  	v11 =	vmul.f32 $1.442695020e+00, v11;
	(erf) = vpow2.f32 v12;
	v12 =	vadd.f32 v16, v13  }
0x419: {  	v13 =	vld [tilespmem:s0+$0x112E0];
	v16 =	vpop (erf)  }
0x41a: {  	v15 =	vmul.f32 $1.442695020e+00, v15;
	(erf) = vpow2.f32 v11;
	v11 =	vadd.f32 v16, v12  }
0x41b: {  	v12 =	vld [tilespmem:s0+$0x112F0];
	v16 =	vpop (erf)  }
0x41c: {  	v14 =	vmul.f32 $1.442695020e+00, v14;
	(erf) = vpow2.f32 v15;
	v11 =	vadd.f32 v16, v11  }
0x41d: {  	v15 =	vld [tilespmem:s0+$0x11380];
	v16 =	vpop (erf)  }
0x41e: {  	v11 =	vadd.f32 v16, v11;
	v13 =	vmul.f32 $1.442695020e+00, v13;
	(erf) = vpow2.f32 v14  }
0x41f: {  	v14 =	vld [tilespmem:s0+$0x11390];
	v16 =	vpop (erf)  }
0x420: {  	v11 =	vadd.f32 v16, v11;
	v12 =	vmul.f32 $1.442695020e+00, v12;
	(erf) = vpow2.f32 v13  }
0x421: {  	v13 =	vld [tilespmem:s0+$0x113A0];
	v16 =	vpop (erf)  }
0x422: {  	v11 =	vadd.f32 v16, v11;
	v15 =	vmul.f32 $1.442695020e+00, v15;
	(erf) = vpow2.f32 v12  }
0x423: {  	v12 =	vld [tilespmem:s0+$0x113B0];
	v16 =	vpop (erf)  }
0x424: {  	v11 =	vadd.f32 v16, v11;
	v17 =	vmul.f32 $1.442695020e+00, v14;
	(erf) = vpow2.f32 v15  }
0x425: {  	v15 =	vld [tilespmem:s0+$0x113C0];
	v16 =	vpop (erf)  }
0x426: {  	v11 =	vadd.f32 v16, v11;
	v18 =	vmul.f32 $1.442695020e+00, v13;
	(erf) = vpow2.f32 v17  }
0x427: {  	v16 =	vld [tilespmem:s0+$0x113D0];
	v14 =	vpop (erf)  }
.Ltmp7:
0x428: {  	v11 =	vadd.f32 v14, v11;
	v17 =	vmul.f32 $1.442695020e+00, v12;
	(erf) = vpow2.f32 v18;
	(pc) =	sbr.rel @p0 .LBB2_17-.Ltmp7, $4  }
0x429: {  	v12 =	vld [tilespmem:s0+$0x113E0];
	v13 =	vpop (erf)  }
0x42a: {  	v13 =	vadd.f32 v13, v11;
	v15 =	vmul.f32 $1.442695020e+00, v15;
	(erf) = vpow2.f32 v17  }
0x42b: {  	v11 =	vld [tilespmem:s0+$0x113F0];
	v14 =	vpop (erf)  }
0x42c: {  	s0 =	sshra.s32 s2, $0x2;
	s2 =	sadd.s32 $0x800, s2;
	v14 =	vadd.f32 v14, v13;
	v13 =	vmul.f32 $1.442695020e+00, v16;
	(erf) = vpow2.f32 v15  }
0x42d: {  	v15 =	vld [tilespmem:s0+$0x11280];
	v16 =	vpop (erf)  }
0x42e: {  	v14 =	vadd.f32 v16, v14;
	v12 =	vmul.f32 $1.442695020e+00, v12;
	(erf) = vpow2.f32 v13  }
0x42f: {  	v25 =	vld [tilespmem:s0+$0x11290];
	v26 =	vpop (erf)  }
0x430: {  	v14 =	vadd.f32 v26, v14;
	v11 =	vmul.f32 $1.442695020e+00, v11;
	(erf) = vpow2.f32 v12  }
0x431: {  	v27 =	vld [tilespmem:s0+$0x112A0];
	v28 =	vpop (erf)  }
0x432: {  	v15 =	vmul.f32 $1.442695020e+00, v15;
	v14 =	vadd.f32 v28, v14;
	(erf) = vpow2.f32 v11  }
0x433: {  	v11 =	vld [tilespmem:s0+$0x112B0];
	v29 =	vpop (erf)  }
0x434: {  	v13 =	vmul.f32 $1.442695020e+00, v25;
	(erf) = vpow2.f32 v15;
	v14 =	vadd.f32 v29, v14  }
0x435: {  	v30 =	vld [tilespmem:s0+$0x112C0];
	v31 =	vpop (erf)  }
0x436: {  	v12 =	vmul.f32 $1.442695020e+00, v27;
	(erf) = vpow2.f32 v13;
	v32 =	vadd.f32 v31, v14  }
0x437: {  	v33 =	vld [tilespmem:s0+$0x112D0];
	v34 =	vpop (erf)  }
0x438: {  	v11 =	vmul.f32 $1.442695020e+00, v11;
	(erf) = vpow2.f32 v12;
	v35 =	vadd.f32 v34, v32  }
0x439: {  	v36 =	vld [tilespmem:s0+$0x112E0];
	v37 =	vpop (erf)  }
0x43a: {  	v15 =	vmul.f32 $1.442695020e+00, v30;
	(erf) = vpow2.f32 v11;
	v11 =	vadd.f32 v37, v35  }
0x43b: {  	v38 =	vld [tilespmem:s0+$0x112F0];
	v39 =	vpop (erf)  }
0x43c: {  	v14 =	vmul.f32 $1.442695020e+00, v33;
	(erf) = vpow2.f32 v15;
	v11 =	vadd.f32 v39, v11  }
0x43d: {  	v40 =	vld [tilespmem:s0+$0x11380];
	v41 =	vpop (erf)  }
0x43e: {  	v13 =	vmul.f32 $1.442695020e+00, v36;
	(erf) = vpow2.f32 v14;
	v11 =	vadd.f32 v41, v11  }
0x43f: {  	v42 =	vld [tilespmem:s0+$0x11390];
	v43 =	vpop (erf)  }
0x440: {  	v12 =	vmul.f32 $1.442695020e+00, v38;
	(erf) = vpow2.f32 v13;
	v11 =	vadd.f32 v43, v11  }
0x441: {  	v44 =	vld [tilespmem:s0+$0x113A0];
	v45 =	vpop (erf)  }
0x442: {  	v15 =	vmul.f32 $1.442695020e+00, v40;
	(erf) = vpow2.f32 v12;
	v11 =	vadd.f32 v45, v11  }
0x443: {  	v46 =	vld [tilespmem:s0+$0x113B0];
	v47 =	vpop (erf)  }
0x444: {  	v14 =	vmul.f32 $1.442695020e+00, v42;
	(erf) = vpow2.f32 v15;
	v11 =	vadd.f32 v47, v11  }
0x445: {  	v48 =	vld [tilespmem:s0+$0x113C0];
	v49 =	vpop (erf)  }
0x446: {  	v13 =	vmul.f32 $1.442695020e+00, v44;
	(erf) = vpow2.f32 v14;
	v11 =	vadd.f32 v49, v11  }
0x447: {  	v50 =	vld [tilespmem:s0+$0x113D0];
	v51 =	vpop (erf)  }
0x448: {  	v12 =	vmul.f32 $1.442695020e+00, v46;
	(erf) = vpow2.f32 v13;
	v11 =	vadd.f32 v51, v11  }
0x449: {  	v52 =	vld [tilespmem:s0+$0x113E0];
	v53 =	vpop (erf)  }
0x44a: {  	v15 =	vmul.f32 $1.442695020e+00, v48;
	(erf) = vpow2.f32 v12;
	v11 =	vadd.f32 v53, v11  }
0x44b: {  	v54 =	vld [tilespmem:s0+$0x113F0];
	v55 =	vpop (erf)  }
0x44c: {  	v14 =	vmul.f32 $1.442695020e+00, v50;
	(erf) = vpow2.f32 v15;
	v11 =	vadd.f32 v55, v11  }
0x44d: {  	v56 =	vpop (erf)  }
0x44e: {  	v13 =	vmul.f32 $1.442695020e+00, v52;
	(erf) = vpow2.f32 v14;
	v11 =	vadd.f32 v56, v11  }
0x44f: {  	v57 =	vpop (erf)  }
0x450: {  	v12 =	vmul.f32 $1.442695020e+00, v54;
	(erf) = vpow2.f32 v13;
	v11 =	vadd.f32 v57, v11  }
0x451: {  	v58 =	vpop (erf)  }
0x452: {  	(erf) = vpow2.f32 v12;
	v11 =	vadd.f32 v58, v11  }
0x453: {  	v59 =	vpop (erf)  }
0x454: {  	v11 =	vadd.f32 v59, v11  }
0x455: {  	v60 =	vpop (erf)  }
0x456: {  	v11 =	vadd.f32 v60, v11  }
0x457: {  	v61 =	vpop (erf)  }
0x458: {  	s4 =	sadd.s32 $0x1, s4;
	v11 =	vadd.f32 v61, v11  }
0x459: {  	v10 =	vor.u32 v9, v10;
	p0 =	sne.s32 s4, $0x20;
	v62 =	vpop (erf)  }
.Ltmp8:
0x45a: {  	v11 =	vadd.f32 v62, v11;
	(pc) =	sbr.rel @p0 .LBB2_2-.Ltmp8, $3  }
0x45b: {  	v63 =	vpop (erf)  }
0x45c: {  	v11 =	vadd.f32 v63, v11;
	_ =	sdelay $0x1  }
0x45d: {  	[tilespmem:v10+s19+$0x0] =	vst.idx.msk $0xffff, v11  }
0x45e: {  	s0 =	simm.s32 $0x5  }
0x45f: {  	_ =	swait.ge [sflag:s0], $0x4000  }
0x460: {  	[sflag:s0] =	ssyncset.done $0x0  }
0x461: {  	s3 =	simm.s32 $0x6;
	[sflag:s0] =	ssyncadd.s32 $0xFFFFC000  }
0x462: {  	_ =	swait.ge [sflag:s3], $0x4000  }
0x463: {  	[sflag:s3] =	ssyncset.done $0x0  }
0x464: {  	s4 =	simm.s32 $0x7;
	[sflag:s3] =	ssyncadd.s32 $0xFFFFC000  }
0x465: {  	_ =	swait.ge [sflag:s4], $0x4000  }
0x466: {  	[sflag:s4] =	ssyncset.done $0x0  }
0x467: {  	s6 =	simm.s32 $0x8;
	[sflag:s4] =	ssyncadd.s32 $0xFFFFC000  }
0x468: {  	_ =	swait.ge [sflag:s6], $0x4000  }
0x469: {  	s0 =	simm.s32 $0x0;
	[sflag:s6] =	ssyncset.done $0x0  }
0x46a: {  	s3 =	simm.s32 $0x4180;
	s2 =	rddreg [dreg:$0x6];
	[sflag:s6] =	ssyncadd.s32 $0xFFFFC000  }
0x46b: {  	[hbm4b:s2+s0] =	stream.linear.scatter [tilespmem:s3], [sflag:$0x9], $0x80, $0x38;
	[tilespmem:$0x15200] =	vst v63  }
0x46c: {  	s3 =	simm.s32 $0x9  }
0x46d: {  	_ =	swait.ge [sflag:s3], $0x80  }
0x46e: {  	[sflag:s3] =	ssyncset.done $0x0  }
0x46f: {  	s4 =	simm.s32 $0x80;
	s22 =	rddreg [dreg:$0x7];
	[sflag:s3] =	ssyncadd.s32 $0xFFFFFF80  }
0x470: {  	[hbm4b:s22+s4] =	stream.strided.scatter [tilespmem:s19], [sflag:$0x9], $0x1000, s23, s4, $0x38;
	[tilespmem:$0x15200] =	vst v63  }
0x471: {  	_ =	swait.ge [sflag:s3], $0x1000  }
0x472: {  	s6 =	rddreg [dreg:$0x9]  }
0x473: {  	s28 =	rddreg [dreg:$0x8];
	s6 =	sadd.s32 $0x1, s6  }
0x474: {  	p0 =	sne.s32 s6, s28  }
.Ltmp9:
0x475: {  	_ = 	snop;
	(pc) =	sbr.rel @p0 .LBB2_1-.Ltmp9, $3  }
0x476: {  	_ =	sdelay $0x1  }
0x477: {  	[sflag:s3] =	ssyncset.done $0x0  }
0x478: {  	[sflag:s3] =	ssyncadd.s32 $0xFFFFF000;
	[dreg:$0x9] =	wrdreg s6  }
0x479: {  	_ =	sfence.sel $0x180000  }
0x47a: {  	[bflag:$0x0] =	sbarrier.arrive $0xFFFF  }
0x47b: {  	_ =	strace $0x90000047  }
0x47c: {  	s0 =	stileid.u32;
	[bflag:$0x2] =	sbarrier.arrive $0xFFFF  }
0x47d: {  	p0 =	sne.s32 s0, $0x0;
	s0 =	rddreg [dreg:$0x3]  }
0x47e: {  	s0 =	sadd.s32 @!p0 $0x100000, s0  }
0x47f: {  	[sflag:s0] =	ssyncadd.tile.s32 @!p0 $0x1;
	_ =	shalt  }
.Lfunc_end2:
_tile_overlayer_lowered:
.L_overlay_start_2:
0x480: {  	(tag) =	ssettag $0x2  }
0x481: {  	s0 =	rddreg [dreg:$0x0];
	s2 =	stileid.u32  }
0x482: {  	s1 =	rddreg [dreg:$0x1];
	p0 =	sne.s32 s2, $0x0  }
0x483: {  	s3 =	rddreg [dreg:$0x2];
	[bflag:$0x3] =	sbarrier.arrive $0xFFFF;
	s2 =	simm.s32 @!p0 $0x1C09  }
0x484: {  	[timem:s3], [sflag:s2] =	dma.local @!p0 [hbm:s0], s1  }
0x485: {  	s0 =	simm.s32 @!p0 $0x9  }
0x486: {  	_ =	swait.ge @!p0 [sflag:s0], s1  }
0x487: {  	s1 =	ssub.s32 @!p0 $0x0, s1;
	[sflag:s0] =	ssyncset.done @!p0 $0x0  }
0x488: {  	[sflag:s0] =	ssyncadd.s32 @!p0 s1  }
0x489: {  	[bflag:$0x3] =	sbarrier.arrive $0xFFFF  }
0x48a: {  	_ =	shalt  }

</sc_bundles>
